<compile_context>
chip_gen: v7x
topology: tpu7x:2x2x1
jax: 0.10.2.dev20260603
libtpu: 0.0.44.dev20260713+nightly
codegen_flags: <defaults>
</compile_context>

<pallas_src>
import functools

import jax
import jax.numpy as jnp
from jax import lax
from jax.experimental import pallas as pl
from jax.experimental.pallas import tpu as pltpu
from jax.experimental.pallas import tpu_sc as plsc

N = 10000
E = 320000
D = 128
EPS = 1e-5

NC = 2
NS = 16
NW = NC * NS
EPW = E // NW
K = 80
N_PAD = 10240
TROWS = N_PAD // NS

_MESH = plsc.VectorSubcoreMesh(
    core_axis_name="c", subcore_axis_name="s", num_cores=NC, num_subcores=NS
)


HNI = 8
HK = 128
HF = EPW // HK
HT = EPW - HF * HK


@functools.partial(
    pl.kernel,
    out_type=jax.ShapeDtypeStruct((NC, N_PAD), jnp.float32),
    mesh=_MESH,
    scratch_types=[
        [pltpu.VMEM((HK,), jnp.int32)] * HNI,
        pltpu.VMEM((HT,), jnp.int32),
        pltpu.VMEM((HK,), jnp.float32),
        pltpu.VMEM((TROWS,), jnp.float32),
        pltpu.VMEM_SHARED((N_PAD,), jnp.float32),
        pltpu.SemaphoreType.DMA,
        pltpu.SemaphoreType.DMA,
    ],
)
def _hist_sc(ei_hbm, out_hbm, idx_v, tidx_v, ones_v, zeros_v, hist_sh,
             sem_i, sem_s):
    cid = lax.axis_index("c")
    sid = lax.axis_index("s")
    wid = sid * NC + cid

    def fill_ones(i, _):
        ones_v[pl.ds(i * 16, 16)] = jnp.ones((16,), jnp.float32)
        return 0

    lax.fori_loop(0, HK // 16, fill_ones, 0)

    def fill_zeros(i, _):
        zeros_v[pl.ds(i * 16, 16)] = jnp.zeros((16,), jnp.float32)
        return 0

    lax.fori_loop(0, TROWS // 16, fill_zeros, 0)
    pltpu.sync_copy(zeros_v, hist_sh.at[pl.ds(sid * TROWS, TROWS)])
    plsc.subcore_barrier()

    def drain_one(slot):
        pltpu.make_async_copy(ei_hbm.at[pl.ds(0, HK)], idx_v[slot], sem_s).wait()

    def fire_idx(c, slot):
        pltpu.async_copy(
            ei_hbm.at[pl.ds(E + wid * EPW + c * HK, HK)], idx_v[slot], sem_i
        )

    fire_idx(0, 0)
    fire_idx(1, 1)

    def step(c, u):
        @pl.when(jnp.logical_and(c >= 4, c - 4 <= HF - 1))
        def _():
            drain_one((u - 4) % HNI)

        @pl.when(c + 2 <= HF - 1)
        def _():
            fire_idx(c + 2, (u + 2) % HNI)

        @pl.when(c <= HF - 1)
        def _():
            pltpu.make_async_copy(
                ei_hbm.at[pl.ds(0, HK)], idx_v[u], sem_i
            ).wait()
            pltpu.async_copy(ones_v, hist_sh.at[idx_v[u]], sem_s, add=True)

    def octet(it, _):
        for u in range(HNI):
            step(it * HNI + u, u)
        return 0

    lax.fori_loop(0, (HF + 2 + HNI - 1) // HNI, octet, 0)
    for t in range(HF - 2, HF):
        drain_one(t % HNI)
    pltpu.sync_copy(
        ei_hbm.at[pl.ds(E + wid * EPW + HF * HK, HT)], tidx_v
    )
    pltpu.sync_copy(ones_v.at[pl.ds(0, HT)], hist_sh.at[tidx_v], add=True)
    plsc.subcore_barrier()
    pltpu.sync_copy(
        hist_sh.at[pl.ds(sid * TROWS, TROWS)],
        out_hbm.at[cid, pl.ds(sid * TROWS, TROWS)],
    )


NR = 4
NI = 8
NCH = EPW // K


@functools.partial(
    pl.kernel,
    out_type=jax.ShapeDtypeStruct((NC, N_PAD, D), jnp.float32),
    mesh=_MESH,
    scratch_types=[
        [pltpu.VMEM((K,), jnp.int32)] * NI,
        [pltpu.VMEM((K,), jnp.int32)] * NI,
        [pltpu.VMEM((K, D), jnp.float32)] * NR,
        pltpu.VMEM((32, D), jnp.float32),
        pltpu.VMEM_SHARED((N_PAD, D), jnp.float32),
        pltpu.SemaphoreType.DMA,
        [pltpu.SemaphoreType.DMA] * NR,
        pltpu.SemaphoreType.DMA,
    ],
)
def _segsum_sc(ei_hbm, g_hbm, out_hbm, si_v, di_v, rows_v, zrows_v,
               acc_sh, sem_i, sem_g, sem_s):
    cid = lax.axis_index("c")
    sid = lax.axis_index("s")
    wid = sid * NC + cid
    row0 = sid * TROWS

    def fillz(i, _):
        def fillz16(j, _):
            zrows_v[i, pl.ds(j * 16, 16)] = jnp.zeros((16,), jnp.float32)
            return 0

        lax.fori_loop(0, D // 16, fillz16, 0)
        return 0

    lax.fori_loop(0, 32, fillz, 0)
    zds = [
        pltpu.async_copy(zrows_v, acc_sh.at[pl.ds(row0 + i * 32, 32)], sem_s)
        for i in range(TROWS // 32)
    ]
    for zd in zds:
        zd.wait()

    plsc.subcore_barrier()

    def drain_scatter(r):
        pltpu.make_async_copy(g_hbm.at[pl.ds(0, K)], rows_v[r], sem_s).wait()

    def fire_idx(c, slot):
        base = wid * EPW + c * K
        pltpu.async_copy(ei_hbm.at[pl.ds(base, K)], si_v[slot], sem_i)
        pltpu.async_copy(ei_hbm.at[pl.ds(E + base, K)], di_v[slot], sem_i)

    def wait_idx(slot):
        pltpu.make_async_copy(ei_hbm.at[pl.ds(0, K)], si_v[slot], sem_i).wait()
        pltpu.make_async_copy(ei_hbm.at[pl.ds(0, K)], di_v[slot], sem_i).wait()

    fire_idx(0, 0)
    fire_idx(1, 1)

    UNROLL = NI

    def step(c, u):
        r = u % NR
        @pl.when(jnp.logical_and(c >= NR, c - NR <= NCH - 1))
        def _():
            drain_scatter(r)

        @pl.when(c + 2 <= NCH - 1)
        def _():
            fire_idx(c + 2, (u + 2) % UNROLL)

        @pl.when(c <= NCH - 1)
        def _():
            wait_idx(u)
            pltpu.async_copy(g_hbm.at[si_v[u]], rows_v[r], sem_g[r])

        @pl.when(jnp.logical_and(c >= 2, c - 2 <= NCH - 1))
        def _():
            rp = (u - 2) % NR
            pltpu.make_async_copy(
                g_hbm.at[pl.ds(0, K)], rows_v[rp], sem_g[rp]
            ).wait()
            pltpu.async_copy(
                rows_v[rp], acc_sh.at[di_v[(u - 2) % UNROLL]], sem_s, add=True
            )

    def octet(it, _):
        for u in range(UNROLL):
            step(it * UNROLL + u, u)
        return 0

    lax.fori_loop(0, (NCH + 2 + UNROLL - 1) // UNROLL, octet, 0)
    drain_scatter((NCH - 1) % NR)
    plsc.subcore_barrier()
    pltpu.sync_copy(
        acc_sh.at[pl.ds(row0, TROWS)], out_hbm.at[cid, pl.ds(row0, TROWS)]
    )


def _dis_tc(hist_ref, dis_ref):
    deg = hist_ref[0:1, :] + hist_ref[1:2, :] + 1.0
    dis_ref[...] = lax.rsqrt(deg)


def _g_tc(x_ref, w_ref, dis_ref, g_ref):
    h = jnp.dot(x_ref[...], w_ref[...], preferred_element_type=jnp.float32)
    g_ref[0:N, :] = dis_ref[0:N] * h
    g_ref[N:N_PAD, :] = jnp.zeros((N_PAD - N, D), jnp.float32)


def _final_tc(acc_ref, g_ref, dis_ref, b_ref, gamma_ref, beta_ref, out_ref):
    a = acc_ref[0, 0:N, :] + acc_ref[1, 0:N, :] + g_ref[0:N, :]
    t = dis_ref[0:N] * a + b_ref[...]
    mean = jnp.mean(t, axis=0, keepdims=True)
    var = jnp.mean((t - mean) ** 2, axis=0, keepdims=True)
    o = (t - mean) * lax.rsqrt(var + EPS) * gamma_ref[...] + beta_ref[...]
    out_ref[...] = jnp.maximum(o, 0.0)


def kernel(x, edge_index, W, b, gamma, beta):
    ei_flat = edge_index.reshape(2 * E)
    hist = _hist_sc(ei_flat)
    dis_row = pl.pallas_call(
        _dis_tc, out_shape=jax.ShapeDtypeStruct((1, N_PAD), jnp.float32)
    )(hist)
    dis_col = dis_row.reshape(N_PAD, 1)
    g = pl.pallas_call(
        _g_tc, out_shape=jax.ShapeDtypeStruct((N_PAD, D), jnp.float32)
    )(x, W, dis_col)
    acc = _segsum_sc(ei_flat, g)
    out = pl.pallas_call(
        _final_tc, out_shape=jax.ShapeDtypeStruct((N, D), jnp.float32)
    )(
        acc,
        g,
        dis_col,
        b.reshape(1, D),
        gamma.reshape(1, D),
        beta.reshape(1, D),
    )
    return out

# --- scband reference (transcript-rebuilt; emitter-appended) ---
"""Pipeline reference for scband-gcnlayer-31903017074707 (READ-ONLY COPY).

The authoritative reference and input builder live on the scoring server;
editing this copy changes nothing except your own understanding.
"""

import jax, jax.numpy as jnp
import numpy as np

N = 10000
E = 320000
D_IN = 128
D_OUT = 128
EPS = 1e-5


def setup_inputs(seed: int = 0) -> dict:
    key = jax.random.key(seed)
    k1, k2, k3, k4 = jax.random.split(key, 4)
    x = jax.random.normal(k1, (N, D_IN), dtype=jnp.float32)
    edge_index = jax.random.randint(k2, (2, E), 0, N, dtype=jnp.int32)
    # GCNConv linear weight (glorot-ish) and bias
    W = jax.random.normal(k3, (D_IN, D_OUT), dtype=jnp.float32) * (1.0 / np.sqrt(D_IN))
    b = jnp.zeros((D_OUT,), dtype=jnp.float32)
    # BatchNorm1d affine params
    gamma = jnp.ones((D_OUT,), dtype=jnp.float32)
    beta = jnp.zeros((D_OUT,), dtype=jnp.float32)
    return {"x": x, "edge_index": edge_index, "W": W, "b": b, "gamma": gamma, "beta": beta}


def reference(x, edge_index, W, b, gamma, beta):
    # --- GCNConv: D^{-1/2} (A + I) D^{-1/2} X W + b ---
    src = edge_index[0]
    dst = edge_index[1]
    loop = jnp.arange(N, dtype=src.dtype)
    src = jnp.concatenate([src, loop])
    dst = jnp.concatenate([dst, loop])
    ones = jnp.ones(src.shape[0], dtype=jnp.float32)
    deg = jnp.zeros((N,), dtype=jnp.float32).at[dst].add(ones)
    deg_inv_sqrt = jnp.where(deg > 0, jax.lax.rsqrt(jnp.maximum(deg, 1e-12)), 0.0)
    norm = deg_inv_sqrt[src] * deg_inv_sqrt[dst]
    h = x @ W
    msg = h[src] * norm[:, None]
    out = jax.ops.segment_sum(msg, dst, num_segments=N) + b
    # --- BatchNorm1d (training-mode batch statistics) ---
    mean = jnp.mean(out, axis=0)
    var = jnp.mean((out - mean) ** 2, axis=0)
    out = (out - mean) * jax.lax.rsqrt(var + EPS) * gamma + beta
    # --- ReLU (dropout p=0.0 is identity) ---
    return jnp.maximum(out, 0.0)

if __name__ == "__main__":
    import jax
    _d = setup_inputs()
    print(jax.jit(kernel)(*tuple(_d.values())))

</pallas_src>

<mosaic_0001>
#map = affine_map<(d0, d1) -> (0)>
#map1 = affine_map<(d0, d1) -> (0, 0)>
module attributes {stable_mosaic.version = 14 : i64} {
  func.func @_hist_sc(%arg0: i32, %arg1: i32, %arg2: memref<640000xi32, #tpu.memory_space<hbm>>, %arg3: memref<2x10240xf32, #tpu.memory_space<hbm>>, %arg4: memref<128xi32, #tpu.memory_space<vmem>>, %arg5: memref<128xi32, #tpu.memory_space<vmem>>, %arg6: memref<128xi32, #tpu.memory_space<vmem>>, %arg7: memref<128xi32, #tpu.memory_space<vmem>>, %arg8: memref<128xi32, #tpu.memory_space<vmem>>, %arg9: memref<128xi32, #tpu.memory_space<vmem>>, %arg10: memref<128xi32, #tpu.memory_space<vmem>>, %arg11: memref<128xi32, #tpu.memory_space<vmem>>, %arg12: memref<16xi32, #tpu.memory_space<vmem>>, %arg13: memref<128xf32, #tpu.memory_space<vmem>>, %arg14: memref<640xf32, #tpu.memory_space<vmem>>, %arg15: memref<10240xf32, #tpu.memory_space<vmem_shared>>, %arg16: memref<!tpu.dma_semaphore, #tpu.memory_space<semaphore_mem>>, %arg17: memref<!tpu.dma_semaphore, #tpu.memory_space<semaphore_mem>>) attributes {dimension_semantics = [#tpu.dimension_semantics<core_parallel>, #tpu.dimension_semantics<subcore_parallel>], iteration_bounds = array<i64: 2, 16>, scalar_prefetch = 0 : i64, scratch_operands = 14 : i64, tpu.core_type = #tpu.core_type<sc_vector_subcore>, window_params = [{transform_indices = #map}, {transform_indices = #map1}]} {
    %mul3A = arith.constant 2 : i32
    %mul3A_0 = arith.muli %arg1, %mul3A : i32
    %add3A = arith.addi %mul3A_0, %arg0 : i32
    %scan3A = arith.constant 0 : i32
    %scan3A_1 = arith.constant 0 : i32
    %scan3A_2 = arith.constant 8 : i32
    %scan3A_3 = arith.addi %scan3A_1, %scan3A_2 : i32
    %scan3A_4 = arith.constant 1 : i32
    %scan3A_5 = scf.for %scan3A_56 = %scan3A_1 to %scan3A_3 step %scan3A_4 iter_args(%scan3A_57 = %scan3A) -> (i32)  : i32 {
      %broadcast_in_dim3A = arith.constant 1.000000e+00 : f32
      %broadcast_in_dim3A_58 = vector.broadcast %broadcast_in_dim3A : f32 to vector<16xf32>
      %mul3A_59 = arith.constant 16 : i32
      %mul3A_60 = arith.muli %scan3A_56, %mul3A_59 : i32
      %swap3A = arith.index_cast %mul3A_60 : i32 to index
      %swap3A_61 = tpu.vector_load %arg13[%swap3A] {strides = array<i32>} : memref<128xf32, #tpu.memory_space<vmem>>, vector<16xf32>,
      %swap3A_62 = vector.shape_cast %swap3A_61 : vector<16xf32> to vector<16xf32>
      %swap3A_63 = vector.shape_cast %broadcast_in_dim3A_58 : vector<16xf32> to vector<16xf32>
      tpu.vector_store %arg13[%swap3A], %swap3A_63 {strides = array<i32>} : memref<128xf32, #tpu.memory_space<vmem>>, vector<16xf32>,
      %scan3A_64 = arith.constant 0 : i32
      scf.yield %scan3A_64 : i32
    }
    %scan3A_6 = arith.constant 8 : i32
    %scan3A_7 = arith.constant 0 : i32
    %scan3A_8 = arith.constant 0 : i32
    %scan3A_9 = arith.constant 40 : i32
    %scan3A_10 = arith.addi %scan3A_8, %scan3A_9 : i32
    %scan3A_11 = arith.constant 1 : i32
    %scan3A_12 = scf.for %scan3A_56 = %scan3A_8 to %scan3A_10 step %scan3A_11 iter_args(%scan3A_57 = %scan3A_7) -> (i32)  : i32 {
      %broadcast_in_dim3A = arith.constant 0.000000e+00 : f32
      %broadcast_in_dim3A_58 = vector.broadcast %broadcast_in_dim3A : f32 to vector<16xf32>
      %mul3A_59 = arith.constant 16 : i32
      %mul3A_60 = arith.muli %scan3A_56, %mul3A_59 : i32
      %swap3A = arith.index_cast %mul3A_60 : i32 to index
      %swap3A_61 = tpu.vector_load %arg14[%swap3A] {strides = array<i32>} : memref<640xf32, #tpu.memory_space<vmem>>, vector<16xf32>,
      %swap3A_62 = vector.shape_cast %swap3A_61 : vector<16xf32> to vector<16xf32>
      %swap3A_63 = vector.shape_cast %broadcast_in_dim3A_58 : vector<16xf32> to vector<16xf32>
      tpu.vector_store %arg14[%swap3A], %swap3A_63 {strides = array<i32>} : memref<640xf32, #tpu.memory_space<vmem>>, vector<16xf32>,
      %scan3A_64 = arith.constant 0 : i32
      scf.yield %scan3A_64 : i32
    }
    %scan3A_13 = arith.constant 40 : i32
    %mul3A_14 = arith.constant 640 : i32
    %mul3A_15 = arith.muli %arg1, %mul3A_14 : i32
    "tpu.region"() ({
      %run_scoped3A = tpu.sem_alloc : memref<!tpu.dma_semaphore, #tpu.memory_space<semaphore_mem>>
      %dma_start3A_56 = tpu.memref_slice %arg15[%mul3A_15] : memref<10240xf32, #tpu.memory_space<vmem_shared>> -> memref<640xf32, #tpu.memory_space<vmem_shared>>
      %dma_start3A_57 = tpu.memref_slice %arg15[%mul3A_15] : memref<10240xf32, #tpu.memory_space<vmem_shared>> -> memref<640xf32, #tpu.memory_space<vmem_shared>>
      tpu.enqueue_dma source(%arg14 : memref<640xf32, #tpu.memory_space<vmem>>) target(%dma_start3A_57 : memref<640xf32, #tpu.memory_space<vmem_shared>>) target_semaphore(%run_scoped3A : memref<!tpu.dma_semaphore, #tpu.memory_space<semaphore_mem>>)
      %dma_wait3A_58 = tpu.memref_slice %arg15[%mul3A_15] : memref<10240xf32, #tpu.memory_space<vmem_shared>> -> memref<640xf32, #tpu.memory_space<vmem_shared>>
      %dma_wait3A_59 = tpu.memref_slice %arg15[%mul3A_15] : memref<10240xf32, #tpu.memory_space<vmem_shared>> -> memref<640xf32, #tpu.memory_space<vmem_shared>>
      tpu.wait_dma2 semaphore(%run_scoped3A : memref<!tpu.dma_semaphore, #tpu.memory_space<semaphore_mem>>) src(%arg14 : memref<640xf32, #tpu.memory_space<vmem>>) dst(%dma_wait3A_59 : memref<640xf32, #tpu.memory_space<vmem_shared>>)
      tpu.yield
    }) : () -> ()
    %barrier3A = arith.constant 0 : index
    tpu.barrier barrier_id(%barrier3A)
    %mul3A_16 = arith.constant 10000 : i32
    %mul3A_17 = arith.muli %add3A, %mul3A_16 : i32
    %add3A_18 = arith.constant 320000 : i32
    %add3A_19 = arith.addi %add3A_18, %mul3A_17 : i32
    %add3A_20 = arith.constant 0 : i32
    %add3A_21 = arith.addi %add3A_19, %add3A_20 : i32
    %dma_start3A = tpu.memref_slice %arg2[%add3A_21] : memref<640000xi32, #tpu.memory_space<hbm>> -> memref<128xi32, #tpu.memory_space<hbm>>
    %dma_start3A_22 = tpu.memref_slice %arg2[%add3A_21] : memref<640000xi32, #tpu.memory_space<hbm>> -> memref<128xi32, #tpu.memory_space<hbm>>
    tpu.enqueue_dma source(%dma_start3A_22 : memref<128xi32, #tpu.memory_space<hbm>>) target(%arg4 : memref<128xi32, #tpu.memory_space<vmem>>) target_semaphore(%arg16 : memref<!tpu.dma_semaphore, #tpu.memory_space<semaphore_mem>>)
    %mul3A_23 = arith.constant 10000 : i32
    %mul3A_24 = arith.muli %add3A, %mul3A_23 : i32
    %add3A_25 = arith.constant 320000 : i32
    %add3A_26 = arith.addi %add3A_25, %mul3A_24 : i32
    %add3A_27 = arith.constant 128 : i32
    %add3A_28 = arith.addi %add3A_26, %add3A_27 : i32
    %dma_start3A_29 = tpu.memref_slice %arg2[%add3A_28] : memref<640000xi32, #tpu.memory_space<hbm>> -> memref<128xi32, #tpu.memory_space<hbm>>
    %dma_start3A_30 = tpu.memref_slice %arg2[%add3A_28] : memref<640000xi32, #tpu.memory_space<hbm>> -> memref<128xi32, #tpu.memory_space<hbm>>
    tpu.enqueue_dma source(%dma_start3A_30 : memref<128xi32, #tpu.memory_space<hbm>>) target(%arg5 : memref<128xi32, #tpu.memory_space<vmem>>) target_semaphore(%arg16 : memref<!tpu.dma_semaphore, #tpu.memory_space<semaphore_mem>>)
    %scan3A_31 = arith.constant 0 : i32
    %scan3A_32 = arith.constant 0 : i32
    %scan3A_33 = arith.constant 10 : i32
    %scan3A_34 = arith.addi %scan3A_32, %scan3A_33 : i32
    %scan3A_35 = arith.constant 1 : i32
    %scan3A_36 = scf.for %scan3A_56 = %scan3A_32 to %scan3A_34 step %scan3A_35 iter_args(%scan3A_57 = %scan3A_31) -> (i32)  : i32 {
      %mul3A_58 = arith.constant 8 : i32
      %mul3A_59 = arith.muli %scan3A_56, %mul3A_58 : i32
      %add3A_60 = arith.constant 0 : i32
      %add3A_61 = arith.addi %mul3A_59, %add3A_60 : i32
      %ge3A = arith.constant 4 : i32
      %ge3A_62 = arith.cmpi sge, %add3A_61, %ge3A : i32
      %sub3A = arith.constant 4 : i32
      %sub3A_63 = arith.subi %add3A_61, %sub3A : i32
      %le3A = arith.constant 77 : i32
      %le3A_64 = arith.cmpi sle, %sub3A_63, %le3A : i32
      %and3A = arith.andi %ge3A_62, %le3A_64 : i1
      %convert_element_type3A = arith.extui %and3A : i1 to i32
      %cond3A = arith.constant 0 : i32
      %cond3A_65 = arith.cmpi ne, %convert_element_type3A, %cond3A : i32
      scf.if %cond3A_65 {
        %dma_wait3A_261 = arith.constant 0 : i32
        %dma_wait3A_262 = tpu.memref_slice %arg2[%dma_wait3A_261] : memref<640000xi32, #tpu.memory_space<hbm>> -> memref<128xi32, #tpu.memory_space<hbm>>
        %dma_wait3A_263 = arith.constant 0 : i32
        %dma_wait3A_264 = tpu.memref_slice %arg2[%dma_wait3A_263] : memref<640000xi32, #tpu.memory_space<hbm>> -> memref<128xi32, #tpu.memory_space<hbm>>
        tpu.wait_dma2 semaphore(%arg17 : memref<!tpu.dma_semaphore, #tpu.memory_space<semaphore_mem>>) src(%dma_wait3A_264 : memref<128xi32, #tpu.memory_space<hbm>>) dst(%arg8 : memref<128xi32, #tpu.memory_space<vmem>>)
      } else {
      }
      %add3A_66 = arith.constant 2 : i32
      %add3A_67 = arith.addi %add3A_61, %add3A_66 : i32
      %le3A_68 = arith.constant 77 : i32
      %le3A_69 = arith.cmpi sle, %add3A_67, %le3A_68 : i32
      %convert_element_type3A_70 = arith.extui %le3A_69 : i1 to i32
      %cond3A_71 = arith.constant 0 : i32
      %cond3A_72 = arith.cmpi ne, %convert_element_type3A_70, %cond3A_71 : i32
      scf.if %cond3A_72 {
        %add3A_261 = arith.constant 2 : i32
        %add3A_262 = arith.addi %add3A_61, %add3A_261 : i32
        %mul3A_263 = arith.constant 10000 : i32
        %mul3A_264 = arith.muli %add3A, %mul3A_263 : i32
        %add3A_265 = arith.constant 320000 : i32
        %add3A_266 = arith.addi %add3A_265, %mul3A_264 : i32
        %mul3A_267 = arith.constant 128 : i32
        %mul3A_268 = arith.muli %add3A_262, %mul3A_267 : i32
        %add3A_269 = arith.addi %add3A_266, %mul3A_268 : i32
        %dma_start3A_270 = tpu.memref_slice %arg2[%add3A_269] : memref<640000xi32, #tpu.memory_space<hbm>> -> memref<128xi32, #tpu.memory_space<hbm>>
        %dma_start3A_271 = tpu.memref_slice %arg2[%add3A_269] : memref<640000xi32, #tpu.memory_space<hbm>> -> memref<128xi32, #tpu.memory_space<hbm>>
        tpu.enqueue_dma source(%dma_start3A_271 : memref<128xi32, #tpu.memory_space<hbm>>) target(%arg6 : memref<128xi32, #tpu.memory_space<vmem>>) target_semaphore(%arg16 : memref<!tpu.dma_semaphore, #tpu.memory_space<semaphore_mem>>)
      } else {
      }
      %le3A_73 = arith.constant 77 : i32
      %le3A_74 = arith.cmpi sle, %add3A_61, %le3A_73 : i32
      %convert_element_type3A_75 = arith.extui %le3A_74 : i1 to i32
      %cond3A_76 = arith.constant 0 : i32
      %cond3A_77 = arith.cmpi ne, %convert_element_type3A_75, %cond3A_76 : i32
      scf.if %cond3A_77 {
        %dma_wait3A_261 = arith.constant 0 : i32
        %dma_wait3A_262 = tpu.memref_slice %arg2[%dma_wait3A_261] : memref<640000xi32, #tpu.memory_space<hbm>> -> memref<128xi32, #tpu.memory_space<hbm>>
        %dma_wait3A_263 = arith.constant 0 : i32
        %dma_wait3A_264 = tpu.memref_slice %arg2[%dma_wait3A_263] : memref<640000xi32, #tpu.memory_space<hbm>> -> memref<128xi32, #tpu.memory_space<hbm>>
        tpu.wait_dma2 semaphore(%arg16 : memref<!tpu.dma_semaphore, #tpu.memory_space<semaphore_mem>>) src(%dma_wait3A_264 : memref<128xi32, #tpu.memory_space<hbm>>) dst(%arg4 : memref<128xi32, #tpu.memory_space<vmem>>)
        %dma_start3A_265 = arith.constant 0 : i32
        %dma_start3A_266 = tpu.memref_slice %arg15[%dma_start3A_265] : memref<10240xf32, #tpu.memory_space<vmem_shared>> -> memref<10240xf32, #tpu.memory_space<vmem_shared>>
        tpu.enqueue_indirect_dma source(%arg13 : memref<128xf32, #tpu.memory_space<vmem>>) target(%dma_start3A_266 : memref<10240xf32, #tpu.memory_space<vmem_shared>>) offsets(%arg4 : memref<128xi32, #tpu.memory_space<vmem>>) semaphore(%arg17 : memref<!tpu.dma_semaphore, #tpu.memory_space<semaphore_mem>>) {add = true}
      } else {
      }
      %mul3A_78 = arith.constant 8 : i32
      %mul3A_79 = arith.muli %scan3A_56, %mul3A_78 : i32
      %add3A_80 = arith.constant 1 : i32
      %add3A_81 = arith.addi %mul3A_79, %add3A_80 : i32
      %ge3A_82 = arith.constant 4 : i32
      %ge3A_83 = arith.cmpi sge, %add3A_81, %ge3A_82 : i32
      %sub3A_84 = arith.constant 4 : i32
      %sub3A_85 = arith.subi %add3A_81, %sub3A_84 : i32
      %le3A_86 = arith.constant 77 : i32
      %le3A_87 = arith.cmpi sle, %sub3A_85, %le3A_86 : i32
      %and3A_88 = arith.andi %ge3A_83, %le3A_87 : i1
      %convert_element_type3A_89 = arith.extui %and3A_88 : i1 to i32
      %cond3A_90 = arith.constant 0 : i32
      %cond3A_91 = arith.cmpi ne, %convert_element_type3A_89, %cond3A_90 : i32
      scf.if %cond3A_91 {
        %dma_wait3A_261 = arith.constant 0 : i32
        %dma_wait3A_262 = tpu.memref_slice %arg2[%dma_wait3A_261] : memref<640000xi32, #tpu.memory_space<hbm>> -> memref<128xi32, #tpu.memory_space<hbm>>
        %dma_wait3A_263 = arith.constant 0 : i32
        %dma_wait3A_264 = tpu.memref_slice %arg2[%dma_wait3A_263] : memref<640000xi32, #tpu.memory_space<hbm>> -> memref<128xi32, #tpu.memory_space<hbm>>
        tpu.wait_dma2 semaphore(%arg17 : memref<!tpu.dma_semaphore, #tpu.memory_space<semaphore_mem>>) src(%dma_wait3A_264 : memref<128xi32, #tpu.memory_space<hbm>>) dst(%arg9 : memref<128xi32, #tpu.memory_space<vmem>>)
      } else {
      }
      %add3A_92 = arith.constant 2 : i32
      %add3A_93 = arith.addi %add3A_81, %add3A_92 : i32
      %le3A_94 = arith.constant 77 : i32
      %le3A_95 = arith.cmpi sle, %add3A_93, %le3A_94 : i32
      %convert_element_type3A_96 = arith.extui %le3A_95 : i1 to i32
      %cond3A_97 = arith.constant 0 : i32
      %cond3A_98 = arith.cmpi ne, %convert_element_type3A_96, %cond3A_97 : i32
      scf.if %cond3A_98 {
        %add3A_261 = arith.constant 2 : i32
        %add3A_262 = arith.addi %add3A_81, %add3A_261 : i32
        %mul3A_263 = arith.constant 10000 : i32
        %mul3A_264 = arith.muli %add3A, %mul3A_263 : i32
        %add3A_265 = arith.constant 320000 : i32
        %add3A_266 = arith.addi %add3A_265, %mul3A_264 : i32
        %mul3A_267 = arith.constant 128 : i32
        %mul3A_268 = arith.muli %add3A_262, %mul3A_267 : i32
        %add3A_269 = arith.addi %add3A_266, %mul3A_268 : i32
        %dma_start3A_270 = tpu.memref_slice %arg2[%add3A_269] : memref<640000xi32, #tpu.memory_space<hbm>> -> memref<128xi32, #tpu.memory_space<hbm>>
        %dma_start3A_271 = tpu.memref_slice %arg2[%add3A_269] : memref<640000xi32, #tpu.memory_space<hbm>> -> memref<128xi32, #tpu.memory_space<hbm>>
        tpu.enqueue_dma source(%dma_start3A_271 : memref<128xi32, #tpu.memory_space<hbm>>) target(%arg7 : memref<128xi32, #tpu.memory_space<vmem>>) target_semaphore(%arg16 : memref<!tpu.dma_semaphore, #tpu.memory_space<semaphore_mem>>)
      } else {
      }
      %le3A_99 = arith.constant 77 : i32
      %le3A_100 = arith.cmpi sle, %add3A_81, %le3A_99 : i32
      %convert_element_type3A_101 = arith.extui %le3A_100 : i1 to i32
      %cond3A_102 = arith.constant 0 : i32
      %cond3A_103 = arith.cmpi ne, %convert_element_type3A_101, %cond3A_102 : i32
      scf.if %cond3A_103 {
        %dma_wait3A_261 = arith.constant 0 : i32
        %dma_wait3A_262 = tpu.memref_slice %arg2[%dma_wait3A_261] : memref<640000xi32, #tpu.memory_space<hbm>> -> memref<128xi32, #tpu.memory_space<hbm>>
        %dma_wait3A_263 = arith.constant 0 : i32
        %dma_wait3A_264 = tpu.memref_slice %arg2[%dma_wait3A_263] : memref<640000xi32, #tpu.memory_space<hbm>> -> memref<128xi32, #tpu.memory_space<hbm>>
        tpu.wait_dma2 semaphore(%arg16 : memref<!tpu.dma_semaphore, #tpu.memory_space<semaphore_mem>>) src(%dma_wait3A_264 : memref<128xi32, #tpu.memory_space<hbm>>) dst(%arg5 : memref<128xi32, #tpu.memory_space<vmem>>)
        %dma_start3A_265 = arith.constant 0 : i32
        %dma_start3A_266 = tpu.memref_slice %arg15[%dma_start3A_265] : memref<10240xf32, #tpu.memory_space<vmem_shared>> -> memref<10240xf32, #tpu.memory_space<vmem_shared>>
        tpu.enqueue_indirect_dma source(%arg13 : memref<128xf32, #tpu.memory_space<vmem>>) target(%dma_start3A_266 : memref<10240xf32, #tpu.memory_space<vmem_shared>>) offsets(%arg5 : memref<128xi32, #tpu.memory_space<vmem>>) semaphore(%arg17 : memref<!tpu.dma_semaphore, #tpu.memory_space<semaphore_mem>>) {add = true}
      } else {
      }
      %mul3A_104 = arith.constant 8 : i32
      %mul3A_105 = arith.muli %scan3A_56, %mul3A_104 : i32
      %add3A_106 = arith.constant 2 : i32
      %add3A_107 = arith.addi %mul3A_105, %add3A_106 : i32
      %ge3A_108 = arith.constant 4 : i32
      %ge3A_109 = arith.cmpi sge, %add3A_107, %ge3A_108 : i32
      %sub3A_110 = arith.constant 4 : i32
      %sub3A_111 = arith.subi %add3A_107, %sub3A_110 : i32
      %le3A_112 = arith.constant 77 : i32
      %le3A_113 = arith.cmpi sle, %sub3A_111, %le3A_112 : i32
      %and3A_114 = arith.andi %ge3A_109, %le3A_113 : i1
      %convert_element_type3A_115 = arith.extui %and3A_114 : i1 to i32
      %cond3A_116 = arith.constant 0 : i32
      %cond3A_117 = arith.cmpi ne, %convert_element_type3A_115, %cond3A_116 : i32
      scf.if %cond3A_117 {
        %dma_wait3A_261 = arith.constant 0 : i32
        %dma_wait3A_262 = tpu.memref_slice %arg2[%dma_wait3A_261] : memref<640000xi32, #tpu.memory_space<hbm>> -> memref<128xi32, #tpu.memory_space<hbm>>
        %dma_wait3A_263 = arith.constant 0 : i32
        %dma_wait3A_264 = tpu.memref_slice %arg2[%dma_wait3A_263] : memref<640000xi32, #tpu.memory_space<hbm>> -> memref<128xi32, #tpu.memory_space<hbm>>
        tpu.wait_dma2 semaphore(%arg17 : memref<!tpu.dma_semaphore, #tpu.memory_space<semaphore_mem>>) src(%dma_wait3A_264 : memref<128xi32, #tpu.memory_space<hbm>>) dst(%arg10 : memref<128xi32, #tpu.memory_space<vmem>>)
      } else {
      }
      %add3A_118 = arith.constant 2 : i32
      %add3A_119 = arith.addi %add3A_107, %add3A_118 : i32
      %le3A_120 = arith.constant 77 : i32
      %le3A_121 = arith.cmpi sle, %add3A_119, %le3A_120 : i32
      %convert_element_type3A_122 = arith.extui %le3A_121 : i1 to i32
      %cond3A_123 = arith.constant 0 : i32
      %cond3A_124 = arith.cmpi ne, %convert_element_type3A_122, %cond3A_123 : i32
      scf.if %cond3A_124 {
        %add3A_261 = arith.constant 2 : i32
        %add3A_262 = arith.addi %add3A_107, %add3A_261 : i32
        %mul3A_263 = arith.constant 10000 : i32
        %mul3A_264 = arith.muli %add3A, %mul3A_263 : i32
        %add3A_265 = arith.constant 320000 : i32
        %add3A_266 = arith.addi %add3A_265, %mul3A_264 : i32
        %mul3A_267 = arith.constant 128 : i32
        %mul3A_268 = arith.muli %add3A_262, %mul3A_267 : i32
        %add3A_269 = arith.addi %add3A_266, %mul3A_268 : i32
        %dma_start3A_270 = tpu.memref_slice %arg2[%add3A_269] : memref<640000xi32, #tpu.memory_space<hbm>> -> memref<128xi32, #tpu.memory_space<hbm>>
        %dma_start3A_271 = tpu.memref_slice %arg2[%add3A_269] : memref<640000xi32, #tpu.memory_space<hbm>> -> memref<128xi32, #tpu.memory_space<hbm>>
        tpu.enqueue_dma source(%dma_start3A_271 : memref<128xi32, #tpu.memory_space<hbm>>) target(%arg8 : memref<128xi32, #tpu.memory_space<vmem>>) target_semaphore(%arg16 : memref<!tpu.dma_semaphore, #tpu.memory_space<semaphore_mem>>)
      } else {
      }
      %le3A_125 = arith.constant 77 : i32
      %le3A_126 = arith.cmpi sle, %add3A_107, %le3A_125 : i32
      %convert_element_type3A_127 = arith.extui %le3A_126 : i1 to i32
      %cond3A_128 = arith.constant 0 : i32
      %cond3A_129 = arith.cmpi ne, %convert_element_type3A_127, %cond3A_128 : i32
      scf.if %cond3A_129 {
        %dma_wait3A_261 = arith.constant 0 : i32
        %dma_wait3A_262 = tpu.memref_slice %arg2[%dma_wait3A_261] : memref<640000xi32, #tpu.memory_space<hbm>> -> memref<128xi32, #tpu.memory_space<hbm>>
        %dma_wait3A_263 = arith.constant 0 : i32
        %dma_wait3A_264 = tpu.memref_slice %arg2[%dma_wait3A_263] : memref<640000xi32, #tpu.memory_space<hbm>> -> memref<128xi32, #tpu.memory_space<hbm>>
        tpu.wait_dma2 semaphore(%arg16 : memref<!tpu.dma_semaphore, #tpu.memory_space<semaphore_mem>>) src(%dma_wait3A_264 : memref<128xi32, #tpu.memory_space<hbm>>) dst(%arg6 : memref<128xi32, #tpu.memory_space<vmem>>)
        %dma_start3A_265 = arith.constant 0 : i32
        %dma_start3A_266 = tpu.memref_slice %arg15[%dma_start3A_265] : memref<10240xf32, #tpu.memory_space<vmem_shared>> -> memref<10240xf32, #tpu.memory_space<vmem_shared>>
        tpu.enqueue_indirect_dma source(%arg13 : memref<128xf32, #tpu.memory_space<vmem>>) target(%dma_start3A_266 : memref<10240xf32, #tpu.memory_space<vmem_shared>>) offsets(%arg6 : memref<128xi32, #tpu.memory_space<vmem>>) semaphore(%arg17 : memref<!tpu.dma_semaphore, #tpu.memory_space<semaphore_mem>>) {add = true}
      } else {
      }
      %mul3A_130 = arith.constant 8 : i32
      %mul3A_131 = arith.muli %scan3A_56, %mul3A_130 : i32
      %add3A_132 = arith.constant 3 : i32
      %add3A_133 = arith.addi %mul3A_131, %add3A_132 : i32
      %ge3A_134 = arith.constant 4 : i32
      %ge3A_135 = arith.cmpi sge, %add3A_133, %ge3A_134 : i32
      %sub3A_136 = arith.constant 4 : i32
      %sub3A_137 = arith.subi %add3A_133, %sub3A_136 : i32
      %le3A_138 = arith.constant 77 : i32
      %le3A_139 = arith.cmpi sle, %sub3A_137, %le3A_138 : i32
      %and3A_140 = arith.andi %ge3A_135, %le3A_139 : i1
      %convert_element_type3A_141 = arith.extui %and3A_140 : i1 to i32
      %cond3A_142 = arith.constant 0 : i32
      %cond3A_143 = arith.cmpi ne, %convert_element_type3A_141, %cond3A_142 : i32
      scf.if %cond3A_143 {
        %dma_wait3A_261 = arith.constant 0 : i32
        %dma_wait3A_262 = tpu.memref_slice %arg2[%dma_wait3A_261] : memref<640000xi32, #tpu.memory_space<hbm>> -> memref<128xi32, #tpu.memory_space<hbm>>
        %dma_wait3A_263 = arith.constant 0 : i32
        %dma_wait3A_264 = tpu.memref_slice %arg2[%dma_wait3A_263] : memref<640000xi32, #tpu.memory_space<hbm>> -> memref<128xi32, #tpu.memory_space<hbm>>
        tpu.wait_dma2 semaphore(%arg17 : memref<!tpu.dma_semaphore, #tpu.memory_space<semaphore_mem>>) src(%dma_wait3A_264 : memref<128xi32, #tpu.memory_space<hbm>>) dst(%arg11 : memref<128xi32, #tpu.memory_space<vmem>>)
      } else {
      }
      %add3A_144 = arith.constant 2 : i32
      %add3A_145 = arith.addi %add3A_133, %add3A_144 : i32
      %le3A_146 = arith.constant 77 : i32
      %le3A_147 = arith.cmpi sle, %add3A_145, %le3A_146 : i32
      %convert_element_type3A_148 = arith.extui %le3A_147 : i1 to i32
      %cond3A_149 = arith.constant 0 : i32
      %cond3A_150 = arith.cmpi ne, %convert_element_type3A_148, %cond3A_149 : i32
      scf.if %cond3A_150 {
        %add3A_261 = arith.constant 2 : i32
        %add3A_262 = arith.addi %add3A_133, %add3A_261 : i32
        %mul3A_263 = arith.constant 10000 : i32
        %mul3A_264 = arith.muli %add3A, %mul3A_263 : i32
        %add3A_265 = arith.constant 320000 : i32
        %add3A_266 = arith.addi %add3A_265, %mul3A_264 : i32
        %mul3A_267 = arith.constant 128 : i32
        %mul3A_268 = arith.muli %add3A_262, %mul3A_267 : i32
        %add3A_269 = arith.addi %add3A_266, %mul3A_268 : i32
        %dma_start3A_270 = tpu.memref_slice %arg2[%add3A_269] : memref<640000xi32, #tpu.memory_space<hbm>> -> memref<128xi32, #tpu.memory_space<hbm>>
        %dma_start3A_271 = tpu.memref_slice %arg2[%add3A_269] : memref<640000xi32, #tpu.memory_space<hbm>> -> memref<128xi32, #tpu.memory_space<hbm>>
        tpu.enqueue_dma source(%dma_start3A_271 : memref<128xi32, #tpu.memory_space<hbm>>) target(%arg9 : memref<128xi32, #tpu.memory_space<vmem>>) target_semaphore(%arg16 : memref<!tpu.dma_semaphore, #tpu.memory_space<semaphore_mem>>)
      } else {
      }
      %le3A_151 = arith.constant 77 : i32
      %le3A_152 = arith.cmpi sle, %add3A_133, %le3A_151 : i32
      %convert_element_type3A_153 = arith.extui %le3A_152 : i1 to i32
      %cond3A_154 = arith.constant 0 : i32
      %cond3A_155 = arith.cmpi ne, %convert_element_type3A_153, %cond3A_154 : i32
      scf.if %cond3A_155 {
        %dma_wait3A_261 = arith.constant 0 : i32
        %dma_wait3A_262 = tpu.memref_slice %arg2[%dma_wait3A_261] : memref<640000xi32, #tpu.memory_space<hbm>> -> memref<128xi32, #tpu.memory_space<hbm>>
        %dma_wait3A_263 = arith.constant 0 : i32
        %dma_wait3A_264 = tpu.memref_slice %arg2[%dma_wait3A_263] : memref<640000xi32, #tpu.memory_space<hbm>> -> memref<128xi32, #tpu.memory_space<hbm>>
        tpu.wait_dma2 semaphore(%arg16 : memref<!tpu.dma_semaphore, #tpu.memory_space<semaphore_mem>>) src(%dma_wait3A_264 : memref<128xi32, #tpu.memory_space<hbm>>) dst(%arg7 : memref<128xi32, #tpu.memory_space<vmem>>)
        %dma_start3A_265 = arith.constant 0 : i32
        %dma_start3A_266 = tpu.memref_slice %arg15[%dma_start3A_265] : memref<10240xf32, #tpu.memory_space<vmem_shared>> -> memref<10240xf32, #tpu.memory_space<vmem_shared>>
        tpu.enqueue_indirect_dma source(%arg13 : memref<128xf32, #tpu.memory_space<vmem>>) target(%dma_start3A_266 : memref<10240xf32, #tpu.memory_space<vmem_shared>>) offsets(%arg7 : memref<128xi32, #tpu.memory_space<vmem>>) semaphore(%arg17 : memref<!tpu.dma_semaphore, #tpu.memory_space<semaphore_mem>>) {add = true}
      } else {
      }
      %mul3A_156 = arith.constant 8 : i32
      %mul3A_157 = arith.muli %scan3A_56, %mul3A_156 : i32
      %add3A_158 = arith.constant 4 : i32
      %add3A_159 = arith.addi %mul3A_157, %add3A_158 : i32
      %ge3A_160 = arith.constant 4 : i32
      %ge3A_161 = arith.cmpi sge, %add3A_159, %ge3A_160 : i32
      %sub3A_162 = arith.constant 4 : i32
      %sub3A_163 = arith.subi %add3A_159, %sub3A_162 : i32
      %le3A_164 = arith.constant 77 : i32
      %le3A_165 = arith.cmpi sle, %sub3A_163, %le3A_164 : i32
      %and3A_166 = arith.andi %ge3A_161, %le3A_165 : i1
      %convert_element_type3A_167 = arith.extui %and3A_166 : i1 to i32
      %cond3A_168 = arith.constant 0 : i32
      %cond3A_169 = arith.cmpi ne, %convert_element_type3A_167, %cond3A_168 : i32
      scf.if %cond3A_169 {
        %dma_wait3A_261 = arith.constant 0 : i32
        %dma_wait3A_262 = tpu.memref_slice %arg2[%dma_wait3A_261] : memref<640000xi32, #tpu.memory_space<hbm>> -> memref<128xi32, #tpu.memory_space<hbm>>
        %dma_wait3A_263 = arith.constant 0 : i32
        %dma_wait3A_264 = tpu.memref_slice %arg2[%dma_wait3A_263] : memref<640000xi32, #tpu.memory_space<hbm>> -> memref<128xi32, #tpu.memory_space<hbm>>
        tpu.wait_dma2 semaphore(%arg17 : memref<!tpu.dma_semaphore, #tpu.memory_space<semaphore_mem>>) src(%dma_wait3A_264 : memref<128xi32, #tpu.memory_space<hbm>>) dst(%arg4 : memref<128xi32, #tpu.memory_space<vmem>>)
      } else {
      }
      %add3A_170 = arith.constant 2 : i32
      %add3A_171 = arith.addi %add3A_159, %add3A_170 : i32
      %le3A_172 = arith.constant 77 : i32
      %le3A_173 = arith.cmpi sle, %add3A_171, %le3A_172 : i32
      %convert_element_type3A_174 = arith.extui %le3A_173 : i1 to i32
      %cond3A_175 = arith.constant 0 : i32
      %cond3A_176 = arith.cmpi ne, %convert_element_type3A_174, %cond3A_175 : i32
      scf.if %cond3A_176 {
        %add3A_261 = arith.constant 2 : i32
        %add3A_262 = arith.addi %add3A_159, %add3A_261 : i32
        %mul3A_263 = arith.constant 10000 : i32
        %mul3A_264 = arith.muli %add3A, %mul3A_263 : i32
        %add3A_265 = arith.constant 320000 : i32
        %add3A_266 = arith.addi %add3A_265, %mul3A_264 : i32
        %mul3A_267 = arith.constant 128 : i32
        %mul3A_268 = arith.muli %add3A_262, %mul3A_267 : i32
        %add3A_269 = arith.addi %add3A_266, %mul3A_268 : i32
        %dma_start3A_270 = tpu.memref_slice %arg2[%add3A_269] : memref<640000xi32, #tpu.memory_space<hbm>> -> memref<128xi32, #tpu.memory_space<hbm>>
        %dma_start3A_271 = tpu.memref_slice %arg2[%add3A_269] : memref<640000xi32, #tpu.memory_space<hbm>> -> memref<128xi32, #tpu.memory_space<hbm>>
        tpu.enqueue_dma source(%dma_start3A_271 : memref<128xi32, #tpu.memory_space<hbm>>) target(%arg10 : memref<128xi32, #tpu.memory_space<vmem>>) target_semaphore(%arg16 : memref<!tpu.dma_semaphore, #tpu.memory_space<semaphore_mem>>)
      } else {
      }
      %le3A_177 = arith.constant 77 : i32
      %le3A_178 = arith.cmpi sle, %add3A_159, %le3A_177 : i32
      %convert_element_type3A_179 = arith.extui %le3A_178 : i1 to i32
      %cond3A_180 = arith.constant 0 : i32
      %cond3A_181 = arith.cmpi ne, %convert_element_type3A_179, %cond3A_180 : i32
      scf.if %cond3A_181 {
        %dma_wait3A_261 = arith.constant 0 : i32
        %dma_wait3A_262 = tpu.memref_slice %arg2[%dma_wait3A_261] : memref<640000xi32, #tpu.memory_space<hbm>> -> memref<128xi32, #tpu.memory_space<hbm>>
        %dma_wait3A_263 = arith.constant 0 : i32
        %dma_wait3A_264 = tpu.memref_slice %arg2[%dma_wait3A_263] : memref<640000xi32, #tpu.memory_space<hbm>> -> memref<128xi32, #tpu.memory_space<hbm>>
        tpu.wait_dma2 semaphore(%arg16 : memref<!tpu.dma_semaphore, #tpu.memory_space<semaphore_mem>>) src(%dma_wait3A_264 : memref<128xi32, #tpu.memory_space<hbm>>) dst(%arg8 : memref<128xi32, #tpu.memory_space<vmem>>)
        %dma_start3A_265 = arith.constant 0 : i32
        %dma_start3A_266 = tpu.memref_slice %arg15[%dma_start3A_265] : memref<10240xf32, #tpu.memory_space<vmem_shared>> -> memref<10240xf32, #tpu.memory_space<vmem_shared>>
        tpu.enqueue_indirect_dma source(%arg13 : memref<128xf32, #tpu.memory_space<vmem>>) target(%dma_start3A_266 : memref<10240xf32, #tpu.memory_space<vmem_shared>>) offsets(%arg8 : memref<128xi32, #tpu.memory_space<vmem>>) semaphore(%arg17 : memref<!tpu.dma_semaphore, #tpu.memory_space<semaphore_mem>>) {add = true}
      } else {
      }
      %mul3A_182 = arith.constant 8 : i32
      %mul3A_183 = arith.muli %scan3A_56, %mul3A_182 : i32
      %add3A_184 = arith.constant 5 : i32
      %add3A_185 = arith.addi %mul3A_183, %add3A_184 : i32
      %ge3A_186 = arith.constant 4 : i32
      %ge3A_187 = arith.cmpi sge, %add3A_185, %ge3A_186 : i32
      %sub3A_188 = arith.constant 4 : i32
      %sub3A_189 = arith.subi %add3A_185, %sub3A_188 : i32
      %le3A_190 = arith.constant 77 : i32
      %le3A_191 = arith.cmpi sle, %sub3A_189, %le3A_190 : i32
      %and3A_192 = arith.andi %ge3A_187, %le3A_191 : i1
      %convert_element_type3A_193 = arith.extui %and3A_192 : i1 to i32
      %cond3A_194 = arith.constant 0 : i32
      %cond3A_195 = arith.cmpi ne, %convert_element_type3A_193, %cond3A_194 : i32
      scf.if %cond3A_195 {
        %dma_wait3A_261 = arith.constant 0 : i32
        %dma_wait3A_262 = tpu.memref_slice %arg2[%dma_wait3A_261] : memref<640000xi32, #tpu.memory_space<hbm>> -> memref<128xi32, #tpu.memory_space<hbm>>
        %dma_wait3A_263 = arith.constant 0 : i32
        %dma_wait3A_264 = tpu.memref_slice %arg2[%dma_wait3A_263] : memref<640000xi32, #tpu.memory_space<hbm>> -> memref<128xi32, #tpu.memory_space<hbm>>
        tpu.wait_dma2 semaphore(%arg17 : memref<!tpu.dma_semaphore, #tpu.memory_space<semaphore_mem>>) src(%dma_wait3A_264 : memref<128xi32, #tpu.memory_space<hbm>>) dst(%arg5 : memref<128xi32, #tpu.memory_space<vmem>>)
      } else {
      }
      %add3A_196 = arith.constant 2 : i32
      %add3A_197 = arith.addi %add3A_185, %add3A_196 : i32
      %le3A_198 = arith.constant 77 : i32
      %le3A_199 = arith.cmpi sle, %add3A_197, %le3A_198 : i32
      %convert_element_type3A_200 = arith.extui %le3A_199 : i1 to i32
      %cond3A_201 = arith.constant 0 : i32
      %cond3A_202 = arith.cmpi ne, %convert_element_type3A_200, %cond3A_201 : i32
      scf.if %cond3A_202 {
        %add3A_261 = arith.constant 2 : i32
        %add3A_262 = arith.addi %add3A_185, %add3A_261 : i32
        %mul3A_263 = arith.constant 10000 : i32
        %mul3A_264 = arith.muli %add3A, %mul3A_263 : i32
        %add3A_265 = arith.constant 320000 : i32
        %add3A_266 = arith.addi %add3A_265, %mul3A_264 : i32
        %mul3A_267 = arith.constant 128 : i32
        %mul3A_268 = arith.muli %add3A_262, %mul3A_267 : i32
        %add3A_269 = arith.addi %add3A_266, %mul3A_268 : i32
        %dma_start3A_270 = tpu.memref_slice %arg2[%add3A_269] : memref<640000xi32, #tpu.memory_space<hbm>> -> memref<128xi32, #tpu.memory_space<hbm>>
        %dma_start3A_271 = tpu.memref_slice %arg2[%add3A_269] : memref<640000xi32, #tpu.memory_space<hbm>> -> memref<128xi32, #tpu.memory_space<hbm>>
        tpu.enqueue_dma source(%dma_start3A_271 : memref<128xi32, #tpu.memory_space<hbm>>) target(%arg11 : memref<128xi32, #tpu.memory_space<vmem>>) target_semaphore(%arg16 : memref<!tpu.dma_semaphore, #tpu.memory_space<semaphore_mem>>)
      } else {
      }
      %le3A_203 = arith.constant 77 : i32
      %le3A_204 = arith.cmpi sle, %add3A_185, %le3A_203 : i32
      %convert_element_type3A_205 = arith.extui %le3A_204 : i1 to i32
      %cond3A_206 = arith.constant 0 : i32
      %cond3A_207 = arith.cmpi ne, %convert_element_type3A_205, %cond3A_206 : i32
      scf.if %cond3A_207 {
        %dma_wait3A_261 = arith.constant 0 : i32
        %dma_wait3A_262 = tpu.memref_slice %arg2[%dma_wait3A_261] : memref<640000xi32, #tpu.memory_space<hbm>> -> memref<128xi32, #tpu.memory_space<hbm>>
        %dma_wait3A_263 = arith.constant 0 : i32
        %dma_wait3A_264 = tpu.memref_slice %arg2[%dma_wait3A_263] : memref<640000xi32, #tpu.memory_space<hbm>> -> memref<128xi32, #tpu.memory_space<hbm>>
        tpu.wait_dma2 semaphore(%arg16 : memref<!tpu.dma_semaphore, #tpu.memory_space<semaphore_mem>>) src(%dma_wait3A_264 : memref<128xi32, #tpu.memory_space<hbm>>) dst(%arg9 : memref<128xi32, #tpu.memory_space<vmem>>)
        %dma_start3A_265 = arith.constant 0 : i32
        %dma_start3A_266 = tpu.memref_slice %arg15[%dma_start3A_265] : memref<10240xf32, #tpu.memory_space<vmem_shared>> -> memref<10240xf32, #tpu.memory_space<vmem_shared>>
        tpu.enqueue_indirect_dma source(%arg13 : memref<128xf32, #tpu.memory_space<vmem>>) target(%dma_start3A_266 : memref<10240xf32, #tpu.memory_space<vmem_shared>>) offsets(%arg9 : memref<128xi32, #tpu.memory_space<vmem>>) semaphore(%arg17 : memref<!tpu.dma_semaphore, #tpu.memory_space<semaphore_mem>>) {add = true}
      } else {
      }
      %mul3A_208 = arith.constant 8 : i32
      %mul3A_209 = arith.muli %scan3A_56, %mul3A_208 : i32
      %add3A_210 = arith.constant 6 : i32
      %add3A_211 = arith.addi %mul3A_209, %add3A_210 : i32
      %ge3A_212 = arith.constant 4 : i32
      %ge3A_213 = arith.cmpi sge, %add3A_211, %ge3A_212 : i32
      %sub3A_214 = arith.constant 4 : i32
      %sub3A_215 = arith.subi %add3A_211, %sub3A_214 : i32
      %le3A_216 = arith.constant 77 : i32
      %le3A_217 = arith.cmpi sle, %sub3A_215, %le3A_216 : i32
      %and3A_218 = arith.andi %ge3A_213, %le3A_217 : i1
      %convert_element_type3A_219 = arith.extui %and3A_218 : i1 to i32
      %cond3A_220 = arith.constant 0 : i32
      %cond3A_221 = arith.cmpi ne, %convert_element_type3A_219, %cond3A_220 : i32
      scf.if %cond3A_221 {
        %dma_wait3A_261 = arith.constant 0 : i32
        %dma_wait3A_262 = tpu.memref_slice %arg2[%dma_wait3A_261] : memref<640000xi32, #tpu.memory_space<hbm>> -> memref<128xi32, #tpu.memory_space<hbm>>
        %dma_wait3A_263 = arith.constant 0 : i32
        %dma_wait3A_264 = tpu.memref_slice %arg2[%dma_wait3A_263] : memref<640000xi32, #tpu.memory_space<hbm>> -> memref<128xi32, #tpu.memory_space<hbm>>
        tpu.wait_dma2 semaphore(%arg17 : memref<!tpu.dma_semaphore, #tpu.memory_space<semaphore_mem>>) src(%dma_wait3A_264 : memref<128xi32, #tpu.memory_space<hbm>>) dst(%arg6 : memref<128xi32, #tpu.memory_space<vmem>>)
      } else {
      }
      %add3A_222 = arith.constant 2 : i32
      %add3A_223 = arith.addi %add3A_211, %add3A_222 : i32
      %le3A_224 = arith.constant 77 : i32
      %le3A_225 = arith.cmpi sle, %add3A_223, %le3A_224 : i32
      %convert_element_type3A_226 = arith.extui %le3A_225 : i1 to i32
      %cond3A_227 = arith.constant 0 : i32
      %cond3A_228 = arith.cmpi ne, %convert_element_type3A_226, %cond3A_227 : i32
      scf.if %cond3A_228 {
        %add3A_261 = arith.constant 2 : i32
        %add3A_262 = arith.addi %add3A_211, %add3A_261 : i32
        %mul3A_263 = arith.constant 10000 : i32
        %mul3A_264 = arith.muli %add3A, %mul3A_263 : i32
        %add3A_265 = arith.constant 320000 : i32
        %add3A_266 = arith.addi %add3A_265, %mul3A_264 : i32
        %mul3A_267 = arith.constant 128 : i32
        %mul3A_268 = arith.muli %add3A_262, %mul3A_267 : i32
        %add3A_269 = arith.addi %add3A_266, %mul3A_268 : i32
        %dma_start3A_270 = tpu.memref_slice %arg2[%add3A_269] : memref<640000xi32, #tpu.memory_space<hbm>> -> memref<128xi32, #tpu.memory_space<hbm>>
        %dma_start3A_271 = tpu.memref_slice %arg2[%add3A_269] : memref<640000xi32, #tpu.memory_space<hbm>> -> memref<128xi32, #tpu.memory_space<hbm>>
        tpu.enqueue_dma source(%dma_start3A_271 : memref<128xi32, #tpu.memory_space<hbm>>) target(%arg4 : memref<128xi32, #tpu.memory_space<vmem>>) target_semaphore(%arg16 : memref<!tpu.dma_semaphore, #tpu.memory_space<semaphore_mem>>)
      } else {
      }
      %le3A_229 = arith.constant 77 : i32
      %le3A_230 = arith.cmpi sle, %add3A_211, %le3A_229 : i32
      %convert_element_type3A_231 = arith.extui %le3A_230 : i1 to i32
      %cond3A_232 = arith.constant 0 : i32
      %cond3A_233 = arith.cmpi ne, %convert_element_type3A_231, %cond3A_232 : i32
      scf.if %cond3A_233 {
        %dma_wait3A_261 = arith.constant 0 : i32
        %dma_wait3A_262 = tpu.memref_slice %arg2[%dma_wait3A_261] : memref<640000xi32, #tpu.memory_space<hbm>> -> memref<128xi32, #tpu.memory_space<hbm>>
        %dma_wait3A_263 = arith.constant 0 : i32
        %dma_wait3A_264 = tpu.memref_slice %arg2[%dma_wait3A_263] : memref<640000xi32, #tpu.memory_space<hbm>> -> memref<128xi32, #tpu.memory_space<hbm>>
        tpu.wait_dma2 semaphore(%arg16 : memref<!tpu.dma_semaphore, #tpu.memory_space<semaphore_mem>>) src(%dma_wait3A_264 : memref<128xi32, #tpu.memory_space<hbm>>) dst(%arg10 : memref<128xi32, #tpu.memory_space<vmem>>)
        %dma_start3A_265 = arith.constant 0 : i32
        %dma_start3A_266 = tpu.memref_slice %arg15[%dma_start3A_265] : memref<10240xf32, #tpu.memory_space<vmem_shared>> -> memref<10240xf32, #tpu.memory_space<vmem_shared>>
        tpu.enqueue_indirect_dma source(%arg13 : memref<128xf32, #tpu.memory_space<vmem>>) target(%dma_start3A_266 : memref<10240xf32, #tpu.memory_space<vmem_shared>>) offsets(%arg10 : memref<128xi32, #tpu.memory_space<vmem>>) semaphore(%arg17 : memref<!tpu.dma_semaphore, #tpu.memory_space<semaphore_mem>>) {add = true}
      } else {
      }
      %mul3A_234 = arith.constant 8 : i32
      %mul3A_235 = arith.muli %scan3A_56, %mul3A_234 : i32
      %add3A_236 = arith.constant 7 : i32
      %add3A_237 = arith.addi %mul3A_235, %add3A_236 : i32
      %ge3A_238 = arith.constant 4 : i32
      %ge3A_239 = arith.cmpi sge, %add3A_237, %ge3A_238 : i32
      %sub3A_240 = arith.constant 4 : i32
      %sub3A_241 = arith.subi %add3A_237, %sub3A_240 : i32
      %le3A_242 = arith.constant 77 : i32
      %le3A_243 = arith.cmpi sle, %sub3A_241, %le3A_242 : i32
      %and3A_244 = arith.andi %ge3A_239, %le3A_243 : i1
      %convert_element_type3A_245 = arith.extui %and3A_244 : i1 to i32
      %cond3A_246 = arith.constant 0 : i32
      %cond3A_247 = arith.cmpi ne, %convert_element_type3A_245, %cond3A_246 : i32
      scf.if %cond3A_247 {
        %dma_wait3A_261 = arith.constant 0 : i32
        %dma_wait3A_262 = tpu.memref_slice %arg2[%dma_wait3A_261] : memref<640000xi32, #tpu.memory_space<hbm>> -> memref<128xi32, #tpu.memory_space<hbm>>
        %dma_wait3A_263 = arith.constant 0 : i32
        %dma_wait3A_264 = tpu.memref_slice %arg2[%dma_wait3A_263] : memref<640000xi32, #tpu.memory_space<hbm>> -> memref<128xi32, #tpu.memory_space<hbm>>
        tpu.wait_dma2 semaphore(%arg17 : memref<!tpu.dma_semaphore, #tpu.memory_space<semaphore_mem>>) src(%dma_wait3A_264 : memref<128xi32, #tpu.memory_space<hbm>>) dst(%arg7 : memref<128xi32, #tpu.memory_space<vmem>>)
      } else {
      }
      %add3A_248 = arith.constant 2 : i32
      %add3A_249 = arith.addi %add3A_237, %add3A_248 : i32
      %le3A_250 = arith.constant 77 : i32
      %le3A_251 = arith.cmpi sle, %add3A_249, %le3A_250 : i32
      %convert_element_type3A_252 = arith.extui %le3A_251 : i1 to i32
      %cond3A_253 = arith.constant 0 : i32
      %cond3A_254 = arith.cmpi ne, %convert_element_type3A_252, %cond3A_253 : i32
      scf.if %cond3A_254 {
        %add3A_261 = arith.constant 2 : i32
        %add3A_262 = arith.addi %add3A_237, %add3A_261 : i32
        %mul3A_263 = arith.constant 10000 : i32
        %mul3A_264 = arith.muli %add3A, %mul3A_263 : i32
        %add3A_265 = arith.constant 320000 : i32
        %add3A_266 = arith.addi %add3A_265, %mul3A_264 : i32
        %mul3A_267 = arith.constant 128 : i32
        %mul3A_268 = arith.muli %add3A_262, %mul3A_267 : i32
        %add3A_269 = arith.addi %add3A_266, %mul3A_268 : i32
        %dma_start3A_270 = tpu.memref_slice %arg2[%add3A_269] : memref<640000xi32, #tpu.memory_space<hbm>> -> memref<128xi32, #tpu.memory_space<hbm>>
        %dma_start3A_271 = tpu.memref_slice %arg2[%add3A_269] : memref<640000xi32, #tpu.memory_space<hbm>> -> memref<128xi32, #tpu.memory_space<hbm>>
        tpu.enqueue_dma source(%dma_start3A_271 : memref<128xi32, #tpu.memory_space<hbm>>) target(%arg5 : memref<128xi32, #tpu.memory_space<vmem>>) target_semaphore(%arg16 : memref<!tpu.dma_semaphore, #tpu.memory_space<semaphore_mem>>)
      } else {
      }
      %le3A_255 = arith.constant 77 : i32
      %le3A_256 = arith.cmpi sle, %add3A_237, %le3A_255 : i32
      %convert_element_type3A_257 = arith.extui %le3A_256 : i1 to i32
      %cond3A_258 = arith.constant 0 : i32
      %cond3A_259 = arith.cmpi ne, %convert_element_type3A_257, %cond3A_258 : i32
      scf.if %cond3A_259 {
        %dma_wait3A_261 = arith.constant 0 : i32
        %dma_wait3A_262 = tpu.memref_slice %arg2[%dma_wait3A_261] : memref<640000xi32, #tpu.memory_space<hbm>> -> memref<128xi32, #tpu.memory_space<hbm>>
        %dma_wait3A_263 = arith.constant 0 : i32
        %dma_wait3A_264 = tpu.memref_slice %arg2[%dma_wait3A_263] : memref<640000xi32, #tpu.memory_space<hbm>> -> memref<128xi32, #tpu.memory_space<hbm>>
        tpu.wait_dma2 semaphore(%arg16 : memref<!tpu.dma_semaphore, #tpu.memory_space<semaphore_mem>>) src(%dma_wait3A_264 : memref<128xi32, #tpu.memory_space<hbm>>) dst(%arg11 : memref<128xi32, #tpu.memory_space<vmem>>)
        %dma_start3A_265 = arith.constant 0 : i32
        %dma_start3A_266 = tpu.memref_slice %arg15[%dma_start3A_265] : memref<10240xf32, #tpu.memory_space<vmem_shared>> -> memref<10240xf32, #tpu.memory_space<vmem_shared>>
        tpu.enqueue_indirect_dma source(%arg13 : memref<128xf32, #tpu.memory_space<vmem>>) target(%dma_start3A_266 : memref<10240xf32, #tpu.memory_space<vmem_shared>>) offsets(%arg11 : memref<128xi32, #tpu.memory_space<vmem>>) semaphore(%arg17 : memref<!tpu.dma_semaphore, #tpu.memory_space<semaphore_mem>>) {add = true}
      } else {
      }
      %scan3A_260 = arith.constant 0 : i32
      scf.yield %scan3A_260 : i32
    }
    %scan3A_37 = arith.constant 10 : i32
    %dma_wait3A = arith.constant 0 : i32
    %dma_wait3A_38 = tpu.memref_slice %arg2[%dma_wait3A] : memref<640000xi32, #tpu.memory_space<hbm>> -> memref<128xi32, #tpu.memory_space<hbm>>
    %dma_wait3A_39 = arith.constant 0 : i32
    %dma_wait3A_40 = tpu.memref_slice %arg2[%dma_wait3A_39] : memref<640000xi32, #tpu.memory_space<hbm>> -> memref<128xi32, #tpu.memory_space<hbm>>
    tpu.wait_dma2 semaphore(%arg17 : memref<!tpu.dma_semaphore, #tpu.memory_space<semaphore_mem>>) src(%dma_wait3A_40 : memref<128xi32, #tpu.memory_space<hbm>>) dst(%arg8 : memref<128xi32, #tpu.memory_space<vmem>>)
    %dma_wait3A_41 = arith.constant 0 : i32
    %dma_wait3A_42 = tpu.memref_slice %arg2[%dma_wait3A_41] : memref<640000xi32, #tpu.memory_space<hbm>> -> memref<128xi32, #tpu.memory_space<hbm>>
    %dma_wait3A_43 = arith.constant 0 : i32
    %dma_wait3A_44 = tpu.memref_slice %arg2[%dma_wait3A_43] : memref<640000xi32, #tpu.memory_space<hbm>> -> memref<128xi32, #tpu.memory_space<hbm>>
    tpu.wait_dma2 semaphore(%arg17 : memref<!tpu.dma_semaphore, #tpu.memory_space<semaphore_mem>>) src(%dma_wait3A_44 : memref<128xi32, #tpu.memory_space<hbm>>) dst(%arg9 : memref<128xi32, #tpu.memory_space<vmem>>)
    %mul3A_45 = arith.constant 10000 : i32
    %mul3A_46 = arith.muli %add3A, %mul3A_45 : i32
    %add3A_47 = arith.constant 320000 : i32
    %add3A_48 = arith.addi %add3A_47, %mul3A_46 : i32
    %add3A_49 = arith.constant 9984 : i32
    %add3A_50 = arith.addi %add3A_48, %add3A_49 : i32
    "tpu.region"() ({
      %run_scoped3A = tpu.sem_alloc : memref<!tpu.dma_semaphore, #tpu.memory_space<semaphore_mem>>
      %dma_start3A_56 = tpu.memref_slice %arg2[%add3A_50] : memref<640000xi32, #tpu.memory_space<hbm>> -> memref<16xi32, #tpu.memory_space<hbm>>
      %dma_start3A_57 = tpu.memref_slice %arg2[%add3A_50] : memref<640000xi32, #tpu.memory_space<hbm>> -> memref<16xi32, #tpu.memory_space<hbm>>
      tpu.enqueue_dma source(%dma_start3A_57 : memref<16xi32, #tpu.memory_space<hbm>>) target(%arg12 : memref<16xi32, #tpu.memory_space<vmem>>) target_semaphore(%run_scoped3A : memref<!tpu.dma_semaphore, #tpu.memory_space<semaphore_mem>>)
      %dma_wait3A_58 = tpu.memref_slice %arg2[%add3A_50] : memref<640000xi32, #tpu.memory_space<hbm>> -> memref<16xi32, #tpu.memory_space<hbm>>
      %dma_wait3A_59 = tpu.memref_slice %arg2[%add3A_50] : memref<640000xi32, #tpu.memory_space<hbm>> -> memref<16xi32, #tpu.memory_space<hbm>>
      tpu.wait_dma2 semaphore(%run_scoped3A : memref<!tpu.dma_semaphore, #tpu.memory_space<semaphore_mem>>) src(%dma_wait3A_59 : memref<16xi32, #tpu.memory_space<hbm>>) dst(%arg12 : memref<16xi32, #tpu.memory_space<vmem>>)
      tpu.yield
    }) : () -> ()
    "tpu.region"() ({
      %run_scoped3A = tpu.sem_alloc : memref<!tpu.dma_semaphore, #tpu.memory_space<semaphore_mem>>
      %dma_start3A_56 = arith.constant 0 : i32
      %dma_start3A_57 = tpu.memref_slice %arg13[%dma_start3A_56] : memref<128xf32, #tpu.memory_space<vmem>> -> memref<16xf32, #tpu.memory_space<vmem>>
      %dma_start3A_58 = arith.constant 0 : i32
      %dma_start3A_59 = tpu.memref_slice %arg15[%dma_start3A_58] : memref<10240xf32, #tpu.memory_space<vmem_shared>> -> memref<10240xf32, #tpu.memory_space<vmem_shared>>
      tpu.enqueue_indirect_dma source(%dma_start3A_57 : memref<16xf32, #tpu.memory_space<vmem>>) target(%dma_start3A_59 : memref<10240xf32, #tpu.memory_space<vmem_shared>>) offsets(%arg12 : memref<16xi32, #tpu.memory_space<vmem>>) semaphore(%run_scoped3A : memref<!tpu.dma_semaphore, #tpu.memory_space<semaphore_mem>>) {add = true}
      %dma_wait3A_60 = arith.constant 0 : i32
      %dma_wait3A_61 = tpu.memref_slice %arg13[%dma_wait3A_60] : memref<128xf32, #tpu.memory_space<vmem>> -> memref<16xf32, #tpu.memory_space<vmem>>
      %dma_wait3A_62 = arith.constant 0 : i32
      %dma_wait3A_63 = tpu.memref_slice %arg15[%dma_wait3A_62] : memref<10240xf32, #tpu.memory_space<vmem_shared>> -> memref<10240xf32, #tpu.memory_space<vmem_shared>>
      tpu.wait_indirect_dma semaphore(%run_scoped3A : memref<!tpu.dma_semaphore, #tpu.memory_space<semaphore_mem>>) src(%dma_wait3A_61 : memref<16xf32, #tpu.memory_space<vmem>>) dst(%dma_wait3A_63 : memref<10240xf32, #tpu.memory_space<vmem_shared>>)
      tpu.yield
    }) : () -> ()
    %barrier3A_51 = arith.constant 0 : index
    tpu.barrier barrier_id(%barrier3A_51)
    %mul3A_52 = arith.constant 640 : i32
    %mul3A_53 = arith.muli %arg1, %mul3A_52 : i32
    %mul3A_54 = arith.constant 640 : i32
    %mul3A_55 = arith.muli %arg1, %mul3A_54 : i32
    "tpu.region"() ({
      %run_scoped3A = tpu.sem_alloc : memref<!tpu.dma_semaphore, #tpu.memory_space<semaphore_mem>>
      %dma_start3A_56 = tpu.memref_slice %arg3[%arg0, %mul3A_55] : memref<2x10240xf32, #tpu.memory_space<hbm>> -> memref<1x640xf32, #tpu.memory_space<hbm>>
      %dma_start3A_57 = tpu.memref_squeeze %dma_start3A_56 : memref<1x640xf32, #tpu.memory_space<hbm>> -> memref<640xf32, #tpu.memory_space<hbm>>
      %dma_start3A_58 = tpu.memref_slice %arg15[%mul3A_53] : memref<10240xf32, #tpu.memory_space<vmem_shared>> -> memref<640xf32, #tpu.memory_space<vmem_shared>>
      tpu.enqueue_dma source(%dma_start3A_58 : memref<640xf32, #tpu.memory_space<vmem_shared>>) target(%dma_start3A_57 : memref<640xf32, #tpu.memory_space<hbm>>) target_semaphore(%run_scoped3A : memref<!tpu.dma_semaphore, #tpu.memory_space<semaphore_mem>>)
      %dma_wait3A_59 = tpu.memref_slice %arg3[%arg0, %mul3A_55] : memref<2x10240xf32, #tpu.memory_space<hbm>> -> memref<1x640xf32, #tpu.memory_space<hbm>>
      %dma_wait3A_60 = tpu.memref_squeeze %dma_wait3A_59 : memref<1x640xf32, #tpu.memory_space<hbm>> -> memref<640xf32, #tpu.memory_space<hbm>>
      %dma_wait3A_61 = tpu.memref_slice %arg15[%mul3A_53] : memref<10240xf32, #tpu.memory_space<vmem_shared>> -> memref<640xf32, #tpu.memory_space<vmem_shared>>
      tpu.wait_dma2 semaphore(%run_scoped3A : memref<!tpu.dma_semaphore, #tpu.memory_space<semaphore_mem>>) src(%dma_wait3A_61 : memref<640xf32, #tpu.memory_space<vmem_shared>>) dst(%dma_wait3A_60 : memref<640xf32, #tpu.memory_space<hbm>>)
      tpu.yield
    }) : () -> ()
    return
  }
}

#map = affine_map<(d0, d1) -> (0)>
#map1 = affine_map<(d0, d1) -> (0, 0)>
#map2 = affine_map<(d0, d1) -> (0, 0, 0)>
module attributes {stable_mosaic.version = 14 : i64} {
  func.func @_segsum_sc(%arg0: i32, %arg1: i32, %arg2: memref<640000xi32, #tpu.memory_space<hbm>>, %arg3: memref<10240x128xf32, #tpu.memory_space<hbm>>, %arg4: memref<2x10240x128xf32, #tpu.memory_space<hbm>>, %arg5: memref<80xi32, #tpu.memory_space<vmem>>, %arg6: memref<80xi32, #tpu.memory_space<vmem>>, %arg7: memref<80xi32, #tpu.memory_space<vmem>>, %arg8: memref<80xi32, #tpu.memory_space<vmem>>, %arg9: memref<80xi32, #tpu.memory_space<vmem>>, %arg10: memref<80xi32, #tpu.memory_space<vmem>>, %arg11: memref<80xi32, #tpu.memory_space<vmem>>, %arg12: memref<80xi32, #tpu.memory_space<vmem>>, %arg13: memref<80xi32, #tpu.memory_space<vmem>>, %arg14: memref<80xi32, #tpu.memory_space<vmem>>, %arg15: memref<80xi32, #tpu.memory_space<vmem>>, %arg16: memref<80xi32, #tpu.memory_space<vmem>>, %arg17: memref<80xi32, #tpu.memory_space<vmem>>, %arg18: memref<80xi32, #tpu.memory_space<vmem>>, %arg19: memref<80xi32, #tpu.memory_space<vmem>>, %arg20: memref<80xi32, #tpu.memory_space<vmem>>, %arg21: memref<80x128xf32, #tpu.memory_space<vmem>>, %arg22: memref<80x128xf32, #tpu.memory_space<vmem>>, %arg23: memref<80x128xf32, #tpu.memory_space<vmem>>, %arg24: memref<80x128xf32, #tpu.memory_space<vmem>>, %arg25: memref<32x128xf32, #tpu.memory_space<vmem>>, %arg26: memref<10240x128xf32, #tpu.memory_space<vmem_shared>>, %arg27: memref<!tpu.dma_semaphore, #tpu.memory_space<semaphore_mem>>, %arg28: memref<!tpu.dma_semaphore, #tpu.memory_space<semaphore_mem>>, %arg29: memref<!tpu.dma_semaphore, #tpu.memory_space<semaphore_mem>>, %arg30: memref<!tpu.dma_semaphore, #tpu.memory_space<semaphore_mem>>, %arg31: memref<!tpu.dma_semaphore, #tpu.memory_space<semaphore_mem>>, %arg32: memref<!tpu.dma_semaphore, #tpu.memory_space<semaphore_mem>>) attributes {dimension_semantics = [#tpu.dimension_semantics<core_parallel>, #tpu.dimension_semantics<subcore_parallel>], iteration_bounds = array<i64: 2, 16>, scalar_prefetch = 0 : i64, scratch_operands = 28 : i64, tpu.core_type = #tpu.core_type<sc_vector_subcore>, window_params = [{transform_indices = #map}, {transform_indices = #map1}, {transform_indices = #map2}]} {
    %mul3A = arith.constant 2 : i32
    %mul3A_0 = arith.muli %arg1, %mul3A : i32
    %add3A = arith.addi %mul3A_0, %arg0 : i32
    %mul3A_1 = arith.constant 640 : i32
    %mul3A_2 = arith.muli %arg1, %mul3A_1 : i32
    %scan3A = arith.constant 0 : i32
    %scan3A_3 = arith.constant 0 : i32
    %scan3A_4 = arith.constant 32 : i32
    %scan3A_5 = arith.addi %scan3A_3, %scan3A_4 : i32
    %scan3A_6 = arith.constant 1 : i32
    %scan3A_7 = scf.for %scan3A_241 = %scan3A_3 to %scan3A_5 step %scan3A_6 iter_args(%scan3A_242 = %scan3A) -> (i32)  : i32 {
      %scan3A_243 = arith.constant 0 : i32
      %scan3A_244 = arith.constant 0 : i32
      %scan3A_245 = arith.constant 8 : i32
      %scan3A_246 = arith.addi %scan3A_244, %scan3A_245 : i32
      %scan3A_247 = arith.constant 1 : i32
      %scan3A_248 = scf.for %scan3A_251 = %scan3A_244 to %scan3A_246 step %scan3A_247 iter_args(%scan3A_252 = %scan3A_243) -> (i32)  : i32 {
        %broadcast_in_dim3A = arith.constant 0.000000e+00 : f32
        %broadcast_in_dim3A_253 = vector.broadcast %broadcast_in_dim3A : f32 to vector<16xf32>
        %mul3A_254 = arith.constant 16 : i32
        %mul3A_255 = arith.muli %scan3A_251, %mul3A_254 : i32
        %swap3A = arith.index_cast %scan3A_241 : i32 to index
        %swap3A_256 = arith.index_cast %mul3A_255 : i32 to index
        %swap3A_257 = tpu.vector_load %arg25[%swap3A, %swap3A_256] {strides = array<i32>} : memref<32x128xf32, #tpu.memory_space<vmem>>, vector<1x16xf32>,
        %swap3A_258 = vector.shape_cast %swap3A_257 : vector<1x16xf32> to vector<16xf32>
        %swap3A_259 = vector.shape_cast %broadcast_in_dim3A_253 : vector<16xf32> to vector<1x16xf32>
        tpu.vector_store %arg25[%swap3A, %swap3A_256], %swap3A_259 {strides = array<i32>} : memref<32x128xf32, #tpu.memory_space<vmem>>, vector<1x16xf32>,
        %scan3A_260 = arith.constant 0 : i32
        scf.yield %scan3A_260 : i32
      }
      %scan3A_249 = arith.constant 8 : i32
      %scan3A_250 = arith.constant 0 : i32
      scf.yield %scan3A_250 : i32
    }
    %scan3A_8 = arith.constant 32 : i32
    %add3A_9 = arith.constant 0 : i32
    %add3A_10 = arith.addi %mul3A_2, %add3A_9 : i32
    %dma_start3A = arith.constant 0 : i32
    %dma_start3A_11 = tpu.memref_slice %arg26[%add3A_10, %dma_start3A] : memref<10240x128xf32, #tpu.memory_space<vmem_shared>> -> memref<32x128xf32, #tpu.memory_space<vmem_shared>>
    %dma_start3A_12 = arith.constant 0 : i32
    %dma_start3A_13 = tpu.memref_slice %arg26[%add3A_10, %dma_start3A_12] : memref<10240x128xf32, #tpu.memory_space<vmem_shared>> -> memref<32x128xf32, #tpu.memory_space<vmem_shared>>
    tpu.enqueue_dma source(%arg25 : memref<32x128xf32, #tpu.memory_space<vmem>>) target(%dma_start3A_13 : memref<32x128xf32, #tpu.memory_space<vmem_shared>>) target_semaphore(%arg32 : memref<!tpu.dma_semaphore, #tpu.memory_space<semaphore_mem>>)
    %add3A_14 = arith.constant 32 : i32
    %add3A_15 = arith.addi %mul3A_2, %add3A_14 : i32
    %dma_start3A_16 = arith.constant 0 : i32
    %dma_start3A_17 = tpu.memref_slice %arg26[%add3A_15, %dma_start3A_16] : memref<10240x128xf32, #tpu.memory_space<vmem_shared>> -> memref<32x128xf32, #tpu.memory_space<vmem_shared>>
    %dma_start3A_18 = arith.constant 0 : i32
    %dma_start3A_19 = tpu.memref_slice %arg26[%add3A_15, %dma_start3A_18] : memref<10240x128xf32, #tpu.memory_space<vmem_shared>> -> memref<32x128xf32, #tpu.memory_space<vmem_shared>>
    tpu.enqueue_dma source(%arg25 : memref<32x128xf32, #tpu.memory_space<vmem>>) target(%dma_start3A_19 : memref<32x128xf32, #tpu.memory_space<vmem_shared>>) target_semaphore(%arg32 : memref<!tpu.dma_semaphore, #tpu.memory_space<semaphore_mem>>)
    %add3A_20 = arith.constant 64 : i32
    %add3A_21 = arith.addi %mul3A_2, %add3A_20 : i32
    %dma_start3A_22 = arith.constant 0 : i32
    %dma_start3A_23 = tpu.memref_slice %arg26[%add3A_21, %dma_start3A_22] : memref<10240x128xf32, #tpu.memory_space<vmem_shared>> -> memref<32x128xf32, #tpu.memory_space<vmem_shared>>
    %dma_start3A_24 = arith.constant 0 : i32
    %dma_start3A_25 = tpu.memref_slice %arg26[%add3A_21, %dma_start3A_24] : memref<10240x128xf32, #tpu.memory_space<vmem_shared>> -> memref<32x128xf32, #tpu.memory_space<vmem_shared>>
    tpu.enqueue_dma source(%arg25 : memref<32x128xf32, #tpu.memory_space<vmem>>) target(%dma_start3A_25 : memref<32x128xf32, #tpu.memory_space<vmem_shared>>) target_semaphore(%arg32 : memref<!tpu.dma_semaphore, #tpu.memory_space<semaphore_mem>>)
    %add3A_26 = arith.constant 96 : i32
    %add3A_27 = arith.addi %mul3A_2, %add3A_26 : i32
    %dma_start3A_28 = arith.constant 0 : i32
    %dma_start3A_29 = tpu.memref_slice %arg26[%add3A_27, %dma_start3A_28] : memref<10240x128xf32, #tpu.memory_space<vmem_shared>> -> memref<32x128xf32, #tpu.memory_space<vmem_shared>>
    %dma_start3A_30 = arith.constant 0 : i32
    %dma_start3A_31 = tpu.memref_slice %arg26[%add3A_27, %dma_start3A_30] : memref<10240x128xf32, #tpu.memory_space<vmem_shared>> -> memref<32x128xf32, #tpu.memory_space<vmem_shared>>
    tpu.enqueue_dma source(%arg25 : memref<32x128xf32, #tpu.memory_space<vmem>>) target(%dma_start3A_31 : memref<32x128xf32, #tpu.memory_space<vmem_shared>>) target_semaphore(%arg32 : memref<!tpu.dma_semaphore, #tpu.memory_space<semaphore_mem>>)
    %add3A_32 = arith.constant 128 : i32
    %add3A_33 = arith.addi %mul3A_2, %add3A_32 : i32
    %dma_start3A_34 = arith.constant 0 : i32
    %dma_start3A_35 = tpu.memref_slice %arg26[%add3A_33, %dma_start3A_34] : memref<10240x128xf32, #tpu.memory_space<vmem_shared>> -> memref<32x128xf32, #tpu.memory_space<vmem_shared>>
    %dma_start3A_36 = arith.constant 0 : i32
    %dma_start3A_37 = tpu.memref_slice %arg26[%add3A_33, %dma_start3A_36] : memref<10240x128xf32, #tpu.memory_space<vmem_shared>> -> memref<32x128xf32, #tpu.memory_space<vmem_shared>>
    tpu.enqueue_dma source(%arg25 : memref<32x128xf32, #tpu.memory_space<vmem>>) target(%dma_start3A_37 : memref<32x128xf32, #tpu.memory_space<vmem_shared>>) target_semaphore(%arg32 : memref<!tpu.dma_semaphore, #tpu.memory_space<semaphore_mem>>)
    %add3A_38 = arith.constant 160 : i32
    %add3A_39 = arith.addi %mul3A_2, %add3A_38 : i32
    %dma_start3A_40 = arith.constant 0 : i32
    %dma_start3A_41 = tpu.memref_slice %arg26[%add3A_39, %dma_start3A_40] : memref<10240x128xf32, #tpu.memory_space<vmem_shared>> -> memref<32x128xf32, #tpu.memory_space<vmem_shared>>
    %dma_start3A_42 = arith.constant 0 : i32
    %dma_start3A_43 = tpu.memref_slice %arg26[%add3A_39, %dma_start3A_42] : memref<10240x128xf32, #tpu.memory_space<vmem_shared>> -> memref<32x128xf32, #tpu.memory_space<vmem_shared>>
    tpu.enqueue_dma source(%arg25 : memref<32x128xf32, #tpu.memory_space<vmem>>) target(%dma_start3A_43 : memref<32x128xf32, #tpu.memory_space<vmem_shared>>) target_semaphore(%arg32 : memref<!tpu.dma_semaphore, #tpu.memory_space<semaphore_mem>>)
    %add3A_44 = arith.constant 192 : i32
    %add3A_45 = arith.addi %mul3A_2, %add3A_44 : i32
    %dma_start3A_46 = arith.constant 0 : i32
    %dma_start3A_47 = tpu.memref_slice %arg26[%add3A_45, %dma_start3A_46] : memref<10240x128xf32, #tpu.memory_space<vmem_shared>> -> memref<32x128xf32, #tpu.memory_space<vmem_shared>>
    %dma_start3A_48 = arith.constant 0 : i32
    %dma_start3A_49 = tpu.memref_slice %arg26[%add3A_45, %dma_start3A_48] : memref<10240x128xf32, #tpu.memory_space<vmem_shared>> -> memref<32x128xf32, #tpu.memory_space<vmem_shared>>
    tpu.enqueue_dma source(%arg25 : memref<32x128xf32, #tpu.memory_space<vmem>>) target(%dma_start3A_49 : memref<32x128xf32, #tpu.memory_space<vmem_shared>>) target_semaphore(%arg32 : memref<!tpu.dma_semaphore, #tpu.memory_space<semaphore_mem>>)
    %add3A_50 = arith.constant 224 : i32
    %add3A_51 = arith.addi %mul3A_2, %add3A_50 : i32
    %dma_start3A_52 = arith.constant 0 : i32
    %dma_start3A_53 = tpu.memref_slice %arg26[%add3A_51, %dma_start3A_52] : memref<10240x128xf32, #tpu.memory_space<vmem_shared>> -> memref<32x128xf32, #tpu.memory_space<vmem_shared>>
    %dma_start3A_54 = arith.constant 0 : i32
    %dma_start3A_55 = tpu.memref_slice %arg26[%add3A_51, %dma_start3A_54] : memref<10240x128xf32, #tpu.memory_space<vmem_shared>> -> memref<32x128xf32, #tpu.memory_space<vmem_shared>>
    tpu.enqueue_dma source(%arg25 : memref<32x128xf32, #tpu.memory_space<vmem>>) target(%dma_start3A_55 : memref<32x128xf32, #tpu.memory_space<vmem_shared>>) target_semaphore(%arg32 : memref<!tpu.dma_semaphore, #tpu.memory_space<semaphore_mem>>)
    %add3A_56 = arith.constant 256 : i32
    %add3A_57 = arith.addi %mul3A_2, %add3A_56 : i32
    %dma_start3A_58 = arith.constant 0 : i32
    %dma_start3A_59 = tpu.memref_slice %arg26[%add3A_57, %dma_start3A_58] : memref<10240x128xf32, #tpu.memory_space<vmem_shared>> -> memref<32x128xf32, #tpu.memory_space<vmem_shared>>
    %dma_start3A_60 = arith.constant 0 : i32
    %dma_start3A_61 = tpu.memref_slice %arg26[%add3A_57, %dma_start3A_60] : memref<10240x128xf32, #tpu.memory_space<vmem_shared>> -> memref<32x128xf32, #tpu.memory_space<vmem_shared>>
    tpu.enqueue_dma source(%arg25 : memref<32x128xf32, #tpu.memory_space<vmem>>) target(%dma_start3A_61 : memref<32x128xf32, #tpu.memory_space<vmem_shared>>) target_semaphore(%arg32 : memref<!tpu.dma_semaphore, #tpu.memory_space<semaphore_mem>>)
    %add3A_62 = arith.constant 288 : i32
    %add3A_63 = arith.addi %mul3A_2, %add3A_62 : i32
    %dma_start3A_64 = arith.constant 0 : i32
    %dma_start3A_65 = tpu.memref_slice %arg26[%add3A_63, %dma_start3A_64] : memref<10240x128xf32, #tpu.memory_space<vmem_shared>> -> memref<32x128xf32, #tpu.memory_space<vmem_shared>>
    %dma_start3A_66 = arith.constant 0 : i32
    %dma_start3A_67 = tpu.memref_slice %arg26[%add3A_63, %dma_start3A_66] : memref<10240x128xf32, #tpu.memory_space<vmem_shared>> -> memref<32x128xf32, #tpu.memory_space<vmem_shared>>
    tpu.enqueue_dma source(%arg25 : memref<32x128xf32, #tpu.memory_space<vmem>>) target(%dma_start3A_67 : memref<32x128xf32, #tpu.memory_space<vmem_shared>>) target_semaphore(%arg32 : memref<!tpu.dma_semaphore, #tpu.memory_space<semaphore_mem>>)
    %add3A_68 = arith.constant 320 : i32
    %add3A_69 = arith.addi %mul3A_2, %add3A_68 : i32
    %dma_start3A_70 = arith.constant 0 : i32
    %dma_start3A_71 = tpu.memref_slice %arg26[%add3A_69, %dma_start3A_70] : memref<10240x128xf32, #tpu.memory_space<vmem_shared>> -> memref<32x128xf32, #tpu.memory_space<vmem_shared>>
    %dma_start3A_72 = arith.constant 0 : i32
    %dma_start3A_73 = tpu.memref_slice %arg26[%add3A_69, %dma_start3A_72] : memref<10240x128xf32, #tpu.memory_space<vmem_shared>> -> memref<32x128xf32, #tpu.memory_space<vmem_shared>>
    tpu.enqueue_dma source(%arg25 : memref<32x128xf32, #tpu.memory_space<vmem>>) target(%dma_start3A_73 : memref<32x128xf32, #tpu.memory_space<vmem_shared>>) target_semaphore(%arg32 : memref<!tpu.dma_semaphore, #tpu.memory_space<semaphore_mem>>)
    %add3A_74 = arith.constant 352 : i32
    %add3A_75 = arith.addi %mul3A_2, %add3A_74 : i32
    %dma_start3A_76 = arith.constant 0 : i32
    %dma_start3A_77 = tpu.memref_slice %arg26[%add3A_75, %dma_start3A_76] : memref<10240x128xf32, #tpu.memory_space<vmem_shared>> -> memref<32x128xf32, #tpu.memory_space<vmem_shared>>
    %dma_start3A_78 = arith.constant 0 : i32
    %dma_start3A_79 = tpu.memref_slice %arg26[%add3A_75, %dma_start3A_78] : memref<10240x128xf32, #tpu.memory_space<vmem_shared>> -> memref<32x128xf32, #tpu.memory_space<vmem_shared>>
    tpu.enqueue_dma source(%arg25 : memref<32x128xf32, #tpu.memory_space<vmem>>) target(%dma_start3A_79 : memref<32x128xf32, #tpu.memory_space<vmem_shared>>) target_semaphore(%arg32 : memref<!tpu.dma_semaphore, #tpu.memory_space<semaphore_mem>>)
    %add3A_80 = arith.constant 384 : i32
    %add3A_81 = arith.addi %mul3A_2, %add3A_80 : i32
    %dma_start3A_82 = arith.constant 0 : i32
    %dma_start3A_83 = tpu.memref_slice %arg26[%add3A_81, %dma_start3A_82] : memref<10240x128xf32, #tpu.memory_space<vmem_shared>> -> memref<32x128xf32, #tpu.memory_space<vmem_shared>>
    %dma_start3A_84 = arith.constant 0 : i32
    %dma_start3A_85 = tpu.memref_slice %arg26[%add3A_81, %dma_start3A_84] : memref<10240x128xf32, #tpu.memory_space<vmem_shared>> -> memref<32x128xf32, #tpu.memory_space<vmem_shared>>
    tpu.enqueue_dma source(%arg25 : memref<32x128xf32, #tpu.memory_space<vmem>>) target(%dma_start3A_85 : memref<32x128xf32, #tpu.memory_space<vmem_shared>>) target_semaphore(%arg32 : memref<!tpu.dma_semaphore, #tpu.memory_space<semaphore_mem>>)
    %add3A_86 = arith.constant 416 : i32
    %add3A_87 = arith.addi %mul3A_2, %add3A_86 : i32
    %dma_start3A_88 = arith.constant 0 : i32
    %dma_start3A_89 = tpu.memref_slice %arg26[%add3A_87, %dma_start3A_88] : memref<10240x128xf32, #tpu.memory_space<vmem_shared>> -> memref<32x128xf32, #tpu.memory_space<vmem_shared>>
    %dma_start3A_90 = arith.constant 0 : i32
    %dma_start3A_91 = tpu.memref_slice %arg26[%add3A_87, %dma_start3A_90] : memref<10240x128xf32, #tpu.memory_space<vmem_shared>> -> memref<32x128xf32, #tpu.memory_space<vmem_shared>>
    tpu.enqueue_dma source(%arg25 : memref<32x128xf32, #tpu.memory_space<vmem>>) target(%dma_start3A_91 : memref<32x128xf32, #tpu.memory_space<vmem_shared>>) target_semaphore(%arg32 : memref<!tpu.dma_semaphore, #tpu.memory_space<semaphore_mem>>)
    %add3A_92 = arith.constant 448 : i32
    %add3A_93 = arith.addi %mul3A_2, %add3A_92 : i32
    %dma_start3A_94 = arith.constant 0 : i32
    %dma_start3A_95 = tpu.memref_slice %arg26[%add3A_93, %dma_start3A_94] : memref<10240x128xf32, #tpu.memory_space<vmem_shared>> -> memref<32x128xf32, #tpu.memory_space<vmem_shared>>
    %dma_start3A_96 = arith.constant 0 : i32
    %dma_start3A_97 = tpu.memref_slice %arg26[%add3A_93, %dma_start3A_96] : memref<10240x128xf32, #tpu.memory_space<vmem_shared>> -> memref<32x128xf32, #tpu.memory_space<vmem_shared>>
    tpu.enqueue_dma source(%arg25 : memref<32x128xf32, #tpu.memory_space<vmem>>) target(%dma_start3A_97 : memref<32x128xf32, #tpu.memory_space<vmem_shared>>) target_semaphore(%arg32 : memref<!tpu.dma_semaphore, #tpu.memory_space<semaphore_mem>>)
    %add3A_98 = arith.constant 480 : i32
    %add3A_99 = arith.addi %mul3A_2, %add3A_98 : i32
    %dma_start3A_100 = arith.constant 0 : i32
    %dma_start3A_101 = tpu.memref_slice %arg26[%add3A_99, %dma_start3A_100] : memref<10240x128xf32, #tpu.memory_space<vmem_shared>> -> memref<32x128xf32, #tpu.memory_space<vmem_shared>>
    %dma_start3A_102 = arith.constant 0 : i32
    %dma_start3A_103 = tpu.memref_slice %arg26[%add3A_99, %dma_start3A_102] : memref<10240x128xf32, #tpu.memory_space<vmem_shared>> -> memref<32x128xf32, #tpu.memory_space<vmem_shared>>
    tpu.enqueue_dma source(%arg25 : memref<32x128xf32, #tpu.memory_space<vmem>>) target(%dma_start3A_103 : memref<32x128xf32, #tpu.memory_space<vmem_shared>>) target_semaphore(%arg32 : memref<!tpu.dma_semaphore, #tpu.memory_space<semaphore_mem>>)
    %add3A_104 = arith.constant 512 : i32
    %add3A_105 = arith.addi %mul3A_2, %add3A_104 : i32
    %dma_start3A_106 = arith.constant 0 : i32
    %dma_start3A_107 = tpu.memref_slice %arg26[%add3A_105, %dma_start3A_106] : memref<10240x128xf32, #tpu.memory_space<vmem_shared>> -> memref<32x128xf32, #tpu.memory_space<vmem_shared>>
    %dma_start3A_108 = arith.constant 0 : i32
    %dma_start3A_109 = tpu.memref_slice %arg26[%add3A_105, %dma_start3A_108] : memref<10240x128xf32, #tpu.memory_space<vmem_shared>> -> memref<32x128xf32, #tpu.memory_space<vmem_shared>>
    tpu.enqueue_dma source(%arg25 : memref<32x128xf32, #tpu.memory_space<vmem>>) target(%dma_start3A_109 : memref<32x128xf32, #tpu.memory_space<vmem_shared>>) target_semaphore(%arg32 : memref<!tpu.dma_semaphore, #tpu.memory_space<semaphore_mem>>)
    %add3A_110 = arith.constant 544 : i32
    %add3A_111 = arith.addi %mul3A_2, %add3A_110 : i32
    %dma_start3A_112 = arith.constant 0 : i32
    %dma_start3A_113 = tpu.memref_slice %arg26[%add3A_111, %dma_start3A_112] : memref<10240x128xf32, #tpu.memory_space<vmem_shared>> -> memref<32x128xf32, #tpu.memory_space<vmem_shared>>
    %dma_start3A_114 = arith.constant 0 : i32
    %dma_start3A_115 = tpu.memref_slice %arg26[%add3A_111, %dma_start3A_114] : memref<10240x128xf32, #tpu.memory_space<vmem_shared>> -> memref<32x128xf32, #tpu.memory_space<vmem_shared>>
    tpu.enqueue_dma source(%arg25 : memref<32x128xf32, #tpu.memory_space<vmem>>) target(%dma_start3A_115 : memref<32x128xf32, #tpu.memory_space<vmem_shared>>) target_semaphore(%arg32 : memref<!tpu.dma_semaphore, #tpu.memory_space<semaphore_mem>>)
    %add3A_116 = arith.constant 576 : i32
    %add3A_117 = arith.addi %mul3A_2, %add3A_116 : i32
    %dma_start3A_118 = arith.constant 0 : i32
    %dma_start3A_119 = tpu.memref_slice %arg26[%add3A_117, %dma_start3A_118] : memref<10240x128xf32, #tpu.memory_space<vmem_shared>> -> memref<32x128xf32, #tpu.memory_space<vmem_shared>>
    %dma_start3A_120 = arith.constant 0 : i32
    %dma_start3A_121 = tpu.memref_slice %arg26[%add3A_117, %dma_start3A_120] : memref<10240x128xf32, #tpu.memory_space<vmem_shared>> -> memref<32x128xf32, #tpu.memory_space<vmem_shared>>
    tpu.enqueue_dma source(%arg25 : memref<32x128xf32, #tpu.memory_space<vmem>>) target(%dma_start3A_121 : memref<32x128xf32, #tpu.memory_space<vmem_shared>>) target_semaphore(%arg32 : memref<!tpu.dma_semaphore, #tpu.memory_space<semaphore_mem>>)
    %add3A_122 = arith.constant 608 : i32
    %add3A_123 = arith.addi %mul3A_2, %add3A_122 : i32
    %dma_start3A_124 = arith.constant 0 : i32
    %dma_start3A_125 = tpu.memref_slice %arg26[%add3A_123, %dma_start3A_124] : memref<10240x128xf32, #tpu.memory_space<vmem_shared>> -> memref<32x128xf32, #tpu.memory_space<vmem_shared>>
    %dma_start3A_126 = arith.constant 0 : i32
    %dma_start3A_127 = tpu.memref_slice %arg26[%add3A_123, %dma_start3A_126] : memref<10240x128xf32, #tpu.memory_space<vmem_shared>> -> memref<32x128xf32, #tpu.memory_space<vmem_shared>>
    tpu.enqueue_dma source(%arg25 : memref<32x128xf32, #tpu.memory_space<vmem>>) target(%dma_start3A_127 : memref<32x128xf32, #tpu.memory_space<vmem_shared>>) target_semaphore(%arg32 : memref<!tpu.dma_semaphore, #tpu.memory_space<semaphore_mem>>)
    %dma_wait3A = arith.constant 0 : i32
    %dma_wait3A_128 = tpu.memref_slice %arg26[%add3A_10, %dma_wait3A] : memref<10240x128xf32, #tpu.memory_space<vmem_shared>> -> memref<32x128xf32, #tpu.memory_space<vmem_shared>>
    %dma_wait3A_129 = arith.constant 0 : i32
    %dma_wait3A_130 = tpu.memref_slice %arg26[%add3A_10, %dma_wait3A_129] : memref<10240x128xf32, #tpu.memory_space<vmem_shared>> -> memref<32x128xf32, #tpu.memory_space<vmem_shared>>
    tpu.wait_dma2 semaphore(%arg32 : memref<!tpu.dma_semaphore, #tpu.memory_space<semaphore_mem>>) src(%arg25 : memref<32x128xf32, #tpu.memory_space<vmem>>) dst(%dma_wait3A_130 : memref<32x128xf32, #tpu.memory_space<vmem_shared>>)
    %dma_wait3A_131 = arith.constant 0 : i32
    %dma_wait3A_132 = tpu.memref_slice %arg26[%add3A_15, %dma_wait3A_131] : memref<10240x128xf32, #tpu.memory_space<vmem_shared>> -> memref<32x128xf32, #tpu.memory_space<vmem_shared>>
    %dma_wait3A_133 = arith.constant 0 : i32
    %dma_wait3A_134 = tpu.memref_slice %arg26[%add3A_15, %dma_wait3A_133] : memref<10240x128xf32, #tpu.memory_space<vmem_shared>> -> memref<32x128xf32, #tpu.memory_space<vmem_shared>>
    tpu.wait_dma2 semaphore(%arg32 : memref<!tpu.dma_semaphore, #tpu.memory_space<semaphore_mem>>) src(%arg25 : memref<32x128xf32, #tpu.memory_space<vmem>>) dst(%dma_wait3A_134 : memref<32x128xf32, #tpu.memory_space<vmem_shared>>)
    %dma_wait3A_135 = arith.constant 0 : i32
    %dma_wait3A_136 = tpu.memref_slice %arg26[%add3A_21, %dma_wait3A_135] : memref<10240x128xf32, #tpu.memory_space<vmem_shared>> -> memref<32x128xf32, #tpu.memory_space<vmem_shared>>
    %dma_wait3A_137 = arith.constant 0 : i32
    %dma_wait3A_138 = tpu.memref_slice %arg26[%add3A_21, %dma_wait3A_137] : memref<10240x128xf32, #tpu.memory_space<vmem_shared>> -> memref<32x128xf32, #tpu.memory_space<vmem_shared>>
    tpu.wait_dma2 semaphore(%arg32 : memref<!tpu.dma_semaphore, #tpu.memory_space<semaphore_mem>>) src(%arg25 : memref<32x128xf32, #tpu.memory_space<vmem>>) dst(%dma_wait3A_138 : memref<32x128xf32, #tpu.memory_space<vmem_shared>>)
    %dma_wait3A_139 = arith.constant 0 : i32
    %dma_wait3A_140 = tpu.memref_slice %arg26[%add3A_27, %dma_wait3A_139] : memref<10240x128xf32, #tpu.memory_space<vmem_shared>> -> memref<32x128xf32, #tpu.memory_space<vmem_shared>>
    %dma_wait3A_141 = arith.constant 0 : i32
    %dma_wait3A_142 = tpu.memref_slice %arg26[%add3A_27, %dma_wait3A_141] : memref<10240x128xf32, #tpu.memory_space<vmem_shared>> -> memref<32x128xf32, #tpu.memory_space<vmem_shared>>
    tpu.wait_dma2 semaphore(%arg32 : memref<!tpu.dma_semaphore, #tpu.memory_space<semaphore_mem>>) src(%arg25 : memref<32x128xf32, #tpu.memory_space<vmem>>) dst(%dma_wait3A_142 : memref<32x128xf32, #tpu.memory_space<vmem_shared>>)
    %dma_wait3A_143 = arith.constant 0 : i32
    %dma_wait3A_144 = tpu.memref_slice %arg26[%add3A_33, %dma_wait3A_143] : memref<10240x128xf32, #tpu.memory_space<vmem_shared>> -> memref<32x128xf32, #tpu.memory_space<vmem_shared>>
    %dma_wait3A_145 = arith.constant 0 : i32
    %dma_wait3A_146 = tpu.memref_slice %arg26[%add3A_33, %dma_wait3A_145] : memref<10240x128xf32, #tpu.memory_space<vmem_shared>> -> memref<32x128xf32, #tpu.memory_space<vmem_shared>>
    tpu.wait_dma2 semaphore(%arg32 : memref<!tpu.dma_semaphore, #tpu.memory_space<semaphore_mem>>) src(%arg25 : memref<32x128xf32, #tpu.memory_space<vmem>>) dst(%dma_wait3A_146 : memref<32x128xf32, #tpu.memory_space<vmem_shared>>)
    %dma_wait3A_147 = arith.constant 0 : i32
    %dma_wait3A_148 = tpu.memref_slice %arg26[%add3A_39, %dma_wait3A_147] : memref<10240x128xf32, #tpu.memory_space<vmem_shared>> -> memref<32x128xf32, #tpu.memory_space<vmem_shared>>
    %dma_wait3A_149 = arith.constant 0 : i32
    %dma_wait3A_150 = tpu.memref_slice %arg26[%add3A_39, %dma_wait3A_149] : memref<10240x128xf32, #tpu.memory_space<vmem_shared>> -> memref<32x128xf32, #tpu.memory_space<vmem_shared>>
    tpu.wait_dma2 semaphore(%arg32 : memref<!tpu.dma_semaphore, #tpu.memory_space<semaphore_mem>>) src(%arg25 : memref<32x128xf32, #tpu.memory_space<vmem>>) dst(%dma_wait3A_150 : memref<32x128xf32, #tpu.memory_space<vmem_shared>>)
    %dma_wait3A_151 = arith.constant 0 : i32
    %dma_wait3A_152 = tpu.memref_slice %arg26[%add3A_45, %dma_wait3A_151] : memref<10240x128xf32, #tpu.memory_space<vmem_shared>> -> memref<32x128xf32, #tpu.memory_space<vmem_shared>>
    %dma_wait3A_153 = arith.constant 0 : i32
    %dma_wait3A_154 = tpu.memref_slice %arg26[%add3A_45, %dma_wait3A_153] : memref<10240x128xf32, #tpu.memory_space<vmem_shared>> -> memref<32x128xf32, #tpu.memory_space<vmem_shared>>
    tpu.wait_dma2 semaphore(%arg32 : memref<!tpu.dma_semaphore, #tpu.memory_space<semaphore_mem>>) src(%arg25 : memref<32x128xf32, #tpu.memory_space<vmem>>) dst(%dma_wait3A_154 : memref<32x128xf32, #tpu.memory_space<vmem_shared>>)
    %dma_wait3A_155 = arith.constant 0 : i32
    %dma_wait3A_156 = tpu.memref_slice %arg26[%add3A_51, %dma_wait3A_155] : memref<10240x128xf32, #tpu.memory_space<vmem_shared>> -> memref<32x128xf32, #tpu.memory_space<vmem_shared>>
    %dma_wait3A_157 = arith.constant 0 : i32
    %dma_wait3A_158 = tpu.memref_slice %arg26[%add3A_51, %dma_wait3A_157] : memref<10240x128xf32, #tpu.memory_space<vmem_shared>> -> memref<32x128xf32, #tpu.memory_space<vmem_shared>>
    tpu.wait_dma2 semaphore(%arg32 : memref<!tpu.dma_semaphore, #tpu.memory_space<semaphore_mem>>) src(%arg25 : memref<32x128xf32, #tpu.memory_space<vmem>>) dst(%dma_wait3A_158 : memref<32x128xf32, #tpu.memory_space<vmem_shared>>)
    %dma_wait3A_159 = arith.constant 0 : i32
    %dma_wait3A_160 = tpu.memref_slice %arg26[%add3A_57, %dma_wait3A_159] : memref<10240x128xf32, #tpu.memory_space<vmem_shared>> -> memref<32x128xf32, #tpu.memory_space<vmem_shared>>
    %dma_wait3A_161 = arith.constant 0 : i32
    %dma_wait3A_162 = tpu.memref_slice %arg26[%add3A_57, %dma_wait3A_161] : memref<10240x128xf32, #tpu.memory_space<vmem_shared>> -> memref<32x128xf32, #tpu.memory_space<vmem_shared>>
    tpu.wait_dma2 semaphore(%arg32 : memref<!tpu.dma_semaphore, #tpu.memory_space<semaphore_mem>>) src(%arg25 : memref<32x128xf32, #tpu.memory_space<vmem>>) dst(%dma_wait3A_162 : memref<32x128xf32, #tpu.memory_space<vmem_shared>>)
    %dma_wait3A_163 = arith.constant 0 : i32
    %dma_wait3A_164 = tpu.memref_slice %arg26[%add3A_63, %dma_wait3A_163] : memref<10240x128xf32, #tpu.memory_space<vmem_shared>> -> memref<32x128xf32, #tpu.memory_space<vmem_shared>>
    %dma_wait3A_165 = arith.constant 0 : i32
    %dma_wait3A_166 = tpu.memref_slice %arg26[%add3A_63, %dma_wait3A_165] : memref<10240x128xf32, #tpu.memory_space<vmem_shared>> -> memref<32x128xf32, #tpu.memory_space<vmem_shared>>
    tpu.wait_dma2 semaphore(%arg32 : memref<!tpu.dma_semaphore, #tpu.memory_space<semaphore_mem>>) src(%arg25 : memref<32x128xf32, #tpu.memory_space<vmem>>) dst(%dma_wait3A_166 : memref<32x128xf32, #tpu.memory_space<vmem_shared>>)
    %dma_wait3A_167 = arith.constant 0 : i32
    %dma_wait3A_168 = tpu.memref_slice %arg26[%add3A_69, %dma_wait3A_167] : memref<10240x128xf32, #tpu.memory_space<vmem_shared>> -> memref<32x128xf32, #tpu.memory_space<vmem_shared>>
    %dma_wait3A_169 = arith.constant 0 : i32
    %dma_wait3A_170 = tpu.memref_slice %arg26[%add3A_69, %dma_wait3A_169] : memref<10240x128xf32, #tpu.memory_space<vmem_shared>> -> memref<32x128xf32, #tpu.memory_space<vmem_shared>>
    tpu.wait_dma2 semaphore(%arg32 : memref<!tpu.dma_semaphore, #tpu.memory_space<semaphore_mem>>) src(%arg25 : memref<32x128xf32, #tpu.memory_space<vmem>>) dst(%dma_wait3A_170 : memref<32x128xf32, #tpu.memory_space<vmem_shared>>)
    %dma_wait3A_171 = arith.constant 0 : i32
    %dma_wait3A_172 = tpu.memref_slice %arg26[%add3A_75, %dma_wait3A_171] : memref<10240x128xf32, #tpu.memory_space<vmem_shared>> -> memref<32x128xf32, #tpu.memory_space<vmem_shared>>
    %dma_wait3A_173 = arith.constant 0 : i32
    %dma_wait3A_174 = tpu.memref_slice %arg26[%add3A_75, %dma_wait3A_173] : memref<10240x128xf32, #tpu.memory_space<vmem_shared>> -> memref<32x128xf32, #tpu.memory_space<vmem_shared>>
    tpu.wait_dma2 semaphore(%arg32 : memref<!tpu.dma_semaphore, #tpu.memory_space<semaphore_mem>>) src(%arg25 : memref<32x128xf32, #tpu.memory_space<vmem>>) dst(%dma_wait3A_174 : memref<32x128xf32, #tpu.memory_space<vmem_shared>>)
    %dma_wait3A_175 = arith.constant 0 : i32
    %dma_wait3A_176 = tpu.memref_slice %arg26[%add3A_81, %dma_wait3A_175] : memref<10240x128xf32, #tpu.memory_space<vmem_shared>> -> memref<32x128xf32, #tpu.memory_space<vmem_shared>>
    %dma_wait3A_177 = arith.constant 0 : i32
    %dma_wait3A_178 = tpu.memref_slice %arg26[%add3A_81, %dma_wait3A_177] : memref<10240x128xf32, #tpu.memory_space<vmem_shared>> -> memref<32x128xf32, #tpu.memory_space<vmem_shared>>
    tpu.wait_dma2 semaphore(%arg32 : memref<!tpu.dma_semaphore, #tpu.memory_space<semaphore_mem>>) src(%arg25 : memref<32x128xf32, #tpu.memory_space<vmem>>) dst(%dma_wait3A_178 : memref<32x128xf32, #tpu.memory_space<vmem_shared>>)
    %dma_wait3A_179 = arith.constant 0 : i32
    %dma_wait3A_180 = tpu.memref_slice %arg26[%add3A_87, %dma_wait3A_179] : memref<10240x128xf32, #tpu.memory_space<vmem_shared>> -> memref<32x128xf32, #tpu.memory_space<vmem_shared>>
    %dma_wait3A_181 = arith.constant 0 : i32
    %dma_wait3A_182 = tpu.memref_slice %arg26[%add3A_87, %dma_wait3A_181] : memref<10240x128xf32, #tpu.memory_space<vmem_shared>> -> memref<32x128xf32, #tpu.memory_space<vmem_shared>>
    tpu.wait_dma2 semaphore(%arg32 : memref<!tpu.dma_semaphore, #tpu.memory_space<semaphore_mem>>) src(%arg25 : memref<32x128xf32, #tpu.memory_space<vmem>>) dst(%dma_wait3A_182 : memref<32x128xf32, #tpu.memory_space<vmem_shared>>)
    %dma_wait3A_183 = arith.constant 0 : i32
    %dma_wait3A_184 = tpu.memref_slice %arg26[%add3A_93, %dma_wait3A_183] : memref<10240x128xf32, #tpu.memory_space<vmem_shared>> -> memref<32x128xf32, #tpu.memory_space<vmem_shared>>
    %dma_wait3A_185 = arith.constant 0 : i32
    %dma_wait3A_186 = tpu.memref_slice %arg26[%add3A_93, %dma_wait3A_185] : memref<10240x128xf32, #tpu.memory_space<vmem_shared>> -> memref<32x128xf32, #tpu.memory_space<vmem_shared>>
    tpu.wait_dma2 semaphore(%arg32 : memref<!tpu.dma_semaphore, #tpu.memory_space<semaphore_mem>>) src(%arg25 : memref<32x128xf32, #tpu.memory_space<vmem>>) dst(%dma_wait3A_186 : memref<32x128xf32, #tpu.memory_space<vmem_shared>>)
    %dma_wait3A_187 = arith.constant 0 : i32
    %dma_wait3A_188 = tpu.memref_slice %arg26[%add3A_99, %dma_wait3A_187] : memref<10240x128xf32, #tpu.memory_space<vmem_shared>> -> memref<32x128xf32, #tpu.memory_space<vmem_shared>>
    %dma_wait3A_189 = arith.constant 0 : i32
    %dma_wait3A_190 = tpu.memref_slice %arg26[%add3A_99, %dma_wait3A_189] : memref<10240x128xf32, #tpu.memory_space<vmem_shared>> -> memref<32x128xf32, #tpu.memory_space<vmem_shared>>
    tpu.wait_dma2 semaphore(%arg32 : memref<!tpu.dma_semaphore, #tpu.memory_space<semaphore_mem>>) src(%arg25 : memref<32x128xf32, #tpu.memory_space<vmem>>) dst(%dma_wait3A_190 : memref<32x128xf32, #tpu.memory_space<vmem_shared>>)
    %dma_wait3A_191 = arith.constant 0 : i32
    %dma_wait3A_192 = tpu.memref_slice %arg26[%add3A_105, %dma_wait3A_191] : memref<10240x128xf32, #tpu.memory_space<vmem_shared>> -> memref<32x128xf32, #tpu.memory_space<vmem_shared>>
    %dma_wait3A_193 = arith.constant 0 : i32
    %dma_wait3A_194 = tpu.memref_slice %arg26[%add3A_105, %dma_wait3A_193] : memref<10240x128xf32, #tpu.memory_space<vmem_shared>> -> memref<32x128xf32, #tpu.memory_space<vmem_shared>>
    tpu.wait_dma2 semaphore(%arg32 : memref<!tpu.dma_semaphore, #tpu.memory_space<semaphore_mem>>) src(%arg25 : memref<32x128xf32, #tpu.memory_space<vmem>>) dst(%dma_wait3A_194 : memref<32x128xf32, #tpu.memory_space<vmem_shared>>)
    %dma_wait3A_195 = arith.constant 0 : i32
    %dma_wait3A_196 = tpu.memref_slice %arg26[%add3A_111, %dma_wait3A_195] : memref<10240x128xf32, #tpu.memory_space<vmem_shared>> -> memref<32x128xf32, #tpu.memory_space<vmem_shared>>
    %dma_wait3A_197 = arith.constant 0 : i32
    %dma_wait3A_198 = tpu.memref_slice %arg26[%add3A_111, %dma_wait3A_197] : memref<10240x128xf32, #tpu.memory_space<vmem_shared>> -> memref<32x128xf32, #tpu.memory_space<vmem_shared>>
    tpu.wait_dma2 semaphore(%arg32 : memref<!tpu.dma_semaphore, #tpu.memory_space<semaphore_mem>>) src(%arg25 : memref<32x128xf32, #tpu.memory_space<vmem>>) dst(%dma_wait3A_198 : memref<32x128xf32, #tpu.memory_space<vmem_shared>>)
    %dma_wait3A_199 = arith.constant 0 : i32
    %dma_wait3A_200 = tpu.memref_slice %arg26[%add3A_117, %dma_wait3A_199] : memref<10240x128xf32, #tpu.memory_space<vmem_shared>> -> memref<32x128xf32, #tpu.memory_space<vmem_shared>>
    %dma_wait3A_201 = arith.constant 0 : i32
    %dma_wait3A_202 = tpu.memref_slice %arg26[%add3A_117, %dma_wait3A_201] : memref<10240x128xf32, #tpu.memory_space<vmem_shared>> -> memref<32x128xf32, #tpu.memory_space<vmem_shared>>
    tpu.wait_dma2 semaphore(%arg32 : memref<!tpu.dma_semaphore, #tpu.memory_space<semaphore_mem>>) src(%arg25 : memref<32x128xf32, #tpu.memory_space<vmem>>) dst(%dma_wait3A_202 : memref<32x128xf32, #tpu.memory_space<vmem_shared>>)
    %dma_wait3A_203 = arith.constant 0 : i32
    %dma_wait3A_204 = tpu.memref_slice %arg26[%add3A_123, %dma_wait3A_203] : memref<10240x128xf32, #tpu.memory_space<vmem_shared>> -> memref<32x128xf32, #tpu.memory_space<vmem_shared>>
    %dma_wait3A_205 = arith.constant 0 : i32
    %dma_wait3A_206 = tpu.memref_slice %arg26[%add3A_123, %dma_wait3A_205] : memref<10240x128xf32, #tpu.memory_space<vmem_shared>> -> memref<32x128xf32, #tpu.memory_space<vmem_shared>>
    tpu.wait_dma2 semaphore(%arg32 : memref<!tpu.dma_semaphore, #tpu.memory_space<semaphore_mem>>) src(%arg25 : memref<32x128xf32, #tpu.memory_space<vmem>>) dst(%dma_wait3A_206 : memref<32x128xf32, #tpu.memory_space<vmem_shared>>)
    %barrier3A = arith.constant 0 : index
    tpu.barrier barrier_id(%barrier3A)
    %mul3A_207 = arith.constant 10000 : i32
    %mul3A_208 = arith.muli %add3A, %mul3A_207 : i32
    %add3A_209 = arith.constant 0 : i32
    %add3A_210 = arith.addi %mul3A_208, %add3A_209 : i32
    %dma_start3A_211 = tpu.memref_slice %arg2[%add3A_210] : memref<640000xi32, #tpu.memory_space<hbm>> -> memref<80xi32, #tpu.memory_space<hbm>>
    %dma_start3A_212 = tpu.memref_slice %arg2[%add3A_210] : memref<640000xi32, #tpu.memory_space<hbm>> -> memref<80xi32, #tpu.memory_space<hbm>>
    tpu.enqueue_dma source(%dma_start3A_212 : memref<80xi32, #tpu.memory_space<hbm>>) target(%arg5 : memref<80xi32, #tpu.memory_space<vmem>>) target_semaphore(%arg27 : memref<!tpu.dma_semaphore, #tpu.memory_space<semaphore_mem>>)
    %add3A_213 = arith.constant 320000 : i32
    %add3A_214 = arith.addi %add3A_213, %add3A_210 : i32
    %dma_start3A_215 = tpu.memref_slice %arg2[%add3A_214] : memref<640000xi32, #tpu.memory_space<hbm>> -> memref<80xi32, #tpu.memory_space<hbm>>
    %dma_start3A_216 = tpu.memref_slice %arg2[%add3A_214] : memref<640000xi32, #tpu.memory_space<hbm>> -> memref<80xi32, #tpu.memory_space<hbm>>
    tpu.enqueue_dma source(%dma_start3A_216 : memref<80xi32, #tpu.memory_space<hbm>>) target(%arg13 : memref<80xi32, #tpu.memory_space<vmem>>) target_semaphore(%arg27 : memref<!tpu.dma_semaphore, #tpu.memory_space<semaphore_mem>>)
    %mul3A_217 = arith.constant 10000 : i32
    %mul3A_218 = arith.muli %add3A, %mul3A_217 : i32
    %add3A_219 = arith.constant 80 : i32
    %add3A_220 = arith.addi %mul3A_218, %add3A_219 : i32
    %dma_start3A_221 = tpu.memref_slice %arg2[%add3A_220] : memref<640000xi32, #tpu.memory_space<hbm>> -> memref<80xi32, #tpu.memory_space<hbm>>
    %dma_start3A_222 = tpu.memref_slice %arg2[%add3A_220] : memref<640000xi32, #tpu.memory_space<hbm>> -> memref<80xi32, #tpu.memory_space<hbm>>
    tpu.enqueue_dma source(%dma_start3A_222 : memref<80xi32, #tpu.memory_space<hbm>>) target(%arg6 : memref<80xi32, #tpu.memory_space<vmem>>) target_semaphore(%arg27 : memref<!tpu.dma_semaphore, #tpu.memory_space<semaphore_mem>>)
    %add3A_223 = arith.constant 320000 : i32
    %add3A_224 = arith.addi %add3A_223, %add3A_220 : i32
    %dma_start3A_225 = tpu.memref_slice %arg2[%add3A_224] : memref<640000xi32, #tpu.memory_space<hbm>> -> memref<80xi32, #tpu.memory_space<hbm>>
    %dma_start3A_226 = tpu.memref_slice %arg2[%add3A_224] : memref<640000xi32, #tpu.memory_space<hbm>> -> memref<80xi32, #tpu.memory_space<hbm>>
    tpu.enqueue_dma source(%dma_start3A_226 : memref<80xi32, #tpu.memory_space<hbm>>) target(%arg14 : memref<80xi32, #tpu.memory_space<vmem>>) target_semaphore(%arg27 : memref<!tpu.dma_semaphore, #tpu.memory_space<semaphore_mem>>)
    %scan3A_227 = arith.constant 0 : i32
    %scan3A_228 = arith.constant 0 : i32
    %scan3A_229 = arith.constant 16 : i32
    %scan3A_230 = arith.addi %scan3A_228, %scan3A_229 : i32
    %scan3A_231 = arith.constant 1 : i32
    %scan3A_232 = scf.for %scan3A_241 = %scan3A_228 to %scan3A_230 step %scan3A_231 iter_args(%scan3A_242 = %scan3A_227) -> (i32)  : i32 {
      %mul3A_243 = arith.constant 8 : i32
      %mul3A_244 = arith.muli %scan3A_241, %mul3A_243 : i32
      %add3A_245 = arith.constant 0 : i32
      %add3A_246 = arith.addi %mul3A_244, %add3A_245 : i32
      %ge3A = arith.constant 4 : i32
      %ge3A_247 = arith.cmpi sge, %add3A_246, %ge3A : i32
      %sub3A = arith.constant 4 : i32
      %sub3A_248 = arith.subi %add3A_246, %sub3A : i32
      %le3A = arith.constant 124 : i32
      %le3A_249 = arith.cmpi sle, %sub3A_248, %le3A : i32
      %and3A = arith.andi %ge3A_247, %le3A_249 : i1
      %convert_element_type3A = arith.extui %and3A : i1 to i32
      %cond3A = arith.constant 0 : i32
      %cond3A_250 = arith.cmpi ne, %convert_element_type3A, %cond3A : i32
      scf.if %cond3A_250 {
        %dma_wait3A_526 = arith.constant 0 : i32
        %dma_wait3A_527 = arith.constant 0 : i32
        %dma_wait3A_528 = tpu.memref_slice %arg3[%dma_wait3A_526, %dma_wait3A_527] : memref<10240x128xf32, #tpu.memory_space<hbm>> -> memref<80x128xf32, #tpu.memory_space<hbm>>
        %dma_wait3A_529 = arith.constant 0 : i32
        %dma_wait3A_530 = arith.constant 0 : i32
        %dma_wait3A_531 = tpu.memref_slice %arg3[%dma_wait3A_529, %dma_wait3A_530] : memref<10240x128xf32, #tpu.memory_space<hbm>> -> memref<80x128xf32, #tpu.memory_space<hbm>>
        tpu.wait_dma2 semaphore(%arg32 : memref<!tpu.dma_semaphore, #tpu.memory_space<semaphore_mem>>) src(%dma_wait3A_531 : memref<80x128xf32, #tpu.memory_space<hbm>>) dst(%arg21 : memref<80x128xf32, #tpu.memory_space<vmem>>)
      } else {
      }
      %add3A_251 = arith.constant 2 : i32
      %add3A_252 = arith.addi %add3A_246, %add3A_251 : i32
      %le3A_253 = arith.constant 124 : i32
      %le3A_254 = arith.cmpi sle, %add3A_252, %le3A_253 : i32
      %convert_element_type3A_255 = arith.extui %le3A_254 : i1 to i32
      %cond3A_256 = arith.constant 0 : i32
      %cond3A_257 = arith.cmpi ne, %convert_element_type3A_255, %cond3A_256 : i32
      scf.if %cond3A_257 {
        %add3A_526 = arith.constant 2 : i32
        %add3A_527 = arith.addi %add3A_246, %add3A_526 : i32
        %mul3A_528 = arith.constant 10000 : i32
        %mul3A_529 = arith.muli %add3A, %mul3A_528 : i32
        %mul3A_530 = arith.constant 80 : i32
        %mul3A_531 = arith.muli %add3A_527, %mul3A_530 : i32
        %add3A_532 = arith.addi %mul3A_529, %mul3A_531 : i32
        %dma_start3A_533 = tpu.memref_slice %arg2[%add3A_532] : memref<640000xi32, #tpu.memory_space<hbm>> -> memref<80xi32, #tpu.memory_space<hbm>>
        %dma_start3A_534 = tpu.memref_slice %arg2[%add3A_532] : memref<640000xi32, #tpu.memory_space<hbm>> -> memref<80xi32, #tpu.memory_space<hbm>>
        tpu.enqueue_dma source(%dma_start3A_534 : memref<80xi32, #tpu.memory_space<hbm>>) target(%arg7 : memref<80xi32, #tpu.memory_space<vmem>>) target_semaphore(%arg27 : memref<!tpu.dma_semaphore, #tpu.memory_space<semaphore_mem>>)
        %add3A_535 = arith.constant 320000 : i32
        %add3A_536 = arith.addi %add3A_535, %add3A_532 : i32
        %dma_start3A_537 = tpu.memref_slice %arg2[%add3A_536] : memref<640000xi32, #tpu.memory_space<hbm>> -> memref<80xi32, #tpu.memory_space<hbm>>
        %dma_start3A_538 = tpu.memref_slice %arg2[%add3A_536] : memref<640000xi32, #tpu.memory_space<hbm>> -> memref<80xi32, #tpu.memory_space<hbm>>
        tpu.enqueue_dma source(%dma_start3A_538 : memref<80xi32, #tpu.memory_space<hbm>>) target(%arg15 : memref<80xi32, #tpu.memory_space<vmem>>) target_semaphore(%arg27 : memref<!tpu.dma_semaphore, #tpu.memory_space<semaphore_mem>>)
      } else {
      }
      %le3A_258 = arith.constant 124 : i32
      %le3A_259 = arith.cmpi sle, %add3A_246, %le3A_258 : i32
      %convert_element_type3A_260 = arith.extui %le3A_259 : i1 to i32
      %cond3A_261 = arith.constant 0 : i32
      %cond3A_262 = arith.cmpi ne, %convert_element_type3A_260, %cond3A_261 : i32
      scf.if %cond3A_262 {
        %dma_wait3A_526 = arith.constant 0 : i32
        %dma_wait3A_527 = tpu.memref_slice %arg2[%dma_wait3A_526] : memref<640000xi32, #tpu.memory_space<hbm>> -> memref<80xi32, #tpu.memory_space<hbm>>
        %dma_wait3A_528 = arith.constant 0 : i32
        %dma_wait3A_529 = tpu.memref_slice %arg2[%dma_wait3A_528] : memref<640000xi32, #tpu.memory_space<hbm>> -> memref<80xi32, #tpu.memory_space<hbm>>
        tpu.wait_dma2 semaphore(%arg27 : memref<!tpu.dma_semaphore, #tpu.memory_space<semaphore_mem>>) src(%dma_wait3A_529 : memref<80xi32, #tpu.memory_space<hbm>>) dst(%arg5 : memref<80xi32, #tpu.memory_space<vmem>>)
        %dma_wait3A_530 = arith.constant 0 : i32
        %dma_wait3A_531 = tpu.memref_slice %arg2[%dma_wait3A_530] : memref<640000xi32, #tpu.memory_space<hbm>> -> memref<80xi32, #tpu.memory_space<hbm>>
        %dma_wait3A_532 = arith.constant 0 : i32
        %dma_wait3A_533 = tpu.memref_slice %arg2[%dma_wait3A_532] : memref<640000xi32, #tpu.memory_space<hbm>> -> memref<80xi32, #tpu.memory_space<hbm>>
        tpu.wait_dma2 semaphore(%arg27 : memref<!tpu.dma_semaphore, #tpu.memory_space<semaphore_mem>>) src(%dma_wait3A_533 : memref<80xi32, #tpu.memory_space<hbm>>) dst(%arg13 : memref<80xi32, #tpu.memory_space<vmem>>)
        %dma_start3A_534 = arith.constant 0 : i32
        %dma_start3A_535 = arith.constant 0 : i32
        %dma_start3A_536 = tpu.memref_slice %arg3[%dma_start3A_534, %dma_start3A_535] : memref<10240x128xf32, #tpu.memory_space<hbm>> -> memref<10240x128xf32, #tpu.memory_space<hbm>>
        tpu.enqueue_indirect_dma source(%dma_start3A_536 : memref<10240x128xf32, #tpu.memory_space<hbm>>) target(%arg21 : memref<80x128xf32, #tpu.memory_space<vmem>>) offsets(%arg5 : memref<80xi32, #tpu.memory_space<vmem>>) semaphore(%arg28 : memref<!tpu.dma_semaphore, #tpu.memory_space<semaphore_mem>>)
      } else {
      }
      %ge3A_263 = arith.constant 2 : i32
      %ge3A_264 = arith.cmpi sge, %add3A_246, %ge3A_263 : i32
      %sub3A_265 = arith.constant 2 : i32
      %sub3A_266 = arith.subi %add3A_246, %sub3A_265 : i32
      %le3A_267 = arith.constant 124 : i32
      %le3A_268 = arith.cmpi sle, %sub3A_266, %le3A_267 : i32
      %and3A_269 = arith.andi %ge3A_264, %le3A_268 : i1
      %convert_element_type3A_270 = arith.extui %and3A_269 : i1 to i32
      %cond3A_271 = arith.constant 0 : i32
      %cond3A_272 = arith.cmpi ne, %convert_element_type3A_270, %cond3A_271 : i32
      scf.if %cond3A_272 {
        %dma_wait3A_526 = arith.constant 0 : i32
        %dma_wait3A_527 = arith.constant 0 : i32
        %dma_wait3A_528 = tpu.memref_slice %arg3[%dma_wait3A_526, %dma_wait3A_527] : memref<10240x128xf32, #tpu.memory_space<hbm>> -> memref<80x128xf32, #tpu.memory_space<hbm>>
        %dma_wait3A_529 = arith.constant 0 : i32
        %dma_wait3A_530 = arith.constant 0 : i32
        %dma_wait3A_531 = tpu.memref_slice %arg3[%dma_wait3A_529, %dma_wait3A_530] : memref<10240x128xf32, #tpu.memory_space<hbm>> -> memref<80x128xf32, #tpu.memory_space<hbm>>
        tpu.wait_dma2 semaphore(%arg30 : memref<!tpu.dma_semaphore, #tpu.memory_space<semaphore_mem>>) src(%dma_wait3A_531 : memref<80x128xf32, #tpu.memory_space<hbm>>) dst(%arg23 : memref<80x128xf32, #tpu.memory_space<vmem>>)
        %dma_start3A_532 = arith.constant 0 : i32
        %dma_start3A_533 = arith.constant 0 : i32
        %dma_start3A_534 = tpu.memref_slice %arg26[%dma_start3A_532, %dma_start3A_533] : memref<10240x128xf32, #tpu.memory_space<vmem_shared>> -> memref<10240x128xf32, #tpu.memory_space<vmem_shared>>
        tpu.enqueue_indirect_dma source(%arg23 : memref<80x128xf32, #tpu.memory_space<vmem>>) target(%dma_start3A_534 : memref<10240x128xf32, #tpu.memory_space<vmem_shared>>) offsets(%arg19 : memref<80xi32, #tpu.memory_space<vmem>>) semaphore(%arg32 : memref<!tpu.dma_semaphore, #tpu.memory_space<semaphore_mem>>) {add = true}
      } else {
      }
      %mul3A_273 = arith.constant 8 : i32
      %mul3A_274 = arith.muli %scan3A_241, %mul3A_273 : i32
      %add3A_275 = arith.constant 1 : i32
      %add3A_276 = arith.addi %mul3A_274, %add3A_275 : i32
      %ge3A_277 = arith.constant 4 : i32
      %ge3A_278 = arith.cmpi sge, %add3A_276, %ge3A_277 : i32
      %sub3A_279 = arith.constant 4 : i32
      %sub3A_280 = arith.subi %add3A_276, %sub3A_279 : i32
      %le3A_281 = arith.constant 124 : i32
      %le3A_282 = arith.cmpi sle, %sub3A_280, %le3A_281 : i32
      %and3A_283 = arith.andi %ge3A_278, %le3A_282 : i1
      %convert_element_type3A_284 = arith.extui %and3A_283 : i1 to i32
      %cond3A_285 = arith.constant 0 : i32
      %cond3A_286 = arith.cmpi ne, %convert_element_type3A_284, %cond3A_285 : i32
      scf.if %cond3A_286 {
        %dma_wait3A_526 = arith.constant 0 : i32
        %dma_wait3A_527 = arith.constant 0 : i32
        %dma_wait3A_528 = tpu.memref_slice %arg3[%dma_wait3A_526, %dma_wait3A_527] : memref<10240x128xf32, #tpu.memory_space<hbm>> -> memref<80x128xf32, #tpu.memory_space<hbm>>
        %dma_wait3A_529 = arith.constant 0 : i32
        %dma_wait3A_530 = arith.constant 0 : i32
        %dma_wait3A_531 = tpu.memref_slice %arg3[%dma_wait3A_529, %dma_wait3A_530] : memref<10240x128xf32, #tpu.memory_space<hbm>> -> memref<80x128xf32, #tpu.memory_space<hbm>>
        tpu.wait_dma2 semaphore(%arg32 : memref<!tpu.dma_semaphore, #tpu.memory_space<semaphore_mem>>) src(%dma_wait3A_531 : memref<80x128xf32, #tpu.memory_space<hbm>>) dst(%arg22 : memref<80x128xf32, #tpu.memory_space<vmem>>)
      } else {
      }
      %add3A_287 = arith.constant 2 : i32
      %add3A_288 = arith.addi %add3A_276, %add3A_287 : i32
      %le3A_289 = arith.constant 124 : i32
      %le3A_290 = arith.cmpi sle, %add3A_288, %le3A_289 : i32
      %convert_element_type3A_291 = arith.extui %le3A_290 : i1 to i32
      %cond3A_292 = arith.constant 0 : i32
      %cond3A_293 = arith.cmpi ne, %convert_element_type3A_291, %cond3A_292 : i32
      scf.if %cond3A_293 {
        %add3A_526 = arith.constant 2 : i32
        %add3A_527 = arith.addi %add3A_276, %add3A_526 : i32
        %mul3A_528 = arith.constant 10000 : i32
        %mul3A_529 = arith.muli %add3A, %mul3A_528 : i32
        %mul3A_530 = arith.constant 80 : i32
        %mul3A_531 = arith.muli %add3A_527, %mul3A_530 : i32
        %add3A_532 = arith.addi %mul3A_529, %mul3A_531 : i32
        %dma_start3A_533 = tpu.memref_slice %arg2[%add3A_532] : memref<640000xi32, #tpu.memory_space<hbm>> -> memref<80xi32, #tpu.memory_space<hbm>>
        %dma_start3A_534 = tpu.memref_slice %arg2[%add3A_532] : memref<640000xi32, #tpu.memory_space<hbm>> -> memref<80xi32, #tpu.memory_space<hbm>>
        tpu.enqueue_dma source(%dma_start3A_534 : memref<80xi32, #tpu.memory_space<hbm>>) target(%arg8 : memref<80xi32, #tpu.memory_space<vmem>>) target_semaphore(%arg27 : memref<!tpu.dma_semaphore, #tpu.memory_space<semaphore_mem>>)
        %add3A_535 = arith.constant 320000 : i32
        %add3A_536 = arith.addi %add3A_535, %add3A_532 : i32
        %dma_start3A_537 = tpu.memref_slice %arg2[%add3A_536] : memref<640000xi32, #tpu.memory_space<hbm>> -> memref<80xi32, #tpu.memory_space<hbm>>
        %dma_start3A_538 = tpu.memref_slice %arg2[%add3A_536] : memref<640000xi32, #tpu.memory_space<hbm>> -> memref<80xi32, #tpu.memory_space<hbm>>
        tpu.enqueue_dma source(%dma_start3A_538 : memref<80xi32, #tpu.memory_space<hbm>>) target(%arg16 : memref<80xi32, #tpu.memory_space<vmem>>) target_semaphore(%arg27 : memref<!tpu.dma_semaphore, #tpu.memory_space<semaphore_mem>>)
      } else {
      }
      %le3A_294 = arith.constant 124 : i32
      %le3A_295 = arith.cmpi sle, %add3A_276, %le3A_294 : i32
      %convert_element_type3A_296 = arith.extui %le3A_295 : i1 to i32
      %cond3A_297 = arith.constant 0 : i32
      %cond3A_298 = arith.cmpi ne, %convert_element_type3A_296, %cond3A_297 : i32
      scf.if %cond3A_298 {
        %dma_wait3A_526 = arith.constant 0 : i32
        %dma_wait3A_527 = tpu.memref_slice %arg2[%dma_wait3A_526] : memref<640000xi32, #tpu.memory_space<hbm>> -> memref<80xi32, #tpu.memory_space<hbm>>
        %dma_wait3A_528 = arith.constant 0 : i32
        %dma_wait3A_529 = tpu.memref_slice %arg2[%dma_wait3A_528] : memref<640000xi32, #tpu.memory_space<hbm>> -> memref<80xi32, #tpu.memory_space<hbm>>
        tpu.wait_dma2 semaphore(%arg27 : memref<!tpu.dma_semaphore, #tpu.memory_space<semaphore_mem>>) src(%dma_wait3A_529 : memref<80xi32, #tpu.memory_space<hbm>>) dst(%arg6 : memref<80xi32, #tpu.memory_space<vmem>>)
        %dma_wait3A_530 = arith.constant 0 : i32
        %dma_wait3A_531 = tpu.memref_slice %arg2[%dma_wait3A_530] : memref<640000xi32, #tpu.memory_space<hbm>> -> memref<80xi32, #tpu.memory_space<hbm>>
        %dma_wait3A_532 = arith.constant 0 : i32
        %dma_wait3A_533 = tpu.memref_slice %arg2[%dma_wait3A_532] : memref<640000xi32, #tpu.memory_space<hbm>> -> memref<80xi32, #tpu.memory_space<hbm>>
        tpu.wait_dma2 semaphore(%arg27 : memref<!tpu.dma_semaphore, #tpu.memory_space<semaphore_mem>>) src(%dma_wait3A_533 : memref<80xi32, #tpu.memory_space<hbm>>) dst(%arg14 : memref<80xi32, #tpu.memory_space<vmem>>)
        %dma_start3A_534 = arith.constant 0 : i32
        %dma_start3A_535 = arith.constant 0 : i32
        %dma_start3A_536 = tpu.memref_slice %arg3[%dma_start3A_534, %dma_start3A_535] : memref<10240x128xf32, #tpu.memory_space<hbm>> -> memref<10240x128xf32, #tpu.memory_space<hbm>>
        tpu.enqueue_indirect_dma source(%dma_start3A_536 : memref<10240x128xf32, #tpu.memory_space<hbm>>) target(%arg22 : memref<80x128xf32, #tpu.memory_space<vmem>>) offsets(%arg6 : memref<80xi32, #tpu.memory_space<vmem>>) semaphore(%arg29 : memref<!tpu.dma_semaphore, #tpu.memory_space<semaphore_mem>>)
      } else {
      }
      %ge3A_299 = arith.constant 2 : i32
      %ge3A_300 = arith.cmpi sge, %add3A_276, %ge3A_299 : i32
      %sub3A_301 = arith.constant 2 : i32
      %sub3A_302 = arith.subi %add3A_276, %sub3A_301 : i32
      %le3A_303 = arith.constant 124 : i32
      %le3A_304 = arith.cmpi sle, %sub3A_302, %le3A_303 : i32
      %and3A_305 = arith.andi %ge3A_300, %le3A_304 : i1
      %convert_element_type3A_306 = arith.extui %and3A_305 : i1 to i32
      %cond3A_307 = arith.constant 0 : i32
      %cond3A_308 = arith.cmpi ne, %convert_element_type3A_306, %cond3A_307 : i32
      scf.if %cond3A_308 {
        %dma_wait3A_526 = arith.constant 0 : i32
        %dma_wait3A_527 = arith.constant 0 : i32
        %dma_wait3A_528 = tpu.memref_slice %arg3[%dma_wait3A_526, %dma_wait3A_527] : memref<10240x128xf32, #tpu.memory_space<hbm>> -> memref<80x128xf32, #tpu.memory_space<hbm>>
        %dma_wait3A_529 = arith.constant 0 : i32
        %dma_wait3A_530 = arith.constant 0 : i32
        %dma_wait3A_531 = tpu.memref_slice %arg3[%dma_wait3A_529, %dma_wait3A_530] : memref<10240x128xf32, #tpu.memory_space<hbm>> -> memref<80x128xf32, #tpu.memory_space<hbm>>
        tpu.wait_dma2 semaphore(%arg31 : memref<!tpu.dma_semaphore, #tpu.memory_space<semaphore_mem>>) src(%dma_wait3A_531 : memref<80x128xf32, #tpu.memory_space<hbm>>) dst(%arg24 : memref<80x128xf32, #tpu.memory_space<vmem>>)
        %dma_start3A_532 = arith.constant 0 : i32
        %dma_start3A_533 = arith.constant 0 : i32
        %dma_start3A_534 = tpu.memref_slice %arg26[%dma_start3A_532, %dma_start3A_533] : memref<10240x128xf32, #tpu.memory_space<vmem_shared>> -> memref<10240x128xf32, #tpu.memory_space<vmem_shared>>
        tpu.enqueue_indirect_dma source(%arg24 : memref<80x128xf32, #tpu.memory_space<vmem>>) target(%dma_start3A_534 : memref<10240x128xf32, #tpu.memory_space<vmem_shared>>) offsets(%arg20 : memref<80xi32, #tpu.memory_space<vmem>>) semaphore(%arg32 : memref<!tpu.dma_semaphore, #tpu.memory_space<semaphore_mem>>) {add = true}
      } else {
      }
      %mul3A_309 = arith.constant 8 : i32
      %mul3A_310 = arith.muli %scan3A_241, %mul3A_309 : i32
      %add3A_311 = arith.constant 2 : i32
      %add3A_312 = arith.addi %mul3A_310, %add3A_311 : i32
      %ge3A_313 = arith.constant 4 : i32
      %ge3A_314 = arith.cmpi sge, %add3A_312, %ge3A_313 : i32
      %sub3A_315 = arith.constant 4 : i32
      %sub3A_316 = arith.subi %add3A_312, %sub3A_315 : i32
      %le3A_317 = arith.constant 124 : i32
      %le3A_318 = arith.cmpi sle, %sub3A_316, %le3A_317 : i32
      %and3A_319 = arith.andi %ge3A_314, %le3A_318 : i1
      %convert_element_type3A_320 = arith.extui %and3A_319 : i1 to i32
      %cond3A_321 = arith.constant 0 : i32
      %cond3A_322 = arith.cmpi ne, %convert_element_type3A_320, %cond3A_321 : i32
      scf.if %cond3A_322 {
        %dma_wait3A_526 = arith.constant 0 : i32
        %dma_wait3A_527 = arith.constant 0 : i32
        %dma_wait3A_528 = tpu.memref_slice %arg3[%dma_wait3A_526, %dma_wait3A_527] : memref<10240x128xf32, #tpu.memory_space<hbm>> -> memref<80x128xf32, #tpu.memory_space<hbm>>
        %dma_wait3A_529 = arith.constant 0 : i32
        %dma_wait3A_530 = arith.constant 0 : i32
        %dma_wait3A_531 = tpu.memref_slice %arg3[%dma_wait3A_529, %dma_wait3A_530] : memref<10240x128xf32, #tpu.memory_space<hbm>> -> memref<80x128xf32, #tpu.memory_space<hbm>>
        tpu.wait_dma2 semaphore(%arg32 : memref<!tpu.dma_semaphore, #tpu.memory_space<semaphore_mem>>) src(%dma_wait3A_531 : memref<80x128xf32, #tpu.memory_space<hbm>>) dst(%arg23 : memref<80x128xf32, #tpu.memory_space<vmem>>)
      } else {
      }
      %add3A_323 = arith.constant 2 : i32
      %add3A_324 = arith.addi %add3A_312, %add3A_323 : i32
      %le3A_325 = arith.constant 124 : i32
      %le3A_326 = arith.cmpi sle, %add3A_324, %le3A_325 : i32
      %convert_element_type3A_327 = arith.extui %le3A_326 : i1 to i32
      %cond3A_328 = arith.constant 0 : i32
      %cond3A_329 = arith.cmpi ne, %convert_element_type3A_327, %cond3A_328 : i32
      scf.if %cond3A_329 {
        %add3A_526 = arith.constant 2 : i32
        %add3A_527 = arith.addi %add3A_312, %add3A_526 : i32
        %mul3A_528 = arith.constant 10000 : i32
        %mul3A_529 = arith.muli %add3A, %mul3A_528 : i32
        %mul3A_530 = arith.constant 80 : i32
        %mul3A_531 = arith.muli %add3A_527, %mul3A_530 : i32
        %add3A_532 = arith.addi %mul3A_529, %mul3A_531 : i32
        %dma_start3A_533 = tpu.memref_slice %arg2[%add3A_532] : memref<640000xi32, #tpu.memory_space<hbm>> -> memref<80xi32, #tpu.memory_space<hbm>>
        %dma_start3A_534 = tpu.memref_slice %arg2[%add3A_532] : memref<640000xi32, #tpu.memory_space<hbm>> -> memref<80xi32, #tpu.memory_space<hbm>>
        tpu.enqueue_dma source(%dma_start3A_534 : memref<80xi32, #tpu.memory_space<hbm>>) target(%arg9 : memref<80xi32, #tpu.memory_space<vmem>>) target_semaphore(%arg27 : memref<!tpu.dma_semaphore, #tpu.memory_space<semaphore_mem>>)
        %add3A_535 = arith.constant 320000 : i32
        %add3A_536 = arith.addi %add3A_535, %add3A_532 : i32
        %dma_start3A_537 = tpu.memref_slice %arg2[%add3A_536] : memref<640000xi32, #tpu.memory_space<hbm>> -> memref<80xi32, #tpu.memory_space<hbm>>
        %dma_start3A_538 = tpu.memref_slice %arg2[%add3A_536] : memref<640000xi32, #tpu.memory_space<hbm>> -> memref<80xi32, #tpu.memory_space<hbm>>
        tpu.enqueue_dma source(%dma_start3A_538 : memref<80xi32, #tpu.memory_space<hbm>>) target(%arg17 : memref<80xi32, #tpu.memory_space<vmem>>) target_semaphore(%arg27 : memref<!tpu.dma_semaphore, #tpu.memory_space<semaphore_mem>>)
      } else {
      }
      %le3A_330 = arith.constant 124 : i32
      %le3A_331 = arith.cmpi sle, %add3A_312, %le3A_330 : i32
      %convert_element_type3A_332 = arith.extui %le3A_331 : i1 to i32
      %cond3A_333 = arith.constant 0 : i32
      %cond3A_334 = arith.cmpi ne, %convert_element_type3A_332, %cond3A_333 : i32
      scf.if %cond3A_334 {
        %dma_wait3A_526 = arith.constant 0 : i32
        %dma_wait3A_527 = tpu.memref_slice %arg2[%dma_wait3A_526] : memref<640000xi32, #tpu.memory_space<hbm>> -> memref<80xi32, #tpu.memory_space<hbm>>
        %dma_wait3A_528 = arith.constant 0 : i32
        %dma_wait3A_529 = tpu.memref_slice %arg2[%dma_wait3A_528] : memref<640000xi32, #tpu.memory_space<hbm>> -> memref<80xi32, #tpu.memory_space<hbm>>
        tpu.wait_dma2 semaphore(%arg27 : memref<!tpu.dma_semaphore, #tpu.memory_space<semaphore_mem>>) src(%dma_wait3A_529 : memref<80xi32, #tpu.memory_space<hbm>>) dst(%arg7 : memref<80xi32, #tpu.memory_space<vmem>>)
        %dma_wait3A_530 = arith.constant 0 : i32
        %dma_wait3A_531 = tpu.memref_slice %arg2[%dma_wait3A_530] : memref<640000xi32, #tpu.memory_space<hbm>> -> memref<80xi32, #tpu.memory_space<hbm>>
        %dma_wait3A_532 = arith.constant 0 : i32
        %dma_wait3A_533 = tpu.memref_slice %arg2[%dma_wait3A_532] : memref<640000xi32, #tpu.memory_space<hbm>> -> memref<80xi32, #tpu.memory_space<hbm>>
        tpu.wait_dma2 semaphore(%arg27 : memref<!tpu.dma_semaphore, #tpu.memory_space<semaphore_mem>>) src(%dma_wait3A_533 : memref<80xi32, #tpu.memory_space<hbm>>) dst(%arg15 : memref<80xi32, #tpu.memory_space<vmem>>)
        %dma_start3A_534 = arith.constant 0 : i32
        %dma_start3A_535 = arith.constant 0 : i32
        %dma_start3A_536 = tpu.memref_slice %arg3[%dma_start3A_534, %dma_start3A_535] : memref<10240x128xf32, #tpu.memory_space<hbm>> -> memref<10240x128xf32, #tpu.memory_space<hbm>>
        tpu.enqueue_indirect_dma source(%dma_start3A_536 : memref<10240x128xf32, #tpu.memory_space<hbm>>) target(%arg23 : memref<80x128xf32, #tpu.memory_space<vmem>>) offsets(%arg7 : memref<80xi32, #tpu.memory_space<vmem>>) semaphore(%arg30 : memref<!tpu.dma_semaphore, #tpu.memory_space<semaphore_mem>>)
      } else {
      }
      %ge3A_335 = arith.constant 2 : i32
      %ge3A_336 = arith.cmpi sge, %add3A_312, %ge3A_335 : i32
      %sub3A_337 = arith.constant 2 : i32
      %sub3A_338 = arith.subi %add3A_312, %sub3A_337 : i32
      %le3A_339 = arith.constant 124 : i32
      %le3A_340 = arith.cmpi sle, %sub3A_338, %le3A_339 : i32
      %and3A_341 = arith.andi %ge3A_336, %le3A_340 : i1
      %convert_element_type3A_342 = arith.extui %and3A_341 : i1 to i32
      %cond3A_343 = arith.constant 0 : i32
      %cond3A_344 = arith.cmpi ne, %convert_element_type3A_342, %cond3A_343 : i32
      scf.if %cond3A_344 {
        %dma_wait3A_526 = arith.constant 0 : i32
        %dma_wait3A_527 = arith.constant 0 : i32
        %dma_wait3A_528 = tpu.memref_slice %arg3[%dma_wait3A_526, %dma_wait3A_527] : memref<10240x128xf32, #tpu.memory_space<hbm>> -> memref<80x128xf32, #tpu.memory_space<hbm>>
        %dma_wait3A_529 = arith.constant 0 : i32
        %dma_wait3A_530 = arith.constant 0 : i32
        %dma_wait3A_531 = tpu.memref_slice %arg3[%dma_wait3A_529, %dma_wait3A_530] : memref<10240x128xf32, #tpu.memory_space<hbm>> -> memref<80x128xf32, #tpu.memory_space<hbm>>
        tpu.wait_dma2 semaphore(%arg28 : memref<!tpu.dma_semaphore, #tpu.memory_space<semaphore_mem>>) src(%dma_wait3A_531 : memref<80x128xf32, #tpu.memory_space<hbm>>) dst(%arg21 : memref<80x128xf32, #tpu.memory_space<vmem>>)
        %dma_start3A_532 = arith.constant 0 : i32
        %dma_start3A_533 = arith.constant 0 : i32
        %dma_start3A_534 = tpu.memref_slice %arg26[%dma_start3A_532, %dma_start3A_533] : memref<10240x128xf32, #tpu.memory_space<vmem_shared>> -> memref<10240x128xf32, #tpu.memory_space<vmem_shared>>
        tpu.enqueue_indirect_dma source(%arg21 : memref<80x128xf32, #tpu.memory_space<vmem>>) target(%dma_start3A_534 : memref<10240x128xf32, #tpu.memory_space<vmem_shared>>) offsets(%arg13 : memref<80xi32, #tpu.memory_space<vmem>>) semaphore(%arg32 : memref<!tpu.dma_semaphore, #tpu.memory_space<semaphore_mem>>) {add = true}
      } else {
      }
      %mul3A_345 = arith.constant 8 : i32
      %mul3A_346 = arith.muli %scan3A_241, %mul3A_345 : i32
      %add3A_347 = arith.constant 3 : i32
      %add3A_348 = arith.addi %mul3A_346, %add3A_347 : i32
      %ge3A_349 = arith.constant 4 : i32
      %ge3A_350 = arith.cmpi sge, %add3A_348, %ge3A_349 : i32
      %sub3A_351 = arith.constant 4 : i32
      %sub3A_352 = arith.subi %add3A_348, %sub3A_351 : i32
      %le3A_353 = arith.constant 124 : i32
      %le3A_354 = arith.cmpi sle, %sub3A_352, %le3A_353 : i32
      %and3A_355 = arith.andi %ge3A_350, %le3A_354 : i1
      %convert_element_type3A_356 = arith.extui %and3A_355 : i1 to i32
      %cond3A_357 = arith.constant 0 : i32
      %cond3A_358 = arith.cmpi ne, %convert_element_type3A_356, %cond3A_357 : i32
      scf.if %cond3A_358 {
        %dma_wait3A_526 = arith.constant 0 : i32
        %dma_wait3A_527 = arith.constant 0 : i32
        %dma_wait3A_528 = tpu.memref_slice %arg3[%dma_wait3A_526, %dma_wait3A_527] : memref<10240x128xf32, #tpu.memory_space<hbm>> -> memref<80x128xf32, #tpu.memory_space<hbm>>
        %dma_wait3A_529 = arith.constant 0 : i32
        %dma_wait3A_530 = arith.constant 0 : i32
        %dma_wait3A_531 = tpu.memref_slice %arg3[%dma_wait3A_529, %dma_wait3A_530] : memref<10240x128xf32, #tpu.memory_space<hbm>> -> memref<80x128xf32, #tpu.memory_space<hbm>>
        tpu.wait_dma2 semaphore(%arg32 : memref<!tpu.dma_semaphore, #tpu.memory_space<semaphore_mem>>) src(%dma_wait3A_531 : memref<80x128xf32, #tpu.memory_space<hbm>>) dst(%arg24 : memref<80x128xf32, #tpu.memory_space<vmem>>)
      } else {
      }
      %add3A_359 = arith.constant 2 : i32
      %add3A_360 = arith.addi %add3A_348, %add3A_359 : i32
      %le3A_361 = arith.constant 124 : i32
      %le3A_362 = arith.cmpi sle, %add3A_360, %le3A_361 : i32
      %convert_element_type3A_363 = arith.extui %le3A_362 : i1 to i32
      %cond3A_364 = arith.constant 0 : i32
      %cond3A_365 = arith.cmpi ne, %convert_element_type3A_363, %cond3A_364 : i32
      scf.if %cond3A_365 {
        %add3A_526 = arith.constant 2 : i32
        %add3A_527 = arith.addi %add3A_348, %add3A_526 : i32
        %mul3A_528 = arith.constant 10000 : i32
        %mul3A_529 = arith.muli %add3A, %mul3A_528 : i32
        %mul3A_530 = arith.constant 80 : i32
        %mul3A_531 = arith.muli %add3A_527, %mul3A_530 : i32
        %add3A_532 = arith.addi %mul3A_529, %mul3A_531 : i32
        %dma_start3A_533 = tpu.memref_slice %arg2[%add3A_532] : memref<640000xi32, #tpu.memory_space<hbm>> -> memref<80xi32, #tpu.memory_space<hbm>>
        %dma_start3A_534 = tpu.memref_slice %arg2[%add3A_532] : memref<640000xi32, #tpu.memory_space<hbm>> -> memref<80xi32, #tpu.memory_space<hbm>>
        tpu.enqueue_dma source(%dma_start3A_534 : memref<80xi32, #tpu.memory_space<hbm>>) target(%arg10 : memref<80xi32, #tpu.memory_space<vmem>>) target_semaphore(%arg27 : memref<!tpu.dma_semaphore, #tpu.memory_space<semaphore_mem>>)
        %add3A_535 = arith.constant 320000 : i32
        %add3A_536 = arith.addi %add3A_535, %add3A_532 : i32
        %dma_start3A_537 = tpu.memref_slice %arg2[%add3A_536] : memref<640000xi32, #tpu.memory_space<hbm>> -> memref<80xi32, #tpu.memory_space<hbm>>
        %dma_start3A_538 = tpu.memref_slice %arg2[%add3A_536] : memref<640000xi32, #tpu.memory_space<hbm>> -> memref<80xi32, #tpu.memory_space<hbm>>
        tpu.enqueue_dma source(%dma_start3A_538 : memref<80xi32, #tpu.memory_space<hbm>>) target(%arg18 : memref<80xi32, #tpu.memory_space<vmem>>) target_semaphore(%arg27 : memref<!tpu.dma_semaphore, #tpu.memory_space<semaphore_mem>>)
      } else {
      }
      %le3A_366 = arith.constant 124 : i32
      %le3A_367 = arith.cmpi sle, %add3A_348, %le3A_366 : i32
      %convert_element_type3A_368 = arith.extui %le3A_367 : i1 to i32
      %cond3A_369 = arith.constant 0 : i32
      %cond3A_370 = arith.cmpi ne, %convert_element_type3A_368, %cond3A_369 : i32
      scf.if %cond3A_370 {
        %dma_wait3A_526 = arith.constant 0 : i32
        %dma_wait3A_527 = tpu.memref_slice %arg2[%dma_wait3A_526] : memref<640000xi32, #tpu.memory_space<hbm>> -> memref<80xi32, #tpu.memory_space<hbm>>
        %dma_wait3A_528 = arith.constant 0 : i32
        %dma_wait3A_529 = tpu.memref_slice %arg2[%dma_wait3A_528] : memref<640000xi32, #tpu.memory_space<hbm>> -> memref<80xi32, #tpu.memory_space<hbm>>
        tpu.wait_dma2 semaphore(%arg27 : memref<!tpu.dma_semaphore, #tpu.memory_space<semaphore_mem>>) src(%dma_wait3A_529 : memref<80xi32, #tpu.memory_space<hbm>>) dst(%arg8 : memref<80xi32, #tpu.memory_space<vmem>>)
        %dma_wait3A_530 = arith.constant 0 : i32
        %dma_wait3A_531 = tpu.memref_slice %arg2[%dma_wait3A_530] : memref<640000xi32, #tpu.memory_space<hbm>> -> memref<80xi32, #tpu.memory_space<hbm>>
        %dma_wait3A_532 = arith.constant 0 : i32
        %dma_wait3A_533 = tpu.memref_slice %arg2[%dma_wait3A_532] : memref<640000xi32, #tpu.memory_space<hbm>> -> memref<80xi32, #tpu.memory_space<hbm>>
        tpu.wait_dma2 semaphore(%arg27 : memref<!tpu.dma_semaphore, #tpu.memory_space<semaphore_mem>>) src(%dma_wait3A_533 : memref<80xi32, #tpu.memory_space<hbm>>) dst(%arg16 : memref<80xi32, #tpu.memory_space<vmem>>)
        %dma_start3A_534 = arith.constant 0 : i32
        %dma_start3A_535 = arith.constant 0 : i32
        %dma_start3A_536 = tpu.memref_slice %arg3[%dma_start3A_534, %dma_start3A_535] : memref<10240x128xf32, #tpu.memory_space<hbm>> -> memref<10240x128xf32, #tpu.memory_space<hbm>>
        tpu.enqueue_indirect_dma source(%dma_start3A_536 : memref<10240x128xf32, #tpu.memory_space<hbm>>) target(%arg24 : memref<80x128xf32, #tpu.memory_space<vmem>>) offsets(%arg8 : memref<80xi32, #tpu.memory_space<vmem>>) semaphore(%arg31 : memref<!tpu.dma_semaphore, #tpu.memory_space<semaphore_mem>>)
      } else {
      }
      %ge3A_371 = arith.constant 2 : i32
      %ge3A_372 = arith.cmpi sge, %add3A_348, %ge3A_371 : i32
      %sub3A_373 = arith.constant 2 : i32
      %sub3A_374 = arith.subi %add3A_348, %sub3A_373 : i32
      %le3A_375 = arith.constant 124 : i32
      %le3A_376 = arith.cmpi sle, %sub3A_374, %le3A_375 : i32
      %and3A_377 = arith.andi %ge3A_372, %le3A_376 : i1
      %convert_element_type3A_378 = arith.extui %and3A_377 : i1 to i32
      %cond3A_379 = arith.constant 0 : i32
      %cond3A_380 = arith.cmpi ne, %convert_element_type3A_378, %cond3A_379 : i32
      scf.if %cond3A_380 {
        %dma_wait3A_526 = arith.constant 0 : i32
        %dma_wait3A_527 = arith.constant 0 : i32
        %dma_wait3A_528 = tpu.memref_slice %arg3[%dma_wait3A_526, %dma_wait3A_527] : memref<10240x128xf32, #tpu.memory_space<hbm>> -> memref<80x128xf32, #tpu.memory_space<hbm>>
        %dma_wait3A_529 = arith.constant 0 : i32
        %dma_wait3A_530 = arith.constant 0 : i32
        %dma_wait3A_531 = tpu.memref_slice %arg3[%dma_wait3A_529, %dma_wait3A_530] : memref<10240x128xf32, #tpu.memory_space<hbm>> -> memref<80x128xf32, #tpu.memory_space<hbm>>
        tpu.wait_dma2 semaphore(%arg29 : memref<!tpu.dma_semaphore, #tpu.memory_space<semaphore_mem>>) src(%dma_wait3A_531 : memref<80x128xf32, #tpu.memory_space<hbm>>) dst(%arg22 : memref<80x128xf32, #tpu.memory_space<vmem>>)
        %dma_start3A_532 = arith.constant 0 : i32
        %dma_start3A_533 = arith.constant 0 : i32
        %dma_start3A_534 = tpu.memref_slice %arg26[%dma_start3A_532, %dma_start3A_533] : memref<10240x128xf32, #tpu.memory_space<vmem_shared>> -> memref<10240x128xf32, #tpu.memory_space<vmem_shared>>
        tpu.enqueue_indirect_dma source(%arg22 : memref<80x128xf32, #tpu.memory_space<vmem>>) target(%dma_start3A_534 : memref<10240x128xf32, #tpu.memory_space<vmem_shared>>) offsets(%arg14 : memref<80xi32, #tpu.memory_space<vmem>>) semaphore(%arg32 : memref<!tpu.dma_semaphore, #tpu.memory_space<semaphore_mem>>) {add = true}
      } else {
      }
      %mul3A_381 = arith.constant 8 : i32
      %mul3A_382 = arith.muli %scan3A_241, %mul3A_381 : i32
      %add3A_383 = arith.constant 4 : i32
      %add3A_384 = arith.addi %mul3A_382, %add3A_383 : i32
      %ge3A_385 = arith.constant 4 : i32
      %ge3A_386 = arith.cmpi sge, %add3A_384, %ge3A_385 : i32
      %sub3A_387 = arith.constant 4 : i32
      %sub3A_388 = arith.subi %add3A_384, %sub3A_387 : i32
      %le3A_389 = arith.constant 124 : i32
      %le3A_390 = arith.cmpi sle, %sub3A_388, %le3A_389 : i32
      %and3A_391 = arith.andi %ge3A_386, %le3A_390 : i1
      %convert_element_type3A_392 = arith.extui %and3A_391 : i1 to i32
      %cond3A_393 = arith.constant 0 : i32
      %cond3A_394 = arith.cmpi ne, %convert_element_type3A_392, %cond3A_393 : i32
      scf.if %cond3A_394 {
        %dma_wait3A_526 = arith.constant 0 : i32
        %dma_wait3A_527 = arith.constant 0 : i32
        %dma_wait3A_528 = tpu.memref_slice %arg3[%dma_wait3A_526, %dma_wait3A_527] : memref<10240x128xf32, #tpu.memory_space<hbm>> -> memref<80x128xf32, #tpu.memory_space<hbm>>
        %dma_wait3A_529 = arith.constant 0 : i32
        %dma_wait3A_530 = arith.constant 0 : i32
        %dma_wait3A_531 = tpu.memref_slice %arg3[%dma_wait3A_529, %dma_wait3A_530] : memref<10240x128xf32, #tpu.memory_space<hbm>> -> memref<80x128xf32, #tpu.memory_space<hbm>>
        tpu.wait_dma2 semaphore(%arg32 : memref<!tpu.dma_semaphore, #tpu.memory_space<semaphore_mem>>) src(%dma_wait3A_531 : memref<80x128xf32, #tpu.memory_space<hbm>>) dst(%arg21 : memref<80x128xf32, #tpu.memory_space<vmem>>)
      } else {
      }
      %add3A_395 = arith.constant 2 : i32
      %add3A_396 = arith.addi %add3A_384, %add3A_395 : i32
      %le3A_397 = arith.constant 124 : i32
      %le3A_398 = arith.cmpi sle, %add3A_396, %le3A_397 : i32
      %convert_element_type3A_399 = arith.extui %le3A_398 : i1 to i32
      %cond3A_400 = arith.constant 0 : i32
      %cond3A_401 = arith.cmpi ne, %convert_element_type3A_399, %cond3A_400 : i32
      scf.if %cond3A_401 {
        %add3A_526 = arith.constant 2 : i32
        %add3A_527 = arith.addi %add3A_384, %add3A_526 : i32
        %mul3A_528 = arith.constant 10000 : i32
        %mul3A_529 = arith.muli %add3A, %mul3A_528 : i32
        %mul3A_530 = arith.constant 80 : i32
        %mul3A_531 = arith.muli %add3A_527, %mul3A_530 : i32
        %add3A_532 = arith.addi %mul3A_529, %mul3A_531 : i32
        %dma_start3A_533 = tpu.memref_slice %arg2[%add3A_532] : memref<640000xi32, #tpu.memory_space<hbm>> -> memref<80xi32, #tpu.memory_space<hbm>>
        %dma_start3A_534 = tpu.memref_slice %arg2[%add3A_532] : memref<640000xi32, #tpu.memory_space<hbm>> -> memref<80xi32, #tpu.memory_space<hbm>>
        tpu.enqueue_dma source(%dma_start3A_534 : memref<80xi32, #tpu.memory_space<hbm>>) target(%arg11 : memref<80xi32, #tpu.memory_space<vmem>>) target_semaphore(%arg27 : memref<!tpu.dma_semaphore, #tpu.memory_space<semaphore_mem>>)
        %add3A_535 = arith.constant 320000 : i32
        %add3A_536 = arith.addi %add3A_535, %add3A_532 : i32
        %dma_start3A_537 = tpu.memref_slice %arg2[%add3A_536] : memref<640000xi32, #tpu.memory_space<hbm>> -> memref<80xi32, #tpu.memory_space<hbm>>
        %dma_start3A_538 = tpu.memref_slice %arg2[%add3A_536] : memref<640000xi32, #tpu.memory_space<hbm>> -> memref<80xi32, #tpu.memory_space<hbm>>
        tpu.enqueue_dma source(%dma_start3A_538 : memref<80xi32, #tpu.memory_space<hbm>>) target(%arg19 : memref<80xi32, #tpu.memory_space<vmem>>) target_semaphore(%arg27 : memref<!tpu.dma_semaphore, #tpu.memory_space<semaphore_mem>>)
      } else {
      }
      %le3A_402 = arith.constant 124 : i32
      %le3A_403 = arith.cmpi sle, %add3A_384, %le3A_402 : i32
      %convert_element_type3A_404 = arith.extui %le3A_403 : i1 to i32
      %cond3A_405 = arith.constant 0 : i32
      %cond3A_406 = arith.cmpi ne, %convert_element_type3A_404, %cond3A_405 : i32
      scf.if %cond3A_406 {
        %dma_wait3A_526 = arith.constant 0 : i32
        %dma_wait3A_527 = tpu.memref_slice %arg2[%dma_wait3A_526] : memref<640000xi32, #tpu.memory_space<hbm>> -> memref<80xi32, #tpu.memory_space<hbm>>
        %dma_wait3A_528 = arith.constant 0 : i32
        %dma_wait3A_529 = tpu.memref_slice %arg2[%dma_wait3A_528] : memref<640000xi32, #tpu.memory_space<hbm>> -> memref<80xi32, #tpu.memory_space<hbm>>
        tpu.wait_dma2 semaphore(%arg27 : memref<!tpu.dma_semaphore, #tpu.memory_space<semaphore_mem>>) src(%dma_wait3A_529 : memref<80xi32, #tpu.memory_space<hbm>>) dst(%arg9 : memref<80xi32, #tpu.memory_space<vmem>>)
        %dma_wait3A_530 = arith.constant 0 : i32
        %dma_wait3A_531 = tpu.memref_slice %arg2[%dma_wait3A_530] : memref<640000xi32, #tpu.memory_space<hbm>> -> memref<80xi32, #tpu.memory_space<hbm>>
        %dma_wait3A_532 = arith.constant 0 : i32
        %dma_wait3A_533 = tpu.memref_slice %arg2[%dma_wait3A_532] : memref<640000xi32, #tpu.memory_space<hbm>> -> memref<80xi32, #tpu.memory_space<hbm>>
        tpu.wait_dma2 semaphore(%arg27 : memref<!tpu.dma_semaphore, #tpu.memory_space<semaphore_mem>>) src(%dma_wait3A_533 : memref<80xi32, #tpu.memory_space<hbm>>) dst(%arg17 : memref<80xi32, #tpu.memory_space<vmem>>)
        %dma_start3A_534 = arith.constant 0 : i32
        %dma_start3A_535 = arith.constant 0 : i32
        %dma_start3A_536 = tpu.memref_slice %arg3[%dma_start3A_534, %dma_start3A_535] : memref<10240x128xf32, #tpu.memory_space<hbm>> -> memref<10240x128xf32, #tpu.memory_space<hbm>>
        tpu.enqueue_indirect_dma source(%dma_start3A_536 : memref<10240x128xf32, #tpu.memory_space<hbm>>) target(%arg21 : memref<80x128xf32, #tpu.memory_space<vmem>>) offsets(%arg9 : memref<80xi32, #tpu.memory_space<vmem>>) semaphore(%arg28 : memref<!tpu.dma_semaphore, #tpu.memory_space<semaphore_mem>>)
      } else {
      }
      %ge3A_407 = arith.constant 2 : i32
      %ge3A_408 = arith.cmpi sge, %add3A_384, %ge3A_407 : i32
      %sub3A_409 = arith.constant 2 : i32
      %sub3A_410 = arith.subi %add3A_384, %sub3A_409 : i32
      %le3A_411 = arith.constant 124 : i32
      %le3A_412 = arith.cmpi sle, %sub3A_410, %le3A_411 : i32
      %and3A_413 = arith.andi %ge3A_408, %le3A_412 : i1
      %convert_element_type3A_414 = arith.extui %and3A_413 : i1 to i32
      %cond3A_415 = arith.constant 0 : i32
      %cond3A_416 = arith.cmpi ne, %convert_element_type3A_414, %cond3A_415 : i32
      scf.if %cond3A_416 {
        %dma_wait3A_526 = arith.constant 0 : i32
        %dma_wait3A_527 = arith.constant 0 : i32
        %dma_wait3A_528 = tpu.memref_slice %arg3[%dma_wait3A_526, %dma_wait3A_527] : memref<10240x128xf32, #tpu.memory_space<hbm>> -> memref<80x128xf32, #tpu.memory_space<hbm>>
        %dma_wait3A_529 = arith.constant 0 : i32
        %dma_wait3A_530 = arith.constant 0 : i32
        %dma_wait3A_531 = tpu.memref_slice %arg3[%dma_wait3A_529, %dma_wait3A_530] : memref<10240x128xf32, #tpu.memory_space<hbm>> -> memref<80x128xf32, #tpu.memory_space<hbm>>
        tpu.wait_dma2 semaphore(%arg30 : memref<!tpu.dma_semaphore, #tpu.memory_space<semaphore_mem>>) src(%dma_wait3A_531 : memref<80x128xf32, #tpu.memory_space<hbm>>) dst(%arg23 : memref<80x128xf32, #tpu.memory_space<vmem>>)
        %dma_start3A_532 = arith.constant 0 : i32
        %dma_start3A_533 = arith.constant 0 : i32
        %dma_start3A_534 = tpu.memref_slice %arg26[%dma_start3A_532, %dma_start3A_533] : memref<10240x128xf32, #tpu.memory_space<vmem_shared>> -> memref<10240x128xf32, #tpu.memory_space<vmem_shared>>
        tpu.enqueue_indirect_dma source(%arg23 : memref<80x128xf32, #tpu.memory_space<vmem>>) target(%dma_start3A_534 : memref<10240x128xf32, #tpu.memory_space<vmem_shared>>) offsets(%arg15 : memref<80xi32, #tpu.memory_space<vmem>>) semaphore(%arg32 : memref<!tpu.dma_semaphore, #tpu.memory_space<semaphore_mem>>) {add = true}
      } else {
      }
      %mul3A_417 = arith.constant 8 : i32
      %mul3A_418 = arith.muli %scan3A_241, %mul3A_417 : i32
      %add3A_419 = arith.constant 5 : i32
      %add3A_420 = arith.addi %mul3A_418, %add3A_419 : i32
      %ge3A_421 = arith.constant 4 : i32
      %ge3A_422 = arith.cmpi sge, %add3A_420, %ge3A_421 : i32
      %sub3A_423 = arith.constant 4 : i32
      %sub3A_424 = arith.subi %add3A_420, %sub3A_423 : i32
      %le3A_425 = arith.constant 124 : i32
      %le3A_426 = arith.cmpi sle, %sub3A_424, %le3A_425 : i32
      %and3A_427 = arith.andi %ge3A_422, %le3A_426 : i1
      %convert_element_type3A_428 = arith.extui %and3A_427 : i1 to i32
      %cond3A_429 = arith.constant 0 : i32
      %cond3A_430 = arith.cmpi ne, %convert_element_type3A_428, %cond3A_429 : i32
      scf.if %cond3A_430 {
        %dma_wait3A_526 = arith.constant 0 : i32
        %dma_wait3A_527 = arith.constant 0 : i32
        %dma_wait3A_528 = tpu.memref_slice %arg3[%dma_wait3A_526, %dma_wait3A_527] : memref<10240x128xf32, #tpu.memory_space<hbm>> -> memref<80x128xf32, #tpu.memory_space<hbm>>
        %dma_wait3A_529 = arith.constant 0 : i32
        %dma_wait3A_530 = arith.constant 0 : i32
        %dma_wait3A_531 = tpu.memref_slice %arg3[%dma_wait3A_529, %dma_wait3A_530] : memref<10240x128xf32, #tpu.memory_space<hbm>> -> memref<80x128xf32, #tpu.memory_space<hbm>>
        tpu.wait_dma2 semaphore(%arg32 : memref<!tpu.dma_semaphore, #tpu.memory_space<semaphore_mem>>) src(%dma_wait3A_531 : memref<80x128xf32, #tpu.memory_space<hbm>>) dst(%arg22 : memref<80x128xf32, #tpu.memory_space<vmem>>)
      } else {
      }
      %add3A_431 = arith.constant 2 : i32
      %add3A_432 = arith.addi %add3A_420, %add3A_431 : i32
      %le3A_433 = arith.constant 124 : i32
      %le3A_434 = arith.cmpi sle, %add3A_432, %le3A_433 : i32
      %convert_element_type3A_435 = arith.extui %le3A_434 : i1 to i32
      %cond3A_436 = arith.constant 0 : i32
      %cond3A_437 = arith.cmpi ne, %convert_element_type3A_435, %cond3A_436 : i32
      scf.if %cond3A_437 {
        %add3A_526 = arith.constant 2 : i32
        %add3A_527 = arith.addi %add3A_420, %add3A_526 : i32
        %mul3A_528 = arith.constant 10000 : i32
        %mul3A_529 = arith.muli %add3A, %mul3A_528 : i32
        %mul3A_530 = arith.constant 80 : i32
        %mul3A_531 = arith.muli %add3A_527, %mul3A_530 : i32
        %add3A_532 = arith.addi %mul3A_529, %mul3A_531 : i32
        %dma_start3A_533 = tpu.memref_slice %arg2[%add3A_532] : memref<640000xi32, #tpu.memory_space<hbm>> -> memref<80xi32, #tpu.memory_space<hbm>>
        %dma_start3A_534 = tpu.memref_slice %arg2[%add3A_532] : memref<640000xi32, #tpu.memory_space<hbm>> -> memref<80xi32, #tpu.memory_space<hbm>>
        tpu.enqueue_dma source(%dma_start3A_534 : memref<80xi32, #tpu.memory_space<hbm>>) target(%arg12 : memref<80xi32, #tpu.memory_space<vmem>>) target_semaphore(%arg27 : memref<!tpu.dma_semaphore, #tpu.memory_space<semaphore_mem>>)
        %add3A_535 = arith.constant 320000 : i32
        %add3A_536 = arith.addi %add3A_535, %add3A_532 : i32
        %dma_start3A_537 = tpu.memref_slice %arg2[%add3A_536] : memref<640000xi32, #tpu.memory_space<hbm>> -> memref<80xi32, #tpu.memory_space<hbm>>
        %dma_start3A_538 = tpu.memref_slice %arg2[%add3A_536] : memref<640000xi32, #tpu.memory_space<hbm>> -> memref<80xi32, #tpu.memory_space<hbm>>
        tpu.enqueue_dma source(%dma_start3A_538 : memref<80xi32, #tpu.memory_space<hbm>>) target(%arg20 : memref<80xi32, #tpu.memory_space<vmem>>) target_semaphore(%arg27 : memref<!tpu.dma_semaphore, #tpu.memory_space<semaphore_mem>>)
      } else {
      }
      %le3A_438 = arith.constant 124 : i32
      %le3A_439 = arith.cmpi sle, %add3A_420, %le3A_438 : i32
      %convert_element_type3A_440 = arith.extui %le3A_439 : i1 to i32
      %cond3A_441 = arith.constant 0 : i32
      %cond3A_442 = arith.cmpi ne, %convert_element_type3A_440, %cond3A_441 : i32
      scf.if %cond3A_442 {
        %dma_wait3A_526 = arith.constant 0 : i32
        %dma_wait3A_527 = tpu.memref_slice %arg2[%dma_wait3A_526] : memref<640000xi32, #tpu.memory_space<hbm>> -> memref<80xi32, #tpu.memory_space<hbm>>
        %dma_wait3A_528 = arith.constant 0 : i32
        %dma_wait3A_529 = tpu.memref_slice %arg2[%dma_wait3A_528] : memref<640000xi32, #tpu.memory_space<hbm>> -> memref<80xi32, #tpu.memory_space<hbm>>
        tpu.wait_dma2 semaphore(%arg27 : memref<!tpu.dma_semaphore, #tpu.memory_space<semaphore_mem>>) src(%dma_wait3A_529 : memref<80xi32, #tpu.memory_space<hbm>>) dst(%arg10 : memref<80xi32, #tpu.memory_space<vmem>>)
        %dma_wait3A_530 = arith.constant 0 : i32
        %dma_wait3A_531 = tpu.memref_slice %arg2[%dma_wait3A_530] : memref<640000xi32, #tpu.memory_space<hbm>> -> memref<80xi32, #tpu.memory_space<hbm>>
        %dma_wait3A_532 = arith.constant 0 : i32
        %dma_wait3A_533 = tpu.memref_slice %arg2[%dma_wait3A_532] : memref<640000xi32, #tpu.memory_space<hbm>> -> memref<80xi32, #tpu.memory_space<hbm>>
        tpu.wait_dma2 semaphore(%arg27 : memref<!tpu.dma_semaphore, #tpu.memory_space<semaphore_mem>>) src(%dma_wait3A_533 : memref<80xi32, #tpu.memory_space<hbm>>) dst(%arg18 : memref<80xi32, #tpu.memory_space<vmem>>)
        %dma_start3A_534 = arith.constant 0 : i32
        %dma_start3A_535 = arith.constant 0 : i32
        %dma_start3A_536 = tpu.memref_slice %arg3[%dma_start3A_534, %dma_start3A_535] : memref<10240x128xf32, #tpu.memory_space<hbm>> -> memref<10240x128xf32, #tpu.memory_space<hbm>>
        tpu.enqueue_indirect_dma source(%dma_start3A_536 : memref<10240x128xf32, #tpu.memory_space<hbm>>) target(%arg22 : memref<80x128xf32, #tpu.memory_space<vmem>>) offsets(%arg10 : memref<80xi32, #tpu.memory_space<vmem>>) semaphore(%arg29 : memref<!tpu.dma_semaphore, #tpu.memory_space<semaphore_mem>>)
      } else {
      }
      %ge3A_443 = arith.constant 2 : i32
      %ge3A_444 = arith.cmpi sge, %add3A_420, %ge3A_443 : i32
      %sub3A_445 = arith.constant 2 : i32
      %sub3A_446 = arith.subi %add3A_420, %sub3A_445 : i32
      %le3A_447 = arith.constant 124 : i32
      %le3A_448 = arith.cmpi sle, %sub3A_446, %le3A_447 : i32
      %and3A_449 = arith.andi %ge3A_444, %le3A_448 : i1
      %convert_element_type3A_450 = arith.extui %and3A_449 : i1 to i32
      %cond3A_451 = arith.constant 0 : i32
      %cond3A_452 = arith.cmpi ne, %convert_element_type3A_450, %cond3A_451 : i32
      scf.if %cond3A_452 {
        %dma_wait3A_526 = arith.constant 0 : i32
        %dma_wait3A_527 = arith.constant 0 : i32
        %dma_wait3A_528 = tpu.memref_slice %arg3[%dma_wait3A_526, %dma_wait3A_527] : memref<10240x128xf32, #tpu.memory_space<hbm>> -> memref<80x128xf32, #tpu.memory_space<hbm>>
        %dma_wait3A_529 = arith.constant 0 : i32
        %dma_wait3A_530 = arith.constant 0 : i32
        %dma_wait3A_531 = tpu.memref_slice %arg3[%dma_wait3A_529, %dma_wait3A_530] : memref<10240x128xf32, #tpu.memory_space<hbm>> -> memref<80x128xf32, #tpu.memory_space<hbm>>
        tpu.wait_dma2 semaphore(%arg31 : memref<!tpu.dma_semaphore, #tpu.memory_space<semaphore_mem>>) src(%dma_wait3A_531 : memref<80x128xf32, #tpu.memory_space<hbm>>) dst(%arg24 : memref<80x128xf32, #tpu.memory_space<vmem>>)
        %dma_start3A_532 = arith.constant 0 : i32
        %dma_start3A_533 = arith.constant 0 : i32
        %dma_start3A_534 = tpu.memref_slice %arg26[%dma_start3A_532, %dma_start3A_533] : memref<10240x128xf32, #tpu.memory_space<vmem_shared>> -> memref<10240x128xf32, #tpu.memory_space<vmem_shared>>
        tpu.enqueue_indirect_dma source(%arg24 : memref<80x128xf32, #tpu.memory_space<vmem>>) target(%dma_start3A_534 : memref<10240x128xf32, #tpu.memory_space<vmem_shared>>) offsets(%arg16 : memref<80xi32, #tpu.memory_space<vmem>>) semaphore(%arg32 : memref<!tpu.dma_semaphore, #tpu.memory_space<semaphore_mem>>) {add = true}
      } else {
      }
      %mul3A_453 = arith.constant 8 : i32
      %mul3A_454 = arith.muli %scan3A_241, %mul3A_453 : i32
      %add3A_455 = arith.constant 6 : i32
      %add3A_456 = arith.addi %mul3A_454, %add3A_455 : i32
      %ge3A_457 = arith.constant 4 : i32
      %ge3A_458 = arith.cmpi sge, %add3A_456, %ge3A_457 : i32
      %sub3A_459 = arith.constant 4 : i32
      %sub3A_460 = arith.subi %add3A_456, %sub3A_459 : i32
      %le3A_461 = arith.constant 124 : i32
      %le3A_462 = arith.cmpi sle, %sub3A_460, %le3A_461 : i32
      %and3A_463 = arith.andi %ge3A_458, %le3A_462 : i1
      %convert_element_type3A_464 = arith.extui %and3A_463 : i1 to i32
      %cond3A_465 = arith.constant 0 : i32
      %cond3A_466 = arith.cmpi ne, %convert_element_type3A_464, %cond3A_465 : i32
      scf.if %cond3A_466 {
        %dma_wait3A_526 = arith.constant 0 : i32
        %dma_wait3A_527 = arith.constant 0 : i32
        %dma_wait3A_528 = tpu.memref_slice %arg3[%dma_wait3A_526, %dma_wait3A_527] : memref<10240x128xf32, #tpu.memory_space<hbm>> -> memref<80x128xf32, #tpu.memory_space<hbm>>
        %dma_wait3A_529 = arith.constant 0 : i32
        %dma_wait3A_530 = arith.constant 0 : i32
        %dma_wait3A_531 = tpu.memref_slice %arg3[%dma_wait3A_529, %dma_wait3A_530] : memref<10240x128xf32, #tpu.memory_space<hbm>> -> memref<80x128xf32, #tpu.memory_space<hbm>>
        tpu.wait_dma2 semaphore(%arg32 : memref<!tpu.dma_semaphore, #tpu.memory_space<semaphore_mem>>) src(%dma_wait3A_531 : memref<80x128xf32, #tpu.memory_space<hbm>>) dst(%arg23 : memref<80x128xf32, #tpu.memory_space<vmem>>)
      } else {
      }
      %add3A_467 = arith.constant 2 : i32
      %add3A_468 = arith.addi %add3A_456, %add3A_467 : i32
      %le3A_469 = arith.constant 124 : i32
      %le3A_470 = arith.cmpi sle, %add3A_468, %le3A_469 : i32
      %convert_element_type3A_471 = arith.extui %le3A_470 : i1 to i32
      %cond3A_472 = arith.constant 0 : i32
      %cond3A_473 = arith.cmpi ne, %convert_element_type3A_471, %cond3A_472 : i32
      scf.if %cond3A_473 {
        %add3A_526 = arith.constant 2 : i32
        %add3A_527 = arith.addi %add3A_456, %add3A_526 : i32
        %mul3A_528 = arith.constant 10000 : i32
        %mul3A_529 = arith.muli %add3A, %mul3A_528 : i32
        %mul3A_530 = arith.constant 80 : i32
        %mul3A_531 = arith.muli %add3A_527, %mul3A_530 : i32
        %add3A_532 = arith.addi %mul3A_529, %mul3A_531 : i32
        %dma_start3A_533 = tpu.memref_slice %arg2[%add3A_532] : memref<640000xi32, #tpu.memory_space<hbm>> -> memref<80xi32, #tpu.memory_space<hbm>>
        %dma_start3A_534 = tpu.memref_slice %arg2[%add3A_532] : memref<640000xi32, #tpu.memory_space<hbm>> -> memref<80xi32, #tpu.memory_space<hbm>>
        tpu.enqueue_dma source(%dma_start3A_534 : memref<80xi32, #tpu.memory_space<hbm>>) target(%arg5 : memref<80xi32, #tpu.memory_space<vmem>>) target_semaphore(%arg27 : memref<!tpu.dma_semaphore, #tpu.memory_space<semaphore_mem>>)
        %add3A_535 = arith.constant 320000 : i32
        %add3A_536 = arith.addi %add3A_535, %add3A_532 : i32
        %dma_start3A_537 = tpu.memref_slice %arg2[%add3A_536] : memref<640000xi32, #tpu.memory_space<hbm>> -> memref<80xi32, #tpu.memory_space<hbm>>
        %dma_start3A_538 = tpu.memref_slice %arg2[%add3A_536] : memref<640000xi32, #tpu.memory_space<hbm>> -> memref<80xi32, #tpu.memory_space<hbm>>
        tpu.enqueue_dma source(%dma_start3A_538 : memref<80xi32, #tpu.memory_space<hbm>>) target(%arg13 : memref<80xi32, #tpu.memory_space<vmem>>) target_semaphore(%arg27 : memref<!tpu.dma_semaphore, #tpu.memory_space<semaphore_mem>>)
      } else {
      }
      %le3A_474 = arith.constant 124 : i32
      %le3A_475 = arith.cmpi sle, %add3A_456, %le3A_474 : i32
      %convert_element_type3A_476 = arith.extui %le3A_475 : i1 to i32
      %cond3A_477 = arith.constant 0 : i32
      %cond3A_478 = arith.cmpi ne, %convert_element_type3A_476, %cond3A_477 : i32
      scf.if %cond3A_478 {
        %dma_wait3A_526 = arith.constant 0 : i32
        %dma_wait3A_527 = tpu.memref_slice %arg2[%dma_wait3A_526] : memref<640000xi32, #tpu.memory_space<hbm>> -> memref<80xi32, #tpu.memory_space<hbm>>
        %dma_wait3A_528 = arith.constant 0 : i32
        %dma_wait3A_529 = tpu.memref_slice %arg2[%dma_wait3A_528] : memref<640000xi32, #tpu.memory_space<hbm>> -> memref<80xi32, #tpu.memory_space<hbm>>
        tpu.wait_dma2 semaphore(%arg27 : memref<!tpu.dma_semaphore, #tpu.memory_space<semaphore_mem>>) src(%dma_wait3A_529 : memref<80xi32, #tpu.memory_space<hbm>>) dst(%arg11 : memref<80xi32, #tpu.memory_space<vmem>>)
        %dma_wait3A_530 = arith.constant 0 : i32
        %dma_wait3A_531 = tpu.memref_slice %arg2[%dma_wait3A_530] : memref<640000xi32, #tpu.memory_space<hbm>> -> memref<80xi32, #tpu.memory_space<hbm>>
        %dma_wait3A_532 = arith.constant 0 : i32
        %dma_wait3A_533 = tpu.memref_slice %arg2[%dma_wait3A_532] : memref<640000xi32, #tpu.memory_space<hbm>> -> memref<80xi32, #tpu.memory_space<hbm>>
        tpu.wait_dma2 semaphore(%arg27 : memref<!tpu.dma_semaphore, #tpu.memory_space<semaphore_mem>>) src(%dma_wait3A_533 : memref<80xi32, #tpu.memory_space<hbm>>) dst(%arg19 : memref<80xi32, #tpu.memory_space<vmem>>)
        %dma_start3A_534 = arith.constant 0 : i32
        %dma_start3A_535 = arith.constant 0 : i32
        %dma_start3A_536 = tpu.memref_slice %arg3[%dma_start3A_534, %dma_start3A_535] : memref<10240x128xf32, #tpu.memory_space<hbm>> -> memref<10240x128xf32, #tpu.memory_space<hbm>>
        tpu.enqueue_indirect_dma source(%dma_start3A_536 : memref<10240x128xf32, #tpu.memory_space<hbm>>) target(%arg23 : memref<80x128xf32, #tpu.memory_space<vmem>>) offsets(%arg11 : memref<80xi32, #tpu.memory_space<vmem>>) semaphore(%arg30 : memref<!tpu.dma_semaphore, #tpu.memory_space<semaphore_mem>>)
      } else {
      }
      %ge3A_479 = arith.constant 2 : i32
      %ge3A_480 = arith.cmpi sge, %add3A_456, %ge3A_479 : i32
      %sub3A_481 = arith.constant 2 : i32
      %sub3A_482 = arith.subi %add3A_456, %sub3A_481 : i32
      %le3A_483 = arith.constant 124 : i32
      %le3A_484 = arith.cmpi sle, %sub3A_482, %le3A_483 : i32
      %and3A_485 = arith.andi %ge3A_480, %le3A_484 : i1
      %convert_element_type3A_486 = arith.extui %and3A_485 : i1 to i32
      %cond3A_487 = arith.constant 0 : i32
      %cond3A_488 = arith.cmpi ne, %convert_element_type3A_486, %cond3A_487 : i32
      scf.if %cond3A_488 {
        %dma_wait3A_526 = arith.constant 0 : i32
        %dma_wait3A_527 = arith.constant 0 : i32
        %dma_wait3A_528 = tpu.memref_slice %arg3[%dma_wait3A_526, %dma_wait3A_527] : memref<10240x128xf32, #tpu.memory_space<hbm>> -> memref<80x128xf32, #tpu.memory_space<hbm>>
        %dma_wait3A_529 = arith.constant 0 : i32
        %dma_wait3A_530 = arith.constant 0 : i32
        %dma_wait3A_531 = tpu.memref_slice %arg3[%dma_wait3A_529, %dma_wait3A_530] : memref<10240x128xf32, #tpu.memory_space<hbm>> -> memref<80x128xf32, #tpu.memory_space<hbm>>
        tpu.wait_dma2 semaphore(%arg28 : memref<!tpu.dma_semaphore, #tpu.memory_space<semaphore_mem>>) src(%dma_wait3A_531 : memref<80x128xf32, #tpu.memory_space<hbm>>) dst(%arg21 : memref<80x128xf32, #tpu.memory_space<vmem>>)
        %dma_start3A_532 = arith.constant 0 : i32
        %dma_start3A_533 = arith.constant 0 : i32
        %dma_start3A_534 = tpu.memref_slice %arg26[%dma_start3A_532, %dma_start3A_533] : memref<10240x128xf32, #tpu.memory_space<vmem_shared>> -> memref<10240x128xf32, #tpu.memory_space<vmem_shared>>
        tpu.enqueue_indirect_dma source(%arg21 : memref<80x128xf32, #tpu.memory_space<vmem>>) target(%dma_start3A_534 : memref<10240x128xf32, #tpu.memory_space<vmem_shared>>) offsets(%arg17 : memref<80xi32, #tpu.memory_space<vmem>>) semaphore(%arg32 : memref<!tpu.dma_semaphore, #tpu.memory_space<semaphore_mem>>) {add = true}
      } else {
      }
      %mul3A_489 = arith.constant 8 : i32
      %mul3A_490 = arith.muli %scan3A_241, %mul3A_489 : i32
      %add3A_491 = arith.constant 7 : i32
      %add3A_492 = arith.addi %mul3A_490, %add3A_491 : i32
      %ge3A_493 = arith.constant 4 : i32
      %ge3A_494 = arith.cmpi sge, %add3A_492, %ge3A_493 : i32
      %sub3A_495 = arith.constant 4 : i32
      %sub3A_496 = arith.subi %add3A_492, %sub3A_495 : i32
      %le3A_497 = arith.constant 124 : i32
      %le3A_498 = arith.cmpi sle, %sub3A_496, %le3A_497 : i32
      %and3A_499 = arith.andi %ge3A_494, %le3A_498 : i1
      %convert_element_type3A_500 = arith.extui %and3A_499 : i1 to i32
      %cond3A_501 = arith.constant 0 : i32
      %cond3A_502 = arith.cmpi ne, %convert_element_type3A_500, %cond3A_501 : i32
      scf.if %cond3A_502 {
        %dma_wait3A_526 = arith.constant 0 : i32
        %dma_wait3A_527 = arith.constant 0 : i32
        %dma_wait3A_528 = tpu.memref_slice %arg3[%dma_wait3A_526, %dma_wait3A_527] : memref<10240x128xf32, #tpu.memory_space<hbm>> -> memref<80x128xf32, #tpu.memory_space<hbm>>
        %dma_wait3A_529 = arith.constant 0 : i32
        %dma_wait3A_530 = arith.constant 0 : i32
        %dma_wait3A_531 = tpu.memref_slice %arg3[%dma_wait3A_529, %dma_wait3A_530] : memref<10240x128xf32, #tpu.memory_space<hbm>> -> memref<80x128xf32, #tpu.memory_space<hbm>>
        tpu.wait_dma2 semaphore(%arg32 : memref<!tpu.dma_semaphore, #tpu.memory_space<semaphore_mem>>) src(%dma_wait3A_531 : memref<80x128xf32, #tpu.memory_space<hbm>>) dst(%arg24 : memref<80x128xf32, #tpu.memory_space<vmem>>)
      } else {
      }
      %add3A_503 = arith.constant 2 : i32
      %add3A_504 = arith.addi %add3A_492, %add3A_503 : i32
      %le3A_505 = arith.constant 124 : i32
      %le3A_506 = arith.cmpi sle, %add3A_504, %le3A_505 : i32
      %convert_element_type3A_507 = arith.extui %le3A_506 : i1 to i32
      %cond3A_508 = arith.constant 0 : i32
      %cond3A_509 = arith.cmpi ne, %convert_element_type3A_507, %cond3A_508 : i32
      scf.if %cond3A_509 {
        %add3A_526 = arith.constant 2 : i32
        %add3A_527 = arith.addi %add3A_492, %add3A_526 : i32
        %mul3A_528 = arith.constant 10000 : i32
        %mul3A_529 = arith.muli %add3A, %mul3A_528 : i32
        %mul3A_530 = arith.constant 80 : i32
        %mul3A_531 = arith.muli %add3A_527, %mul3A_530 : i32
        %add3A_532 = arith.addi %mul3A_529, %mul3A_531 : i32
        %dma_start3A_533 = tpu.memref_slice %arg2[%add3A_532] : memref<640000xi32, #tpu.memory_space<hbm>> -> memref<80xi32, #tpu.memory_space<hbm>>
        %dma_start3A_534 = tpu.memref_slice %arg2[%add3A_532] : memref<640000xi32, #tpu.memory_space<hbm>> -> memref<80xi32, #tpu.memory_space<hbm>>
        tpu.enqueue_dma source(%dma_start3A_534 : memref<80xi32, #tpu.memory_space<hbm>>) target(%arg6 : memref<80xi32, #tpu.memory_space<vmem>>) target_semaphore(%arg27 : memref<!tpu.dma_semaphore, #tpu.memory_space<semaphore_mem>>)
        %add3A_535 = arith.constant 320000 : i32
        %add3A_536 = arith.addi %add3A_535, %add3A_532 : i32
        %dma_start3A_537 = tpu.memref_slice %arg2[%add3A_536] : memref<640000xi32, #tpu.memory_space<hbm>> -> memref<80xi32, #tpu.memory_space<hbm>>
        %dma_start3A_538 = tpu.memref_slice %arg2[%add3A_536] : memref<640000xi32, #tpu.memory_space<hbm>> -> memref<80xi32, #tpu.memory_space<hbm>>
        tpu.enqueue_dma source(%dma_start3A_538 : memref<80xi32, #tpu.memory_space<hbm>>) target(%arg14 : memref<80xi32, #tpu.memory_space<vmem>>) target_semaphore(%arg27 : memref<!tpu.dma_semaphore, #tpu.memory_space<semaphore_mem>>)
      } else {
      }
      %le3A_510 = arith.constant 124 : i32
      %le3A_511 = arith.cmpi sle, %add3A_492, %le3A_510 : i32
      %convert_element_type3A_512 = arith.extui %le3A_511 : i1 to i32
      %cond3A_513 = arith.constant 0 : i32
      %cond3A_514 = arith.cmpi ne, %convert_element_type3A_512, %cond3A_513 : i32
      scf.if %cond3A_514 {
        %dma_wait3A_526 = arith.constant 0 : i32
        %dma_wait3A_527 = tpu.memref_slice %arg2[%dma_wait3A_526] : memref<640000xi32, #tpu.memory_space<hbm>> -> memref<80xi32, #tpu.memory_space<hbm>>
        %dma_wait3A_528 = arith.constant 0 : i32
        %dma_wait3A_529 = tpu.memref_slice %arg2[%dma_wait3A_528] : memref<640000xi32, #tpu.memory_space<hbm>> -> memref<80xi32, #tpu.memory_space<hbm>>
        tpu.wait_dma2 semaphore(%arg27 : memref<!tpu.dma_semaphore, #tpu.memory_space<semaphore_mem>>) src(%dma_wait3A_529 : memref<80xi32, #tpu.memory_space<hbm>>) dst(%arg12 : memref<80xi32, #tpu.memory_space<vmem>>)
        %dma_wait3A_530 = arith.constant 0 : i32
        %dma_wait3A_531 = tpu.memref_slice %arg2[%dma_wait3A_530] : memref<640000xi32, #tpu.memory_space<hbm>> -> memref<80xi32, #tpu.memory_space<hbm>>
        %dma_wait3A_532 = arith.constant 0 : i32
        %dma_wait3A_533 = tpu.memref_slice %arg2[%dma_wait3A_532] : memref<640000xi32, #tpu.memory_space<hbm>> -> memref<80xi32, #tpu.memory_space<hbm>>
        tpu.wait_dma2 semaphore(%arg27 : memref<!tpu.dma_semaphore, #tpu.memory_space<semaphore_mem>>) src(%dma_wait3A_533 : memref<80xi32, #tpu.memory_space<hbm>>) dst(%arg20 : memref<80xi32, #tpu.memory_space<vmem>>)
        %dma_start3A_534 = arith.constant 0 : i32
        %dma_start3A_535 = arith.constant 0 : i32
        %dma_start3A_536 = tpu.memref_slice %arg3[%dma_start3A_534, %dma_start3A_535] : memref<10240x128xf32, #tpu.memory_space<hbm>> -> memref<10240x128xf32, #tpu.memory_space<hbm>>
        tpu.enqueue_indirect_dma source(%dma_start3A_536 : memref<10240x128xf32, #tpu.memory_space<hbm>>) target(%arg24 : memref<80x128xf32, #tpu.memory_space<vmem>>) offsets(%arg12 : memref<80xi32, #tpu.memory_space<vmem>>) semaphore(%arg31 : memref<!tpu.dma_semaphore, #tpu.memory_space<semaphore_mem>>)
      } else {
      }
      %ge3A_515 = arith.constant 2 : i32
      %ge3A_516 = arith.cmpi sge, %add3A_492, %ge3A_515 : i32
      %sub3A_517 = arith.constant 2 : i32
      %sub3A_518 = arith.subi %add3A_492, %sub3A_517 : i32
      %le3A_519 = arith.constant 124 : i32
      %le3A_520 = arith.cmpi sle, %sub3A_518, %le3A_519 : i32
      %and3A_521 = arith.andi %ge3A_516, %le3A_520 : i1
      %convert_element_type3A_522 = arith.extui %and3A_521 : i1 to i32
      %cond3A_523 = arith.constant 0 : i32
      %cond3A_524 = arith.cmpi ne, %convert_element_type3A_522, %cond3A_523 : i32
      scf.if %cond3A_524 {
        %dma_wait3A_526 = arith.constant 0 : i32
        %dma_wait3A_527 = arith.constant 0 : i32
        %dma_wait3A_528 = tpu.memref_slice %arg3[%dma_wait3A_526, %dma_wait3A_527] : memref<10240x128xf32, #tpu.memory_space<hbm>> -> memref<80x128xf32, #tpu.memory_space<hbm>>
        %dma_wait3A_529 = arith.constant 0 : i32
        %dma_wait3A_530 = arith.constant 0 : i32
        %dma_wait3A_531 = tpu.memref_slice %arg3[%dma_wait3A_529, %dma_wait3A_530] : memref<10240x128xf32, #tpu.memory_space<hbm>> -> memref<80x128xf32, #tpu.memory_space<hbm>>
        tpu.wait_dma2 semaphore(%arg29 : memref<!tpu.dma_semaphore, #tpu.memory_space<semaphore_mem>>) src(%dma_wait3A_531 : memref<80x128xf32, #tpu.memory_space<hbm>>) dst(%arg22 : memref<80x128xf32, #tpu.memory_space<vmem>>)
        %dma_start3A_532 = arith.constant 0 : i32
        %dma_start3A_533 = arith.constant 0 : i32
        %dma_start3A_534 = tpu.memref_slice %arg26[%dma_start3A_532, %dma_start3A_533] : memref<10240x128xf32, #tpu.memory_space<vmem_shared>> -> memref<10240x128xf32, #tpu.memory_space<vmem_shared>>
        tpu.enqueue_indirect_dma source(%arg22 : memref<80x128xf32, #tpu.memory_space<vmem>>) target(%dma_start3A_534 : memref<10240x128xf32, #tpu.memory_space<vmem_shared>>) offsets(%arg18 : memref<80xi32, #tpu.memory_space<vmem>>) semaphore(%arg32 : memref<!tpu.dma_semaphore, #tpu.memory_space<semaphore_mem>>) {add = true}
      } else {
      }
      %scan3A_525 = arith.constant 0 : i32
      scf.yield %scan3A_525 : i32
    }
    %scan3A_233 = arith.constant 16 : i32
    %dma_wait3A_234 = arith.constant 0 : i32
    %dma_wait3A_235 = arith.constant 0 : i32
    %dma_wait3A_236 = tpu.memref_slice %arg3[%dma_wait3A_234, %dma_wait3A_235] : memref<10240x128xf32, #tpu.memory_space<hbm>> -> memref<80x128xf32, #tpu.memory_space<hbm>>
    %dma_wait3A_237 = arith.constant 0 : i32
    %dma_wait3A_238 = arith.constant 0 : i32
    %dma_wait3A_239 = tpu.memref_slice %arg3[%dma_wait3A_237, %dma_wait3A_238] : memref<10240x128xf32, #tpu.memory_space<hbm>> -> memref<80x128xf32, #tpu.memory_space<hbm>>
    tpu.wait_dma2 semaphore(%arg32 : memref<!tpu.dma_semaphore, #tpu.memory_space<semaphore_mem>>) src(%dma_wait3A_239 : memref<80x128xf32, #tpu.memory_space<hbm>>) dst(%arg21 : memref<80x128xf32, #tpu.memory_space<vmem>>)
    %barrier3A_240 = arith.constant 0 : index
    tpu.barrier barrier_id(%barrier3A_240)
    "tpu.region"() ({
      %run_scoped3A = tpu.sem_alloc : memref<!tpu.dma_semaphore, #tpu.memory_space<semaphore_mem>>
      %dma_start3A_241 = arith.constant 0 : i32
      %dma_start3A_242 = tpu.memref_slice %arg4[%arg0, %mul3A_2, %dma_start3A_241] : memref<2x10240x128xf32, #tpu.memory_space<hbm>> -> memref<1x640x128xf32, #tpu.memory_space<hbm>>
      %dma_start3A_243 = tpu.memref_squeeze %dma_start3A_242 : memref<1x640x128xf32, #tpu.memory_space<hbm>> -> memref<640x128xf32, #tpu.memory_space<hbm>>
      %dma_start3A_244 = arith.constant 0 : i32
      %dma_start3A_245 = tpu.memref_slice %arg26[%mul3A_2, %dma_start3A_244] : memref<10240x128xf32, #tpu.memory_space<vmem_shared>> -> memref<640x128xf32, #tpu.memory_space<vmem_shared>>
      tpu.enqueue_dma source(%dma_start3A_245 : memref<640x128xf32, #tpu.memory_space<vmem_shared>>) target(%dma_start3A_243 : memref<640x128xf32, #tpu.memory_space<hbm>>) target_semaphore(%run_scoped3A : memref<!tpu.dma_semaphore, #tpu.memory_space<semaphore_mem>>)
      %dma_wait3A_246 = arith.constant 0 : i32
      %dma_wait3A_247 = tpu.memref_slice %arg4[%arg0, %mul3A_2, %dma_wait3A_246] : memref<2x10240x128xf32, #tpu.memory_space<hbm>> -> memref<1x640x128xf32, #tpu.memory_space<hbm>>
      %dma_wait3A_248 = tpu.memref_squeeze %dma_wait3A_247 : memref<1x640x128xf32, #tpu.memory_space<hbm>> -> memref<640x128xf32, #tpu.memory_space<hbm>>
      %dma_wait3A_249 = arith.constant 0 : i32
      %dma_wait3A_250 = tpu.memref_slice %arg26[%mul3A_2, %dma_wait3A_249] : memref<10240x128xf32, #tpu.memory_space<vmem_shared>> -> memref<640x128xf32, #tpu.memory_space<vmem_shared>>
      tpu.wait_dma2 semaphore(%run_scoped3A : memref<!tpu.dma_semaphore, #tpu.memory_space<semaphore_mem>>) src(%dma_wait3A_250 : memref<640x128xf32, #tpu.memory_space<vmem_shared>>) dst(%dma_wait3A_248 : memref<640x128xf32, #tpu.memory_space<hbm>>)
      tpu.yield
    }) : () -> ()
    return
  }
}

module attributes {stable_mosaic.version = 14 : i64} {
  func.func @_g_tc(%arg0: memref<10000x128xf32, #tpu.memory_space<vmem>>, %arg1: memref<128x128xf32, #tpu.memory_space<vmem>>, %arg2: memref<10240x1xf32, #tpu.memory_space<vmem>>, %arg3: memref<10240x128xf32, #tpu.memory_space<vmem>>) attributes {dimension_semantics = [], scalar_prefetch = 0 : i64, scratch_operands = 0 : i64, tpu.core_type = #tpu.core_type<tc>} {
    %get3A = arith.constant 0 : index
    %get3A_0 = arith.constant 0 : index
    %get3A_1 = vector.load %arg0[%get3A, %get3A_0] : memref<10000x128xf32, #tpu.memory_space<vmem>>, vector<10000x128xf32>
    %get3A_2 = arith.constant 0 : index
    %get3A_3 = arith.constant 0 : index
    %get3A_4 = vector.load %arg1[%get3A_2, %get3A_3] : memref<128x128xf32, #tpu.memory_space<vmem>>, vector<128x128xf32>
    %dot_general3A = arith.constant dense<0.000000e+00> : vector<10000x128xf32>
    %dot_general3A_5 = tpu.matmul %get3A_1, %get3A_4, %dot_general3A {dimension_numbers = #tpu.dot_dimension_numbers<[1], [0], [0], [1], [0, 0, 1, 1], [], []>, transpose_lhs_hint = false} : vector<10000x128xf32>, vector<128x128xf32>, vector<10000x128xf32> -> vector<10000x128xf32>
    %get3A_6 = arith.constant 0 : index
    %get3A_7 = arith.constant 0 : index
    %get3A_8 = vector.load %arg2[%get3A_6, %get3A_7] : memref<10240x1xf32, #tpu.memory_space<vmem>>, vector<10000x1xf32>
    %mul3A = vector.broadcast %get3A_8 : vector<10000x1xf32> to vector<10000x128xf32>
    %mul3A_9 = arith.mulf %mul3A, %dot_general3A_5 : vector<10000x128xf32>
    %swap3A = arith.constant 0 : index
    %swap3A_10 = arith.constant 0 : index
    %swap3A_11 = vector.load %arg3[%swap3A, %swap3A_10] : memref<10240x128xf32, #tpu.memory_space<vmem>>, vector<10000x128xf32>
    tpu.vector_store %arg3[%swap3A, %swap3A_10], %mul3A_9 {strides = array<i32>} : memref<10240x128xf32, #tpu.memory_space<vmem>>, vector<10000x128xf32>,
    %broadcast_in_dim3A = arith.constant 0.000000e+00 : f32
    %broadcast_in_dim3A_12 = vector.broadcast %broadcast_in_dim3A : f32 to vector<240x128xf32>
    %swap3A_13 = arith.constant 10000 : index
    %swap3A_14 = arith.constant 0 : index
    %swap3A_15 = vector.load %arg3[%swap3A_13, %swap3A_14] : memref<10240x128xf32, #tpu.memory_space<vmem>>, vector<240x128xf32>
    tpu.vector_store %arg3[%swap3A_13, %swap3A_14], %broadcast_in_dim3A_12 {strides = array<i32>} : memref<10240x128xf32, #tpu.memory_space<vmem>>, vector<240x128xf32>,
    return
  }
}

module attributes {stable_mosaic.version = 14 : i64} {
  func.func @_dis_tc(%arg0: memref<2x10240xf32, #tpu.memory_space<vmem>>, %arg1: memref<1x10240xf32, #tpu.memory_space<vmem>>) attributes {dimension_semantics = [], scalar_prefetch = 0 : i64, scratch_operands = 0 : i64, tpu.core_type = #tpu.core_type<tc>} {
    %get3A = arith.constant 0 : index
    %get3A_0 = arith.constant 0 : index
    %get3A_1 = vector.load %arg0[%get3A, %get3A_0] : memref<2x10240xf32, #tpu.memory_space<vmem>>, vector<1x10240xf32>
    %get3A_2 = arith.constant 1 : index
    %get3A_3 = arith.constant 0 : index
    %get3A_4 = vector.load %arg0[%get3A_2, %get3A_3] : memref<2x10240xf32, #tpu.memory_space<vmem>>, vector<1x10240xf32>
    %add3A = arith.addf %get3A_1, %get3A_4 : vector<1x10240xf32>
    %add3A_5 = arith.constant 1.000000e+00 : f32
    %add3A_6 = vector.broadcast %add3A_5 : f32 to vector<1x10240xf32>
    %add3A_7 = arith.addf %add3A, %add3A_6 : vector<1x10240xf32>
    %rsqrt3A = math.rsqrt %add3A_7 : vector<1x10240xf32>
    %swap3A = arith.constant 0 : index
    %swap3A_8 = arith.constant 0 : index
    %swap3A_9 = vector.load %arg1[%swap3A, %swap3A_8] : memref<1x10240xf32, #tpu.memory_space<vmem>>, vector<1x10240xf32>
    tpu.vector_store %arg1[%swap3A, %swap3A_8], %rsqrt3A {strides = array<i32>} : memref<1x10240xf32, #tpu.memory_space<vmem>>, vector<1x10240xf32>,
    return
  }
}

module attributes {stable_mosaic.version = 14 : i64} {
  func.func @_final_tc(%arg0: memref<2x10240x128xf32, #tpu.memory_space<vmem>>, %arg1: memref<10240x128xf32, #tpu.memory_space<vmem>>, %arg2: memref<10240x1xf32, #tpu.memory_space<vmem>>, %arg3: memref<1x128xf32, #tpu.memory_space<vmem>>, %arg4: memref<1x128xf32, #tpu.memory_space<vmem>>, %arg5: memref<1x128xf32, #tpu.memory_space<vmem>>, %arg6: memref<10000x128xf32, #tpu.memory_space<vmem>>) attributes {dimension_semantics = [], scalar_prefetch = 0 : i64, scratch_operands = 0 : i64, tpu.core_type = #tpu.core_type<tc>} {
    %get3A = arith.constant 0 : index
    %get3A_0 = arith.constant 0 : index
    %get3A_1 = arith.constant 0 : index
    %get3A_2 = vector.load %arg0[%get3A, %get3A_0, %get3A_1] : memref<2x10240x128xf32, #tpu.memory_space<vmem>>, vector<1x10000x128xf32>
    %get3A_3 = vector.shape_cast %get3A_2 : vector<1x10000x128xf32> to vector<10000x128xf32>
    %get3A_4 = arith.constant 1 : index
    %get3A_5 = arith.constant 0 : index
    %get3A_6 = arith.constant 0 : index
    %get3A_7 = vector.load %arg0[%get3A_4, %get3A_5, %get3A_6] : memref<2x10240x128xf32, #tpu.memory_space<vmem>>, vector<1x10000x128xf32>
    %get3A_8 = vector.shape_cast %get3A_7 : vector<1x10000x128xf32> to vector<10000x128xf32>
    %add3A = arith.addf %get3A_3, %get3A_8 : vector<10000x128xf32>
    %get3A_9 = arith.constant 0 : index
    %get3A_10 = arith.constant 0 : index
    %get3A_11 = vector.load %arg1[%get3A_9, %get3A_10] : memref<10240x128xf32, #tpu.memory_space<vmem>>, vector<10000x128xf32>
    %add3A_12 = arith.addf %add3A, %get3A_11 : vector<10000x128xf32>
    %get3A_13 = arith.constant 0 : index
    %get3A_14 = arith.constant 0 : index
    %get3A_15 = vector.load %arg2[%get3A_13, %get3A_14] : memref<10240x1xf32, #tpu.memory_space<vmem>>, vector<10000x1xf32>
    %mul3A = vector.broadcast %get3A_15 : vector<10000x1xf32> to vector<10000x128xf32>
    %mul3A_16 = arith.mulf %mul3A, %add3A_12 : vector<10000x128xf32>
    %get3A_17 = arith.constant 0 : index
    %get3A_18 = arith.constant 0 : index
    %get3A_19 = vector.load %arg3[%get3A_17, %get3A_18] : memref<1x128xf32, #tpu.memory_space<vmem>>, vector<1x128xf32>
    %add3A_20 = vector.broadcast %get3A_19 : vector<1x128xf32> to vector<10000x128xf32>
    %add3A_21 = arith.addf %mul3A_16, %add3A_20 : vector<10000x128xf32>
    %reduce_sum3A = arith.constant dense<0.000000e+00> : vector<128xf32>
    %reduce_sum3A_22 = vector.multi_reduction <add>, %add3A_21, %reduce_sum3A [0] : vector<10000x128xf32> to vector<128xf32>
    %broadcast_in_dim3A = vector.shape_cast %reduce_sum3A_22 : vector<128xf32> to vector<1x128xf32>
    %div3A = arith.constant 1.000000e+04 : f32
    %div3A_23 = vector.broadcast %div3A : f32 to vector<1x128xf32>
    %div3A_24 = arith.divf %broadcast_in_dim3A, %div3A_23 : vector<1x128xf32>
    %sub3A = vector.broadcast %div3A_24 : vector<1x128xf32> to vector<10000x128xf32>
    %sub3A_25 = arith.subf %add3A_21, %sub3A : vector<10000x128xf32>
    %integer_pow3A = arith.mulf %sub3A_25, %sub3A_25 : vector<10000x128xf32>
    %reduce_sum3A_26 = arith.constant dense<0.000000e+00> : vector<128xf32>
    %reduce_sum3A_27 = vector.multi_reduction <add>, %integer_pow3A, %reduce_sum3A_26 [0] : vector<10000x128xf32> to vector<128xf32>
    %broadcast_in_dim3A_28 = vector.shape_cast %reduce_sum3A_27 : vector<128xf32> to vector<1x128xf32>
    %div3A_29 = arith.constant 1.000000e+04 : f32
    %div3A_30 = vector.broadcast %div3A_29 : f32 to vector<1x128xf32>
    %div3A_31 = arith.divf %broadcast_in_dim3A_28, %div3A_30 : vector<1x128xf32>
    %sub3A_32 = vector.broadcast %div3A_24 : vector<1x128xf32> to vector<10000x128xf32>
    %sub3A_33 = arith.subf %add3A_21, %sub3A_32 : vector<10000x128xf32>
    %add3A_34 = arith.constant 9.99999974E-6 : f32
    %add3A_35 = vector.broadcast %add3A_34 : f32 to vector<1x128xf32>
    %add3A_36 = arith.addf %div3A_31, %add3A_35 : vector<1x128xf32>
    %rsqrt3A = math.rsqrt %add3A_36 : vector<1x128xf32>
    %mul3A_37 = vector.broadcast %rsqrt3A : vector<1x128xf32> to vector<10000x128xf32>
    %mul3A_38 = arith.mulf %sub3A_33, %mul3A_37 : vector<10000x128xf32>
    %get3A_39 = arith.constant 0 : index
    %get3A_40 = arith.constant 0 : index
    %get3A_41 = vector.load %arg4[%get3A_39, %get3A_40] : memref<1x128xf32, #tpu.memory_space<vmem>>, vector<1x128xf32>
    %mul3A_42 = vector.broadcast %get3A_41 : vector<1x128xf32> to vector<10000x128xf32>
    %mul3A_43 = arith.mulf %mul3A_38, %mul3A_42 : vector<10000x128xf32>
    %get3A_44 = arith.constant 0 : index
    %get3A_45 = arith.constant 0 : index
    %get3A_46 = vector.load %arg5[%get3A_44, %get3A_45] : memref<1x128xf32, #tpu.memory_space<vmem>>, vector<1x128xf32>
    %add3A_47 = vector.broadcast %get3A_46 : vector<1x128xf32> to vector<10000x128xf32>
    %add3A_48 = arith.addf %mul3A_43, %add3A_47 : vector<10000x128xf32>
    %max3A = arith.constant 0.000000e+00 : f32
    %max3A_49 = vector.broadcast %max3A : f32 to vector<10000x128xf32>
    %max3A_50 = arith.maximumf %add3A_48, %max3A_49 : vector<10000x128xf32>
    %swap3A = arith.constant 0 : index
    %swap3A_51 = arith.constant 0 : index
    %swap3A_52 = vector.load %arg6[%swap3A, %swap3A_51] : memref<10000x128xf32, #tpu.memory_space<vmem>>, vector<10000x128xf32>
    tpu.vector_store %arg6[%swap3A, %swap3A_51], %max3A_50 {strides = array<i32>} : memref<10000x128xf32, #tpu.memory_space<vmem>>, vector<10000x128xf32>,
    return
  }
}

</mosaic_0001>

<sc_bundles>
// kernel: kernel.10.cloned.1.call-start
scs
__scs_entry_jumppad:
0x0: {  	(pc) =	sbr.rel $0x88, $3  }
0x1: {  	(tag) =	ssettag $0x0;
	lr =	simm.s32 $0x1  }
0x2: {  	[smem:$0x3F9B] =	sst lr;
	_ =	strace $0xD0000000  }
0x3: {  	_ = 	snop  }
0x4: {  	_ = 	snop  }
0x5: {  	_ = 	snop  }
0x6: {  	_ = 	snop  }
0x7: {  	_ = 	snop  }
__scs_overlays_trampoline_lowered:
0x8: {  	[smem:$0x3FAA] =	sst s0  }
0x9: {  	[smem:$0x3FAB] =	sst s1  }
0xa: {  	[smem:$0x3FAC] =	sst s2  }
0xb: {  	[smem:$0x3FAD] =	sst s3  }
0xc: {  	[smem:$0x3FAE] =	sst s4  }
0xd: {  	[smem:$0x3FAF] =	sst s5  }
0xe: {  	[smem:$0x3FB0] =	sst s6  }
0xf: {  	[smem:$0x3FB1] =	sst s7  }
0x10: {  	[smem:$0x3FB2] =	sst s8  }
0x11: {  	[smem:$0x3FB3] =	sst s9;
	s0 =	simm.s32 @!p0 $0x0  }
0x12: {  	s1 =	sld [smem:$0x3F99];
	s0 =	simm.s32 @p0 $0x1  }
0x13: {  	[smem:$0x3FB4] =	sst s0;
	s0 =	simm.s32 @!p1 $0x0  }
0x14: {  	s2 =	sld [smem:$0x3F98];
	s0 =	simm.s32 @p1 $0x1  }
0x15: {  	[smem:$0x3FB5] =	sst s0;
	s0 =	simm.s32 @!p2 $0x0  }
0x16: {  	s3 =	sld [smem:$0x3FDB];
	s0 =	simm.s32 @p2 $0x1  }
0x17: {  	s4 =	simm.s32 $0x1BF5;
	[smem:$0x3FB7] =	sst s0  }
0x18: {  	s0 =	sld [smem:$0x3F9A];
	_ =	swait.ge [sflag:s4], $0x0  }
0x19: {  	s7 =	sld [smem:$0x3F9B]  }
0x1a: {  	s8 =	sadd.s32 $0xFFFFE003, lr  }
0x1b: {  	s9 =	sadd.s32 $0xFFFFFEF7, lr;
	s5 =	simm.s32 $0xFFFFFFFF;
	p2 =	slt.u32 s8, $0xFFFFF086  }
0x1c: {  	p1 =	slt.u32 s9, $0xF7A;
	s5 =	simm.s32 @!p2 $0x0  }
0x1d: {  	s5 =	simm.s32 @p1 $0x1;
	p0 =	seq.s32 s7, s2  }
0x1e: {  	s7 =	smul.u32 @!p0 $0xF7A, s2;
	p2 =	seq.s32 @!p0 s5, $0x0  }
0x1f: {  	s9 =	smul.u32 $0xF7A, s1;
	s8 =	simm.s32 @!p0 $0x1BF5;
	p2 =	por !p2, p0  }
0x20: {  	[sflag:s8] =	ssyncset.s32 @!p0 $0xFFFFF086;
	s6 =	sadd.s32 @!p0 s3, s7;
	s7 =	simm.s32 @!p0 $0x108  }
0x21: {  	s3 =	sadd.s32 s3, s9;
	s6 =	sadd.s32 @!p0 $0x88, s6;
	s7 =	simm.s32 @p2 $0x1082  }
0x22: {  	[simem:s7], [sflag:s8] =	dma.local @!p0 [hbm:s6], $0xF7A  }
0x23: {  	s9 =	sor.u32 $0xD0000000, s2;
	s6 =	simm.s32 $0x108;
	_ =	swait.ge @!p0 [sflag:s8], $0x0  }
0x24: {  	s3 =	sadd.s32 $0x88, s3;
	s6 =	simm.s32 @!p1 $0x1082;
	[sflag:s4] =	ssyncset.s32 $0xFFFFF086  }
0x25: {  	[simem:s6], [sflag:s4] =	dma.local [hbm:s3], $0xF7A  }
0x26: {  	[smem:$0x3F9B] =	sst s1;
	(tag) =	ssettag s2;
	_ =	strace s9  }
0x27: {  	s1 =	sld [smem:$0x3FAB]  }
0x28: {  	s2 =	sld [smem:$0x3FAC]  }
0x29: {  	s4 =	sld [smem:$0x3FAE]  }
0x2a: {  	p0 =	seq.s32 s5, $0x0;
	s5 =	sld [smem:$0x3FAF]  }
0x2b: {  	s6 =	sld [smem:$0x3FB0]  }
0x2c: {  	s7 =	sld [smem:$0x3FB1]  }
0x2d: {  	s3 =	simm.s32 $0x108;
	s8 =	sld [smem:$0x3FB2]  }
0x2e: {  	s3 =	simm.s32 @!p0 $0x1082;
	s9 =	sld [smem:$0x3FB3]  }
0x2f: {  	lr =	sadd.s32 s0, s3;
	s0 =	sld [smem:$0x3FAA]  }
0x30: {  	s3 =	sld [smem:$0x3FAD]  }
0x31: {  	[smem:$0x3FB6] =	sst s10  }
0x32: {  	s10 =	sld [smem:$0x3FB4];
	_ =	sdelay $0x3  }
0x33: {  	p0 =	seq.s32 s10, $0x1;
	s10 =	sld [smem:$0x3FB6];
	_ =	sdelay $0x3  }
0x34: {  	[smem:$0x3FB6] =	sst s10  }
0x35: {  	s10 =	sld [smem:$0x3FB5];
	_ =	sdelay $0x3  }
0x36: {  	p1 =	seq.s32 s10, $0x1;
	s10 =	sld [smem:$0x3FB6];
	_ =	sdelay $0x3  }
0x37: {  	[smem:$0x3FB6] =	sst s10  }
0x38: {  	s10 =	sld [smem:$0x3FB7]  }
0x39: {  	_ = 	snop;
	(pc) =	sbr.ind lr, $3  }
0x3a: {  	_ = 	snop  }
0x3b: {  	_ = 	snop  }
0x3c: {  	p2 =	seq.s32 s10, $0x1;
	s10 =	sld [smem:$0x3FB6]  }
0x3d: {  	_ =	shalt  }
0x3e: {  	_ =	shalt  }
0x3f: {  	_ =	shalt  }
0x40: {  	_ =	shalt  }
0x41: {  	_ =	shalt  }
0x42: {  	_ =	shalt  }
0x43: {  	_ =	shalt  }
0x44: {  	_ =	shalt  }
0x45: {  	_ =	shalt  }
0x46: {  	_ =	shalt  }
0x47: {  	_ =	shalt  }
0x48: {  	_ =	shalt  }
0x49: {  	_ =	shalt  }
0x4a: {  	_ =	shalt  }
0x4b: {  	_ =	shalt  }
0x4c: {  	_ =	shalt  }
0x4d: {  	_ =	shalt  }
0x4e: {  	_ =	shalt  }
0x4f: {  	_ =	shalt  }
0x50: {  	_ =	shalt  }
0x51: {  	_ =	shalt  }
0x52: {  	_ =	shalt  }
0x53: {  	_ =	shalt  }
0x54: {  	_ =	shalt  }
0x55: {  	_ =	shalt  }
0x56: {  	_ =	shalt  }
0x57: {  	_ =	shalt  }
0x58: {  	_ =	shalt  }
0x59: {  	_ =	shalt  }
0x5a: {  	_ =	shalt  }
0x5b: {  	_ =	shalt  }
0x5c: {  	_ =	shalt  }
0x5d: {  	_ =	shalt  }
0x5e: {  	_ =	shalt  }
0x5f: {  	_ =	shalt  }
0x60: {  	_ =	shalt  }
0x61: {  	_ =	shalt  }
0x62: {  	_ =	shalt  }
0x63: {  	_ =	shalt  }
0x64: {  	_ =	shalt  }
0x65: {  	_ =	shalt  }
0x66: {  	_ =	shalt  }
0x67: {  	_ =	shalt  }
0x68: {  	_ =	shalt  }
0x69: {  	_ =	shalt  }
0x6a: {  	_ =	shalt  }
0x6b: {  	_ =	shalt  }
0x6c: {  	_ =	shalt  }
0x6d: {  	_ =	shalt  }
0x6e: {  	_ =	shalt  }
0x6f: {  	_ =	shalt  }
0x70: {  	_ =	shalt  }
0x71: {  	_ =	shalt  }
0x72: {  	_ =	shalt  }
0x73: {  	_ =	shalt  }
0x74: {  	_ =	shalt  }
0x75: {  	_ =	shalt  }
0x76: {  	_ =	shalt  }
0x77: {  	_ =	shalt  }
0x78: {  	_ =	shalt  }
0x79: {  	_ =	shalt  }
0x7a: {  	_ =	shalt  }
0x7b: {  	_ =	shalt  }
0x7c: {  	_ =	shalt  }
0x7d: {  	_ =	shalt  }
0x7e: {  	_ =	shalt  }
0x7f: {  	_ =	shalt  }
0x80: {  	_ =	shalt  }
0x81: {  	_ =	shalt  }
0x82: {  	_ =	shalt  }
0x83: {  	_ =	shalt  }
0x84: {  	_ =	shalt  }
0x85: {  	_ =	shalt  }
0x86: {  	_ =	shalt  }
0x87: {  	_ =	shalt  }
.Lfunc_end0:
.L_simem_size_0:
called_computation.1_lowered:
.L_overlay_start_0:
0x88: {  	s2 =	sld [smem:$0x3FD9]  }
0x89: {  	s3 =	sld [smem:$0x3FFE];
	_ =	sdelay $0x1  }
0x8a: {  	s1 =	srdreg.scid  }
0x8b: {  	s0 =	sand.u32 $0x1, s1  }
0x8c: {  	s17 =	sshll.u32 s0, $0xA;
	s2 =	sadd.s32 s3, s2  }
0x8d: {  	s2 =	sadd.s32 s2, s17  }
0x8e: {  	[smem:$0x3FC2] =	sst s2  }
0x8f: {  	_ = 	snop  }
0x90: {  	s2 =	sld [smem:$0x3FD0];
	(tm) =	ssettm $0x1  }
0x91: {  	s18 =	sld [smem:$0x3FFB];
	_ =	sdelay $0x3  }
0x92: {  	_ =	strace s18  }
0x93: {  	s3 =	sld [smem:$0x3FFC];
	_ =	sdelay $0x3  }
0x94: {  	_ =	strace s3  }
0x95: {  	s3 =	sld [smem:$0x3FFD];
	_ =	sdelay $0x3  }
0x96: {  	_ =	strace s3  }
0x97: {  	_ =	strace $0x8FFFFFFF  }
0x98: {  	s19 =	sld [smem:$0x3FDB];
	_ =	sdelay $0x1  }
0x99: {  	s4 =	simm.s32 $_scs_section_size  }
0x9a: {  	s5 =	simm.s32 $_size__tile_overlayer_lowered;
	s6 =	simm.s32 $_tile_overlayer_lowered  }
0x9b: {  	s22 =	simm.s32 $0x1BFF;
	s21 =	sshll.u32 s6, $0x1;
	s3 =	sadd.s32 s4, s19  }
0x9c: {  	s7 =	simm.s32 $0x0;
	s20 =	sshll.u32 s5, $0x1;
	s5 =	sadd.s32 s21, s3  }
0x9d: {  	[timem:s7], [sflag:s22] =	dma.local [hbm:s5], s20  }
0x9e: {  	_ =	swait.ge [sflag:s22], s20  }
0x9f: {  	s4 =	ssub.s32 $0x0, s20;
	[sflag:s22] =	ssyncset.done $0x0  }
0xa0: {  	[sflag:s22] =	ssyncadd.s32 s4;
	_ =	sdelay $0x1  }
0xa1: {  	s23 =	simm.s32 $0x1B8B  }
0xa2: {  	_ =	swait.ge [sflag:s23], $0x1  }
0xa3: {  	[sflag:s23] =	ssyncset.done $0x0  }
0xa4: {  	s25 =	simm.s32 $0x1B8E;
	s24 =	sld [smem:$0x3FFE];
	[sflag:s23] =	ssyncadd.s32 $0xFFFFFFFF  }
0xa5: {  	s26 =	simm.s32 $execute0_lowered;
	[smem:$0x3FD2] =	sst s25  }
0xa6: {  	s5 =	sshll.u32 s26, $0x1;
	_ =	strace $0x80000049;
	[dreg:$0x1] =	wrdreg $0xFFFFFFFF  }
0xa7: {  	s28 =	simm.s32 $_size_execute0_lowered;
	s3 =	sadd.s32 s3, s5;
	[dreg:$0x0] =	wrdreg $0x0  }
0xa8: {  	s5 =	sshll.u32 s28, $0x1;
	[dreg:$0x2] =	wrdreg s3  }
0xa9: {  	[dreg:$0x3] =	wrdreg s5  }
0xaa: {  	[dreg:$0x4] =	wrdreg $0xC0  }
0xab: {  	_ =	task [dreg:s7], $0x5FFFF  }
0xac: {  	[dreg:$0x1] =	wrdreg $0xFFFFFFFF  }
0xad: {  	[dreg:$0x0] =	wrdreg $0x60  }
0xae: {  	[dreg:$0x2] =	wrdreg s2  }
0xaf: {  	[dreg:$0x3] =	wrdreg s24  }
0xb0: {  	[dreg:$0x4] =	wrdreg $0xB8000  }
0xb1: {  	[dreg:$0x5] =	wrdreg $0x9  }
0xb2: {  	_ =	task.clear_ibuf [dreg:s7], $0x6FFFF;
	_ =	strace $0x90000049  }
0xb3: {  	s29 =	simm.s32 $0x9;
	_ =	strace $0x8000004B  }
0xb4: {  	_ =	swait.ge [sflag:s29], $0x1  }
0xb5: {  	[sflag:s29] =	ssyncadd.s32 $0xFFFFFFFF  }
0xb6: {  	_ =	strace $0x9000004B  }
0xb7: {  	_ =	sfence  }
0xb8: {  	s30 =	sld [smem:$0x0];
	_ =	sdelay $0x2  }
0xb9: {  	s31 =	sshll.u32 s1, $0xD;
	s1 =	sshrl.u32 s1, $0x2  }
0xba: {  	s3 =	sand.u32 $0x4000, s31;
	s1 =	sadd.s32 s1, s30  }
0xbb: {  	s0 =	sor.u32 s3, s0;
	s1 =	sshll.u32 s1, $0x11  }
0xbc: {  	s0 =	sor.u32 s1, s0  }
0xbd: {  	s0 =	sadd.s32 $0x8F2B, s0  }
0xbe: {  	[sflag:s0] =	ssyncadd.remote.s32 $0x1  }
0xbf: {  	_ =	sfence.sel $0xFFFF  }
0xc0: {  	[dreg:$0x0] =	wrdreg $0xFFFFFFFF;
	(pc) =	sbr.abs _section_cstart, $3  }
0xc1: {  	[dreg:$0x1] =	wrdreg $0xFFFFFFFF  }
0xc2: {  	_ =	task.clear_ibuf [dreg:s7], $0x2FFFF;
	_ =	strace $0x9FFFFFFF  }
0xc3: {  	(tm) =	ssettm $0x7FFFFFFF  }
tec
execute0_lowered:
.L_overlay_start_1:
0x0: {  	(tag) =	ssettag $0x1  }
0x1: {  	s0 =	rddreg [dreg:$0x0]  }
0x2: {  	s1 =	rddreg [dreg:$0x1];
	s9 =	stileid.u32  }
0x3: {  	s2 =	srdreg.scid;
	s6 =	smul.u32 $0x14000, s9  }
0x4: {  	s3 =	rddreg [dreg:$0x2];
	s4 =	simm.s32 $0x0;
	s8 =	smul.u32 $0x50000, s9  }
0x5: {  	s2 =	sand.u32 $0x1, s2;
	s19 =	sshll.u32 s9, $0x1;
	s9 =	smul.u32 $0x4E20, s9  }
0x6: {  	[smem:$0x7FF] =	sst s4;
	s5 =	smul.u32 $0x140000, s2  }
0x7: {  	_ =	strace $0x8000004A;
	s20 =	ssub.s32 $0x2, s2;
	s8 =	sshrl.u32 s8, $0x2  }
0x8: {  	s10 =	sshrl.u32 s20, $0x1;
	s5 =	sadd.s32 s6, s5;
	s6 =	sor.u32 s2, s19  }
0x9: {  	s19 =	sadd.s32 s8, s3;
	s2 =	smul.u32 $0x2710, s2;
	s7 =	sshrl.u32 s5, $0x3  }
0xa: {  	s5 =	sadd.s32 $0x2000, s1;
	s8 =	sadd.s32 $0x1000, s19;
	[dreg:$0x4] =	wrdreg s19  }
0xb: {  	s6 =	smul.u32 $0x2710, s6;
	s21 =	sadd.s32 $0x2000, s19;
	[dreg:$0x5] =	wrdreg s8  }
0xc: {  	s22 =	sadd.s32 $0x3000, s19;
	s1 =	sadd.s32 s7, s1;
	[dreg:$0x6] =	wrdreg s21  }
0xd: {  	s7 =	ssub.s32 s20, s10;
	[dreg:$0x7] =	wrdreg s22;
	s9 =	sadd.s32 s2, s9  }
0xe: {  	s23 =	sshrl.u32 s6, $0x3;
	s2 =	sadd.s32 $0x230, s9;
	s24 =	sadd.s32 $0x4E430, s9  }
0xf: {  	s1 =	sadd.s32 $0x2A000, s1;
	s7 =	smax.u32 s7, $0x1;
	s11 =	sadd.s32 $0x1E0, s9  }
0x10: {  	s12 =	sadd.s32 $0x4E3E0, s9;
	s13 =	sadd.s32 $0x4E340, s9;
	s16 =	sadd.s32 $0x140, s9  }
0x11: {  	s17 =	sadd.s32 $0x2D0, s9;
	s18 =	sadd.s32 $0x4E4D0, s9;
	[dreg:$0x8] =	wrdreg s9  }
0x12: {  	s22 =	sadd.s32 $0x4E480, s9;
	s10 =	sadd.s32 s0, s23;
	[dreg:$0xa] =	wrdreg s1  }
0x13: {  	s25 =	sshrl.u32 s2, $0x3;
	s26 =	sshrl.u32 s24, $0x3;
	[dreg:$0xb] =	wrdreg s7  }
0x14: {  	s23 =	sadd.s32 $0xA0, s9;
	s24 =	sadd.s32 $0x4E2A0, s9;
	s9 =	sadd.s32 $0x7000, s19  }
0x15: {  	s2 =	sshrl.u32 s12, $0x3;
	s12 =	sadd.s32 $0x9000, s19;
	[dreg:$0x1a] =	wrdreg s9  }
0x16: {  	s7 =	sshrl.u32 s13, $0x3;
	s13 =	sadd.s32 $0xA000, s19;
	[dreg:$0x1c] =	wrdreg s12  }
0x17: {  	[dreg:$0x1d] =	wrdreg s13  }
0x18: {  	s1 =	sadd.s32 s25, s0;
	[dreg:$0x9] =	wrdreg s10  }
0x19: {  	s8 =	sadd.s32 s26, s0;
	[dreg:$0xc] =	wrdreg s1  }
0x1a: {  	s14 =	sadd.s32 s2, s0;
	[dreg:$0xd] =	wrdreg s8  }
0x1b: {  	s28 =	simm.s32 $0x1;
	s15 =	sadd.s32 s7, s0;
	[dreg:$0xf] =	wrdreg s14  }
0x1c: {  	s2 =	sshrl.u32 s17, $0x3;
	s17 =	sadd.s32 $0xE000, s19;
	[dreg:$0x10] =	wrdreg s15  }
0x1d: {  	s7 =	sshrl.u32 s18, $0x3;
	s18 =	sadd.s32 $0xF000, s19;
	[smem:$0x7F5] =	sst s17  }
0x1e: {  	s29 =	simm.s32 $0x50;
	s20 =	sadd.s32 s2, s0;
	[smem:$0x7F6] =	sst s18  }
0x1f: {  	s30 =	simm.s32 $0x4;
	s21 =	sadd.s32 s7, s0;
	[dreg:$0x12] =	wrdreg s20  }
0x20: {  	s31 =	simm.s32 $0x580;
	s8 =	sadd.s32 $0x6000, s19;
	[dreg:$0x13] =	wrdreg s21  }
0x21: {  	s1 =	sshrl.u32 s11, $0x3;
	s11 =	sadd.s32 $0x8000, s19;
	[dreg:$0x19] =	wrdreg s8  }
0x22: {  	s12 =	simm.s32 $0x800;
	s14 =	sadd.s32 $0xB000, s19;
	[dreg:$0x1b] =	wrdreg s11  }
0x23: {  	s9 =	simm.s32 $0x200;
	s15 =	sadd.s32 $0xC000, s19;
	[dreg:$0x1e] =	wrdreg s14  }
0x24: {  	s2 =	sshrl.u32 s23, $0x3;
	s23 =	sadd.s32 $0x13000, s19;
	[dreg:$0x1f] =	wrdreg s15  }
0x25: {  	s7 =	sshrl.u32 s24, $0x3;
	s24 =	sadd.s32 $0x9C40, s10;
	[smem:$0x7FA] =	sst s23  }
0x26: {  	s13 =	simm.s32 $0x2;
	s1 =	sadd.s32 s1, s0;
	[smem:$0x7FB] =	sst s24  }
0x27: {  	s18 =	simm.s32 $0x0;
	s25 =	sadd.s32 s2, s0;
	[dreg:$0xe] =	wrdreg s1  }
0x28: {  	s26 =	sadd.s32 s7, s0;
	s2 =	sadd.s32 $0x4000, s19;
	[dreg:$0x15] =	wrdreg s25  }
0x29: {  	s7 =	sadd.s32 $0x5000, s19;
	s20 =	sadd.s32 $0x10000, s19;
	[dreg:$0x16] =	wrdreg s26  }
0x2a: {  	s21 =	sadd.s32 $0x11000, s19;
	s8 =	simm.s32 $0x6;
	[dreg:$0x17] =	wrdreg s2  }
0x2b: {  	s23 =	simm.s32 $0x100;
	s11 =	simm.s32 $0x5;
	[dreg:$0x18] =	wrdreg s7  }
0x2c: {  	s15 =	simm.s32 $0x8000;
	s1 =	sshrl.u32 s16, $0x3;
	[smem:$0x7F7] =	sst s20  }
0x2d: {  	s16 =	sadd.s32 $0xD000, s19;
	[smem:$0x7F8] =	sst s21;
	s25 =	sadd.s32 $0xA, s10  }
0x2e: {  	s26 =	sadd.s32 $0x9C4A, s10;
	s7 =	simm.s32 $0x180;
	[smem:$0x7F4] =	sst s16  }
.Ltmp0:
0x2f: {  	s2 =	simm.s32 $0x3000;
	[smem:$0x7FC] =	sst s25;
	(pc) =	sbr.rel .LBB2_1-.Ltmp0, $4  }
0x30: {  	s10 =	simm.s32 $0x600;
	s1 =	sadd.s32 s1, s0;
	[smem:$0x7FD] =	sst s26  }
0x31: {  	[dreg:$0x11] =	wrdreg s1;
	s1 =	sshrl.u32 s22, $0x3;
	s22 =	sadd.s32 $0x12000, s19  }
0x32: {  	s26 =	simm.s32 $0x500;
	s1 =	sadd.s32 s1, s0;
	[smem:$0x7F9] =	sst s22  }
0x33: {  	v0 =	vimm.f32 $0.0e+00;
	s16 =	simm.s32 $0x3;
	[dreg:$0x14] =	wrdreg s1;
	s1 =	simm.s32 $0x5800  }
.LBB2_11:
0x34: {  	_ =	swait.ge [sflag:s8], $0x2800  }
0x35: {  	[sflag:s8] =	ssyncset.done $0x0  }
0x36: {  	[sflag:s8] =	ssyncadd.s32 $0xFFFFD800  }
0x37: {  	s14 =	stileid.u32;
	[bflag:$0x0] =	sbarrier.arrive $0xFFFF  }
0x38: {  	s22 =	simm.s32 $0x7;
	s14 =	sshll.u32 s14, $0x6;
	s19 =	rddreg [dreg:$0x4]  }
0x39: {  	s14 =	sor.u32 $0x1C07, s14;
	s18 =	rddreg [dreg:$0xa];
	s17 =	sshrl.u32 s19, $0x3  }
0x3a: {  	[hbm:s18], [sflag:s14] =	dma.local [spmem:s17], $0x2800  }
0x3b: {  	_ =	swait.ge [sflag:s22], $0x2800  }
0x3c: {  	s24 =	sld [smem:$0x7F3];
	_ =	sdelay $0x2  }
0x3d: {  	s25 =	rddreg [dreg:$0xb];
	s18 =	sadd.s32 $0x1, s24  }
0x3e: {  	p0 =	sne.s32 s18, s25  }
.Ltmp1:
0x3f: {  	_ = 	snop;
	(pc) =	sbr.rel @!p0 .LBB2_12-.Ltmp1, $3  }
0x40: {  	_ =	sdelay $0x1  }
0x41: {  	[sflag:s22] =	ssyncset.done $0x0  }
0x42: {  	[sflag:s22] =	ssyncadd.s32 $0xFFFFD800  }
.LBB2_1:
0x43: {  	[smem:$0x7F3] =	sst s18;
	s17 =	simm.s32 $0x0;
	s18 =	simm.s32 $0x200  }
.LBB2_2:
0x44: {  	p0 =	sne.s32 s18, $0x3E00;
	[tilespmem:s17+$0xA870] =	vst v0  }
0x45: {  	[tilespmem:s17+$0xA800] =	vst v0  }
0x46: {  	[tilespmem:s17+$0xA810] =	vst v0  }
.Ltmp2:
0x47: {  	[tilespmem:s17+$0xA820] =	vst v0;
	(pc) =	sbr.rel @p0 .LBB2_2-.Ltmp2, $4  }
0x48: {  	[tilespmem:s17+$0xA830] =	vst v0  }
0x49: {  	[tilespmem:s17+$0xA840] =	vst v0  }
0x4a: {  	[tilespmem:s17+$0xA850] =	vst v0  }
0x4b: {  	[tilespmem:s17+$0xA860] =	vst v0;
	s17 =	sshra.s32 s18, $0x2;
	s18 =	sadd.s32 $0x200, s18  }
0x4c: {  	[tilespmem:s17+$0xA870] =	vst v0  }
0x4d: {  	[tilespmem:s17+$0xA800] =	vst v0  }
0x4e: {  	[tilespmem:s17+$0xA810] =	vst v0  }
0x4f: {  	[tilespmem:s17+$0xA820] =	vst v0  }
0x50: {  	[tilespmem:s17+$0xA830] =	vst v0  }
0x51: {  	[tilespmem:s17+$0xA840] =	vst v0  }
0x52: {  	[tilespmem:s17+$0xA850] =	vst v0  }
0x53: {  	[tilespmem:s17+$0xA860] =	vst v0;
	s17 =	simm.s32 $0xA800;
	s14 =	rddreg [dreg:$0x5]  }
0x54: {  	[spmem:s19] =	stream.linear.scatter [tilespmem:s17], [sflag:$0x6], $0x1000, $0x38;
	[tilespmem:$0x1F800] =	vst v63  }
0x55: {  	s22 =	rddreg [dreg:$0x6]  }
0x56: {  	[spmem:s14] =	stream.linear.scatter [tilespmem:s17], [sflag:$0x6], $0x1000, $0x38;
	[tilespmem:$0x1F800] =	vst v63  }
0x57: {  	s24 =	rddreg [dreg:$0x7]  }
0x58: {  	[spmem:s22] =	stream.linear.scatter [tilespmem:s17], [sflag:$0x6], $0x1000, $0x38;
	[tilespmem:$0x1F800] =	vst v63  }
0x59: {  	s25 =	rddreg [dreg:$0x17]  }
0x5a: {  	[spmem:s24] =	stream.linear.scatter [tilespmem:s17], [sflag:$0x6], $0x1000, $0x38;
	[tilespmem:$0x1F800] =	vst v63  }
0x5b: {  	s18 =	rddreg [dreg:$0x18]  }
0x5c: {  	[spmem:s25] =	stream.linear.scatter [tilespmem:s17], [sflag:$0x6], $0x1000, $0x38;
	[tilespmem:$0x1F800] =	vst v63  }
0x5d: {  	s20 =	rddreg [dreg:$0x1a]  }
0x5e: {  	[spmem:s18] =	stream.linear.scatter [tilespmem:s17], [sflag:$0x6], $0x1000, $0x38;
	[tilespmem:$0x1F800] =	vst v63  }
0x5f: {  	s19 =	rddreg [dreg:$0x19]  }
0x60: {  	[spmem:s19] =	stream.linear.scatter [tilespmem:s17], [sflag:$0x6], $0x1000, $0x38;
	[tilespmem:$0x1F800] =	vst v63  }
0x61: {  	s21 =	rddreg [dreg:$0x1b]  }
0x62: {  	[spmem:s20] =	stream.linear.scatter [tilespmem:s17], [sflag:$0x6], $0x1000, $0x38;
	[tilespmem:$0x1F800] =	vst v63  }
0x63: {  	s22 =	rddreg [dreg:$0x1c]  }
0x64: {  	[spmem:s21] =	stream.linear.scatter [tilespmem:s17], [sflag:$0x6], $0x1000, $0x38;
	[tilespmem:$0x1F800] =	vst v63  }
0x65: {  	s24 =	rddreg [dreg:$0x1d]  }
0x66: {  	[spmem:s22] =	stream.linear.scatter [tilespmem:s17], [sflag:$0x6], $0x1000, $0x38;
	[tilespmem:$0x1F800] =	vst v63  }
0x67: {  	s25 =	rddreg [dreg:$0x1e]  }
0x68: {  	[spmem:s24] =	stream.linear.scatter [tilespmem:s17], [sflag:$0x6], $0x1000, $0x38;
	[tilespmem:$0x1F800] =	vst v63  }
0x69: {  	s18 =	rddreg [dreg:$0x1f]  }
0x6a: {  	[spmem:s25] =	stream.linear.scatter [tilespmem:s17], [sflag:$0x6], $0x1000, $0x38;
	[tilespmem:$0x1F800] =	vst v63  }
0x6b: {  	s19 =	sld [smem:$0x7F4]  }
0x6c: {  	[spmem:s18] =	stream.linear.scatter [tilespmem:s17], [sflag:$0x6], $0x1000, $0x38;
	[tilespmem:$0x1F800] =	vst v63  }
0x6d: {  	s20 =	sld [smem:$0x7F5]  }
0x6e: {  	[spmem:s19] =	stream.linear.scatter [tilespmem:s17], [sflag:$0x6], $0x1000, $0x38;
	[tilespmem:$0x1F800] =	vst v63  }
0x6f: {  	s21 =	sld [smem:$0x7F6]  }
0x70: {  	[spmem:s20] =	stream.linear.scatter [tilespmem:s17], [sflag:$0x6], $0x1000, $0x38;
	[tilespmem:$0x1F800] =	vst v63  }
0x71: {  	s22 =	sld [smem:$0x7F7]  }
0x72: {  	[spmem:s21] =	stream.linear.scatter [tilespmem:s17], [sflag:$0x6], $0x1000, $0x38;
	[tilespmem:$0x1F800] =	vst v63  }
0x73: {  	s24 =	sld [smem:$0x7F8]  }
0x74: {  	[spmem:s22] =	stream.linear.scatter [tilespmem:s17], [sflag:$0x6], $0x1000, $0x38;
	[tilespmem:$0x1F800] =	vst v63  }
0x75: {  	s25 =	sld [smem:$0x7F9]  }
0x76: {  	[spmem:s24] =	stream.linear.scatter [tilespmem:s17], [sflag:$0x6], $0x1000, $0x38;
	[tilespmem:$0x1F800] =	vst v63  }
0x77: {  	s18 =	sld [smem:$0x7FA]  }
0x78: {  	[spmem:s25] =	stream.linear.scatter [tilespmem:s17], [sflag:$0x6], $0x1000, $0x38;
	[tilespmem:$0x1F800] =	vst v63  }
0x79: {  	_ = 	snop  }
0x7a: {  	[spmem:s18] =	stream.linear.scatter [tilespmem:s17], [sflag:$0x6], $0x1000, $0x38;
	[tilespmem:$0x1F800] =	vst v63  }
0x7b: {  	_ =	swait.ge [sflag:s8], $0x1000  }
0x7c: {  	[sflag:s8] =	ssyncset.done $0x0  }
0x7d: {  	[sflag:s8] =	ssyncadd.s32 $0xFFFFF000  }
0x7e: {  	_ =	swait.ge [sflag:s8], $0x1000  }
0x7f: {  	[sflag:s8] =	ssyncset.done $0x0  }
0x80: {  	[sflag:s8] =	ssyncadd.s32 $0xFFFFF000  }
0x81: {  	_ =	swait.ge [sflag:s8], $0x1000  }
0x82: {  	[sflag:s8] =	ssyncset.done $0x0  }
0x83: {  	[sflag:s8] =	ssyncadd.s32 $0xFFFFF000  }
0x84: {  	_ =	swait.ge [sflag:s8], $0x1000  }
0x85: {  	[sflag:s8] =	ssyncset.done $0x0  }
0x86: {  	[sflag:s8] =	ssyncadd.s32 $0xFFFFF000  }
0x87: {  	_ =	swait.ge [sflag:s8], $0x1000  }
0x88: {  	[sflag:s8] =	ssyncset.done $0x0  }
0x89: {  	[sflag:s8] =	ssyncadd.s32 $0xFFFFF000  }
0x8a: {  	_ =	swait.ge [sflag:s8], $0x1000  }
0x8b: {  	[sflag:s8] =	ssyncset.done $0x0  }
0x8c: {  	[sflag:s8] =	ssyncadd.s32 $0xFFFFF000  }
0x8d: {  	_ =	swait.ge [sflag:s8], $0x1000  }
0x8e: {  	[sflag:s8] =	ssyncset.done $0x0  }
0x8f: {  	[sflag:s8] =	ssyncadd.s32 $0xFFFFF000  }
0x90: {  	_ =	swait.ge [sflag:s8], $0x1000  }
0x91: {  	[sflag:s8] =	ssyncset.done $0x0  }
0x92: {  	[sflag:s8] =	ssyncadd.s32 $0xFFFFF000  }
0x93: {  	_ =	swait.ge [sflag:s8], $0x1000  }
0x94: {  	[sflag:s8] =	ssyncset.done $0x0  }
0x95: {  	[sflag:s8] =	ssyncadd.s32 $0xFFFFF000  }
0x96: {  	_ =	swait.ge [sflag:s8], $0x1000  }
0x97: {  	[sflag:s8] =	ssyncset.done $0x0  }
0x98: {  	[sflag:s8] =	ssyncadd.s32 $0xFFFFF000  }
0x99: {  	_ =	swait.ge [sflag:s8], $0x1000  }
0x9a: {  	[sflag:s8] =	ssyncset.done $0x0  }
0x9b: {  	[sflag:s8] =	ssyncadd.s32 $0xFFFFF000  }
0x9c: {  	_ =	swait.ge [sflag:s8], $0x1000  }
0x9d: {  	[sflag:s8] =	ssyncset.done $0x0  }
0x9e: {  	[sflag:s8] =	ssyncadd.s32 $0xFFFFF000  }
0x9f: {  	_ =	swait.ge [sflag:s8], $0x1000  }
0xa0: {  	[sflag:s8] =	ssyncset.done $0x0  }
0xa1: {  	[sflag:s8] =	ssyncadd.s32 $0xFFFFF000  }
0xa2: {  	_ =	swait.ge [sflag:s8], $0x1000  }
0xa3: {  	[sflag:s8] =	ssyncset.done $0x0  }
0xa4: {  	[sflag:s8] =	ssyncadd.s32 $0xFFFFF000  }
0xa5: {  	_ =	swait.ge [sflag:s8], $0x1000  }
0xa6: {  	[sflag:s8] =	ssyncset.done $0x0  }
0xa7: {  	[sflag:s8] =	ssyncadd.s32 $0xFFFFF000  }
0xa8: {  	_ =	swait.ge [sflag:s8], $0x1000  }
0xa9: {  	[sflag:s8] =	ssyncset.done $0x0  }
0xaa: {  	[sflag:s8] =	ssyncadd.s32 $0xFFFFF000  }
0xab: {  	_ =	swait.ge [sflag:s8], $0x1000  }
0xac: {  	[sflag:s8] =	ssyncset.done $0x0  }
0xad: {  	[sflag:s8] =	ssyncadd.s32 $0xFFFFF000  }
0xae: {  	_ =	swait.ge [sflag:s8], $0x1000  }
0xaf: {  	[sflag:s8] =	ssyncset.done $0x0  }
0xb0: {  	[sflag:s8] =	ssyncadd.s32 $0xFFFFF000  }
0xb1: {  	_ =	swait.ge [sflag:s8], $0x1000  }
0xb2: {  	[sflag:s8] =	ssyncset.done $0x0  }
0xb3: {  	[sflag:s8] =	ssyncadd.s32 $0xFFFFF000  }
0xb4: {  	_ =	swait.ge [sflag:s8], $0x1000  }
0xb5: {  	[sflag:s8] =	ssyncset.done $0x0  }
0xb6: {  	[sflag:s8] =	ssyncadd.s32 $0xFFFFF000  }
0xb7: {  	[bflag:$0x0] =	sbarrier.arrive $0xFFFF  }
0xb8: {  	s19 =	rddreg [dreg:$0x9]  }
0xb9: {  	s17 =	simm.s32 $0x0;
	s20 =	sld [smem:$0x7FB]  }
0xba: {  	[tilespmem:s17], [sflag:$0x1] =	stream.linear.gather [hbm4b:s19+s17], $0x50, $0x38;
	[tilespmem:$0x1F800] =	vst v63  }
0xbb: {  	s18 =	simm.s32 $0x400;
	s21 =	sld [smem:$0x7FC]  }
0xbc: {  	[tilespmem:s18], [sflag:$0x1] =	stream.linear.gather [hbm4b:s20+s17], $0x50, $0x38;
	[tilespmem:$0x1F800] =	vst v63  }
.Ltmp3:
0xbd: {  	_ = 	snop;
	(pc) =	sbr.rel .LBB2_4-.Ltmp3, $4  }
0xbe: {  	s22 =	simm.s32 $0x80;
	s24 =	sld [smem:$0x7FD]  }
0xbf: {  	[tilespmem:s22], [sflag:$0x1] =	stream.linear.gather [hbm4b:s21+s17], $0x50, $0x38;
	[tilespmem:$0x1F800] =	vst v63  }
0xc0: {  	s25 =	simm.s32 $0x480;
	s19 =	simm.s32 $0x280;
	s18 =	simm.s32 $0x7  }
0xc1: {  	[tilespmem:s25], [sflag:$0x1] =	stream.linear.gather [hbm4b:s24+s17], $0x50, $0x38;
	[tilespmem:$0x1F800] =	vst v63  }
.LBB2_10:
0xc2: {  	_ =	swait.ge [sflag:s28], $0x50  }
0xc3: {  	[sflag:s28] =	ssyncset.done $0x0  }
0xc4: {  	[sflag:s28] =	ssyncadd.s32 $0xFFFFFFB0  }
0xc5: {  	_ =	swait.ge [sflag:s28], $0x50  }
0xc6: {  	[sflag:s28] =	ssyncset.done $0x0  }
0xc7: {  	[sflag:s28] =	ssyncadd.s32 $0xFFFFFFB0  }
0xc8: {  	[tilespmem:s15], [sflag:$0x5] =	stream.indirect.gather [hbm4b:s5+s29], $0x80, s7, s29, $0xb8;
	[tilespmem:$0x1F800] =	vst v63  }
0xc9: {  	_ =	swait.ge [sflag:s16], $0x2800  }
0xca: {  	s20 =	sadd.s32 $0xFFFFFFFF, s18;
	[sflag:s16] =	ssyncset.done $0x0  }
0xcb: {  	s14 =	simm.s32 $0x480;
	p2 =	sgt.u32 s20, $0x7C;
	[sflag:s16] =	ssyncadd.s32 $0xFFFFD800  }
0xcc: {  	[spmem:s3] =	stream.indirect.scatter.add.f32 [tilespmem:s2], [sflag:$0x6], $0x80, s14, s29, $0xb8;
	[tilespmem:$0x1F800] =	vst v63  }
0xcd: {  	s22 =	simm.s32 @!p2 $0x0;
	_ =	swait.ge [sflag:s8], $0x2800  }
0xce: {  	s21 =	simm.s32 @!p2 $0x300;
	[sflag:s8] =	ssyncset.done $0x0;
	s14 =	rddreg [dreg:$0xe]  }
0xcf: {  	[sflag:s8] =	ssyncadd.s32 $0xFFFFD800;
	s20 =	sadd.s32 @!p2 s17, s14;
	s14 =	rddreg [dreg:$0xf]  }
0xd0: {  	[tilespmem:s21], [sflag:$0x1] =	stream.linear.gather @!p2 [hbm4b:s20+s22], $0x50, $0x38;
	[tilespmem:$0x1F800] =	vst v63  }
0xd1: {  	s23 =	simm.s32 @!p2 $0x700;
	s20 =	sadd.s32 @!p2 s17, s14  }
0xd2: {  	[tilespmem:s23], [sflag:$0x1] =	stream.linear.gather @!p2 [hbm4b:s20+s22], $0x50, $0x38;
	[tilespmem:$0x1F800] =	vst v63  }
0xd3: {  	_ =	swait.ge [sflag:s28], $0x50  }
0xd4: {  	[sflag:s28] =	ssyncset.done $0x0  }
0xd5: {  	[sflag:s28] =	ssyncadd.s32 $0xFFFFFFB0  }
0xd6: {  	_ =	swait.ge [sflag:s28], $0x50  }
0xd7: {  	[sflag:s28] =	ssyncset.done $0x0  }
0xd8: {  	[sflag:s28] =	ssyncadd.s32 $0xFFFFFFB0  }
0xd9: {  	[tilespmem:s12], [sflag:$0x2] =	stream.indirect.gather [hbm4b:s5+s29], $0x80, s9, s29, $0xb8;
	[tilespmem:$0x1F800] =	vst v63  }
0xda: {  	_ =	swait.ge [sflag:s30], $0x2800  }
0xdb: {  	[sflag:s30] =	ssyncset.done $0x0  }
0xdc: {  	p1 =	sgt.u32 s18, $0x7C;
	[sflag:s30] =	ssyncadd.s32 $0xFFFFD800  }
0xdd: {  	[spmem:s3] =	stream.indirect.scatter.add.f32 [tilespmem:s1], [sflag:$0x6], $0x80, s26, s29, $0xb8;
	[tilespmem:$0x1F800] =	vst v63  }
0xde: {  	s23 =	simm.s32 @!p1 $0x0;
	_ =	swait.ge [sflag:s8], $0x2800  }
0xdf: {  	s20 =	simm.s32 @!p1 $0x380;
	[sflag:s8] =	ssyncset.done $0x0;
	s14 =	rddreg [dreg:$0xc]  }
0xe0: {  	[sflag:s8] =	ssyncadd.s32 $0xFFFFD800;
	s22 =	sadd.s32 @!p1 s17, s14;
	s14 =	rddreg [dreg:$0xd]  }
0xe1: {  	[tilespmem:s20], [sflag:$0x1] =	stream.linear.gather @!p1 [hbm4b:s22+s23], $0x50, $0x38;
	[tilespmem:$0x1F800] =	vst v63  }
0xe2: {  	s24 =	simm.s32 @!p1 $0x780;
	s22 =	sadd.s32 @!p1 s17, s14  }
0xe3: {  	[tilespmem:s24], [sflag:$0x1] =	stream.linear.gather @!p1 [hbm4b:s22+s23], $0x50, $0x38;
	[tilespmem:$0x1F800] =	vst v63  }
0xe4: {  	s22 =	simm.s32 @p0 $0x1  }
0xe5: {  	_ =	swait.ge @p0 [sflag:s22], $0x50  }
0xe6: {  	[sflag:s22] =	ssyncset.done @p0 $0x0  }
0xe7: {  	[sflag:s22] =	ssyncadd.s32 @p0 $0xFFFFFFB0  }
0xe8: {  	_ =	swait.ge @p0 [sflag:s22], $0x50  }
0xe9: {  	s23 =	simm.s32 @p0 $0x280;
	[sflag:s22] =	ssyncset.done @p0 $0x0  }
0xea: {  	s24 =	simm.s32 @p0 $0x3000;
	[sflag:s22] =	ssyncadd.s32 @p0 $0xFFFFFFB0;
	s22 =	simm.s32 @p0 $0x50  }
0xeb: {  	[tilespmem:s24], [sflag:$0x3] =	stream.indirect.gather @p0 [hbm4b:s5+s22], $0x80, s23, s22, $0xb8;
	[tilespmem:$0x1F800] =	vst v63  }
0xec: {  	_ =	swait.ge [sflag:s11], $0x2800  }
0xed: {  	[sflag:s11] =	ssyncset.done $0x0  }
0xee: {  	[sflag:s11] =	ssyncadd.s32 $0xFFFFD800  }
0xef: {  	[spmem:s3] =	stream.indirect.scatter.add.f32 [tilespmem:s15], [sflag:$0x6], $0x80, s31, s29, $0xb8;
	[tilespmem:$0x1F800] =	vst v63  }
0xf0: {  	_ =	swait.ge [sflag:s8], $0x2800  }
0xf1: {  	p3 =	seq.s32 s17, $0x4B0;
	s14 =	rddreg [dreg:$0x8]  }
0xf2: {  	s23 =	sadd.s32 @!p3 s19, s14  }
0xf3: {  	s25 =	simm.s32 @!p3 $0x0;
	[sflag:s8] =	ssyncset.done $0x0;
	s23 =	sshrl.u32 @!p3 s23, $0x3  }
0xf4: {  	[sflag:s8] =	ssyncadd.s32 $0xFFFFD800;
	s14 =	rddreg [dreg:$0x14];
	s23 =	sadd.s32 @!p3 s0, s23  }
0xf5: {  	[tilespmem:s25], [sflag:$0x1] =	stream.linear.gather @!p3 [hbm4b:s23+s25], $0x50, $0x38;
	[tilespmem:$0x1F800] =	vst v63  }
0xf6: {  	s23 =	sadd.s32 @!p3 s17, s14;
	s14 =	simm.s32 @!p3 $0x400  }
0xf7: {  	[tilespmem:s14], [sflag:$0x1] =	stream.linear.gather @!p3 [hbm4b:s23+s25], $0x50, $0x38;
	[tilespmem:$0x1F800] =	vst v63  }
0xf8: {  	s14 =	simm.s32 @!p2 $0x1  }
0xf9: {  	_ =	swait.ge @!p2 [sflag:s14], $0x50  }
0xfa: {  	[sflag:s14] =	ssyncset.done @!p2 $0x0  }
0xfb: {  	[sflag:s14] =	ssyncadd.s32 @!p2 $0xFFFFFFB0  }
0xfc: {  	_ =	swait.ge @!p2 [sflag:s14], $0x50  }
0xfd: {  	[sflag:s14] =	ssyncset.done @!p2 $0x0  }
0xfe: {  	s23 =	simm.s32 @!p2 $0x5800;
	[sflag:s14] =	ssyncadd.s32 @!p2 $0xFFFFFFB0;
	s14 =	simm.s32 @!p2 $0x50  }
0xff: {  	[tilespmem:s23], [sflag:$0x4] =	stream.indirect.gather @!p2 [hbm4b:s5+s14], $0x80, s21, s14, $0xb8;
	[tilespmem:$0x1F800] =	vst v63  }
0x100: {  	_ =	swait.ge [sflag:s13], $0x2800  }
0x101: {  	[sflag:s13] =	ssyncset.done $0x0  }
0x102: {  	[sflag:s13] =	ssyncadd.s32 $0xFFFFD800  }
0x103: {  	[spmem:s3] =	stream.indirect.scatter.add.f32 [tilespmem:s12], [sflag:$0x6], $0x80, s10, s29, $0xb8;
	[tilespmem:$0x1F800] =	vst v63  }
0x104: {  	_ =	swait.ge [sflag:s8], $0x2800  }
0x105: {  	[sflag:s8] =	ssyncset.done $0x0;
	s14 =	rddreg [dreg:$0x12]  }
0x106: {  	s21 =	simm.s32 @!p3 $0x80;
	[sflag:s8] =	ssyncadd.s32 $0xFFFFD800;
	s14 =	sadd.s32 @!p3 s17, s14  }
0x107: {  	[tilespmem:s21], [sflag:$0x1] =	stream.linear.gather @!p3 [hbm4b:s14+s25], $0x50, $0x38;
	[tilespmem:$0x1F800] =	vst v63  }
0x108: {  	s14 =	rddreg [dreg:$0x13]  }
0x109: {  	s21 =	simm.s32 @!p3 $0x480;
	s14 =	sadd.s32 @!p3 s17, s14  }
0x10a: {  	[tilespmem:s21], [sflag:$0x1] =	stream.linear.gather @!p3 [hbm4b:s14+s25], $0x50, $0x38;
	[tilespmem:$0x1F800] =	vst v63  }
0x10b: {  	s14 =	simm.s32 @!p1 $0x1  }
0x10c: {  	_ =	swait.ge @!p1 [sflag:s14], $0x50  }
0x10d: {  	[sflag:s14] =	ssyncset.done @!p1 $0x0  }
0x10e: {  	[sflag:s14] =	ssyncadd.s32 @!p1 $0xFFFFFFB0  }
0x10f: {  	_ =	swait.ge @!p1 [sflag:s14], $0x50  }
0x110: {  	[sflag:s14] =	ssyncset.done @!p1 $0x0  }
0x111: {  	s21 =	simm.s32 @!p1 $0x8000;
	[sflag:s14] =	ssyncadd.s32 @!p1 $0xFFFFFFB0;
	s14 =	simm.s32 @!p1 $0x50  }
0x112: {  	[tilespmem:s21], [sflag:$0x5] =	stream.indirect.gather @!p1 [hbm4b:s5+s14], $0x80, s20, s14, $0xb8;
	[tilespmem:$0x1F800] =	vst v63  }
0x113: {  	s14 =	simm.s32 @p0 $0x3  }
0x114: {  	_ =	swait.ge @p0 [sflag:s14], $0x2800  }
0x115: {  	[sflag:s14] =	ssyncset.done @p0 $0x0  }
0x116: {  	s17 =	sadd.s32 $0x50, s17;
	[sflag:s14] =	ssyncadd.s32 @p0 $0xFFFFD800;
	s14 =	simm.s32 @p0 $0x680  }
0x117: {  	[spmem:s3] =	stream.indirect.scatter.add.f32 @p0 [tilespmem:s24], [sflag:$0x6], $0x80, s14, s22, $0xb8;
	[tilespmem:$0x1F800] =	vst v63  }
0x118: {  	p0 =	sne.s32 s17, $0x500  }
.Ltmp4:
0x119: {  	_ = 	snop;
	(pc) =	sbr.rel @!p0 .LBB2_11-.Ltmp4, $2  }
0x11a: {  	_ =	sdelay $0x2  }
0x11b: {  	s18 =	sadd.s32 $0x8, s18;
	s19 =	sadd.s32 $0x280, s19;
	s23 =	simm.s32 $0x100  }
.LBB2_4:
0x11c: {  	s20 =	sadd.s32 $0xFFFFFFF5, s18  }
0x11d: {  	p0 =	sgt.u32 s20, $0x7C  }
0x11e: {  	s20 =	simm.s32 @!p0 $0x6  }
0x11f: {  	_ =	swait.ge @!p0 [sflag:s20], $0x2800  }
0x120: {  	[sflag:s20] =	ssyncset.done @!p0 $0x0;
	s14 =	rddreg [dreg:$0x15]  }
0x121: {  	s22 =	rddreg [dreg:$0x16];
	[sflag:s20] =	ssyncadd.s32 @!p0 $0xFFFFD800;
	s21 =	sadd.s32 s17, s14  }
0x122: {  	[tilespmem:s23], [sflag:$0x1] =	stream.linear.gather [hbm4b:s21+s4], $0x50, $0x38;
	[tilespmem:$0x1F800] =	vst v63  }
0x123: {  	s24 =	sadd.s32 s17, s22  }
0x124: {  	[tilespmem:s26], [sflag:$0x1] =	stream.linear.gather [hbm4b:s24+s4], $0x50, $0x38;
	[tilespmem:$0x1F800] =	vst v63  }
0x125: {  	s25 =	sadd.s32 $0xFFFFFFF7, s18;
	_ =	swait.ge [sflag:s28], $0x50  }
0x126: {  	p0 =	sgt.u32 s25, $0x7C;
	[sflag:s28] =	ssyncset.done $0x0  }
.Ltmp5:
0x127: {  	[sflag:s28] =	ssyncadd.s32 $0xFFFFFFB0;
	(pc) =	sbr.rel @p0 .LBB2_7-.Ltmp5, $4  }
0x128: {  	_ =	swait.ge [sflag:s28], $0x50  }
0x129: {  	[sflag:s28] =	ssyncset.done $0x0  }
0x12a: {  	[sflag:s28] =	ssyncadd.s32 $0xFFFFFFB0  }
0x12b: {  	[tilespmem:s12], [sflag:$0x2] =	stream.indirect.gather [hbm4b:s5+s29], $0x80, s4, s29, $0xb8;
	[tilespmem:$0x1F800] =	vst v63  }
0x12c: {  	s20 =	sadd.s32 $0xFFFFFFF6, s18  }
0x12d: {  	p1 =	sgt.u32 s20, $0x7C  }
.Ltmp6:
0x12e: {  	_ = 	snop;
	(pc) =	sbr.rel @p1 .LBB2_8-.Ltmp6, $4  }
0x12f: {  	_ =	swait.ge [sflag:s30], $0x2800  }
0x130: {  	[sflag:s30] =	ssyncset.done $0x0  }
0x131: {  	s14 =	simm.s32 $0x700;
	s20 =	simm.s32 $0xF0;
	[sflag:s30] =	ssyncadd.s32 $0xFFFFD800  }
0x132: {  	[spmem:s3] =	stream.indirect.scatter.add.f32 [tilespmem:s1], [sflag:$0x6], $0x80, s14, s29, $0xb8;
	[tilespmem:$0x1F800] =	vst v63  }
0x133: {  	_ =	swait.ge [sflag:s8], $0x2800  }
0x134: {  	[sflag:s8] =	ssyncset.done $0x0  }
0x135: {  	[sflag:s8] =	ssyncadd.s32 $0xFFFFD800  }
.LBB2_7:
0x136: {  	s20 =	sadd.s32 $0xFFFFFE70, s19  }
.LBB2_8:
0x137: {  	s20 =	sadd.s32 s6, s20  }
0x138: {  	s20 =	sshrl.u32 s20, $0x3  }
0x139: {  	s20 =	sadd.s32 s0, s20  }
0x13a: {  	[tilespmem:s7], [sflag:$0x1] =	stream.linear.gather [hbm4b:s20+s4], $0x50, $0x38;
	[tilespmem:$0x1F800] =	vst v63  }
0x13b: {  	s20 =	sadd.s32 $0x9C40, s20  }
0x13c: {  	[tilespmem:s31], [sflag:$0x1] =	stream.linear.gather [hbm4b:s20+s4], $0x50, $0x38;
	[tilespmem:$0x1F800] =	vst v63  }
0x13d: {  	_ =	swait.ge [sflag:s28], $0x50  }
0x13e: {  	[sflag:s28] =	ssyncset.done $0x0  }
0x13f: {  	[sflag:s28] =	ssyncadd.s32 $0xFFFFFFB0  }
0x140: {  	_ =	swait.ge [sflag:s28], $0x50  }
0x141: {  	[sflag:s28] =	ssyncset.done $0x0  }
0x142: {  	s14 =	simm.s32 $0x80;
	[sflag:s28] =	ssyncadd.s32 $0xFFFFFFB0  }
0x143: {  	[tilespmem:s2], [sflag:$0x3] =	stream.indirect.gather [hbm4b:s5+s29], $0x80, s14, s29, $0xb8;
	[tilespmem:$0x1F800] =	vst v63  }
0x144: {  	s14 =	sadd.s32 $0xFFFFFFF8, s18  }
0x145: {  	p1 =	sgt.u32 s14, $0x7C  }
0x146: {  	s20 =	simm.s32 @!p1 $0x5  }
0x147: {  	_ =	swait.ge @!p1 [sflag:s20], $0x2800  }
0x148: {  	s21 =	simm.s32 @!p1 $0x780;
	[sflag:s20] =	ssyncset.done @!p1 $0x0  }
0x149: {  	s22 =	simm.s32 @!p1 $0x8000;
	[sflag:s20] =	ssyncadd.s32 @!p1 $0xFFFFD800;
	s20 =	simm.s32 @!p1 $0x50  }
0x14a: {  	[spmem:s3] =	stream.indirect.scatter.add.f32 @!p1 [tilespmem:s22], [sflag:$0x6], $0x80, s21, s20, $0xb8;
	[tilespmem:$0x1F800] =	vst v63  }
0x14b: {  	s20 =	simm.s32 @!p0 $0x6  }
0x14c: {  	_ =	swait.ge @!p0 [sflag:s20], $0x2800  }
0x14d: {  	[sflag:s20] =	ssyncset.done @!p0 $0x0  }
0x14e: {  	[sflag:s20] =	ssyncadd.s32 @!p0 $0xFFFFD800;
	s20 =	rddreg [dreg:$0x11]  }
0x14f: {  	s22 =	rddreg [dreg:$0x10];
	s21 =	sadd.s32 s17, s20  }
0x150: {  	[tilespmem:s9], [sflag:$0x1] =	stream.linear.gather [hbm4b:s21+s4], $0x50, $0x38;
	[tilespmem:$0x1F800] =	vst v63  }
0x151: {  	s24 =	sadd.s32 s17, s22  }
0x152: {  	[tilespmem:s10], [sflag:$0x1] =	stream.linear.gather [hbm4b:s24+s4], $0x50, $0x38;
	[tilespmem:$0x1F800] =	vst v63  }
0x153: {  	_ =	swait.ge [sflag:s28], $0x50  }
0x154: {  	[sflag:s28] =	ssyncset.done $0x0  }
0x155: {  	[sflag:s28] =	ssyncadd.s32 $0xFFFFFFB0  }
0x156: {  	_ =	swait.ge [sflag:s28], $0x50  }
0x157: {  	[sflag:s28] =	ssyncset.done $0x0  }
0x158: {  	s20 =	sadd.s32 @!p1 $0xFFFFFFFE, s18;
	[sflag:s28] =	ssyncadd.s32 $0xFFFFFFB0  }
0x159: {  	[tilespmem:s1], [sflag:$0x4] =	stream.indirect.gather [hbm4b:s5+s29], $0x80, s23, s29, $0xb8;
	[tilespmem:$0x1F800] =	vst v63  }
0x15a: {  	p0 =	sgt.u32 @!p1 s20, $0x7C;
	_ =	swait.ge [sflag:s13], $0x2800  }
0x15b: {  	s25 =	simm.s32 $0x400;
	p2 =	por p1, !p0;
	[sflag:s13] =	ssyncset.done $0x0  }
.Ltmp7:
0x15c: {  	s21 =	simm.s32 @!p1 $0x6;
	[sflag:s13] =	ssyncadd.s32 $0xFFFFD800;
	(pc) =	sbr.rel @!p2 .LBB2_10-.Ltmp7, $4  }
0x15d: {  	[spmem:s3] =	stream.indirect.scatter.add.f32 [tilespmem:s12], [sflag:$0x6], $0x80, s25, s29, $0xb8;
	[tilespmem:$0x1F800] =	vst v63  }
0x15e: {  	_ =	swait.ge @!p1 [sflag:s21], $0x2800  }
0x15f: {  	[sflag:s21] =	ssyncset.done @!p1 $0x0  }
0x160: {  	p0 =	por @!p1 $0x0, $0x0;
	[sflag:s21] =	ssyncadd.s32 @!p1 $0xFFFFD800  }
0x161: {  	s20 =	simm.s32 @p1 $0x5  }
0x162: {  	s20 =	smul.u32 $0x50, s20;
	_ =	sdelay $0x1  }
0x163: {  	s20 =	sadd.s32 s6, s20  }
.Ltmp8:
0x164: {  	s20 =	sshrl.u32 s20, $0x3;
	(pc) =	sbr.rel .LBB2_10-.Ltmp8, $4  }
0x165: {  	s14 =	simm.s32 $0x280;
	s20 =	sadd.s32 s0, s20  }
0x166: {  	[tilespmem:s14], [sflag:$0x1] =	stream.linear.gather [hbm4b:s20+s4], $0x50, $0x38;
	[tilespmem:$0x1F800] =	vst v63  }
0x167: {  	s25 =	simm.s32 $0x680;
	p0 =	por $0x1, $0x1;
	s20 =	sadd.s32 $0x9C40, s20  }
0x168: {  	[tilespmem:s25], [sflag:$0x1] =	stream.linear.gather [hbm4b:s20+s4], $0x50, $0x38;
	[tilespmem:$0x1F800] =	vst v63  }
.LBB2_12:
0x169: {  	_ =	sfence.sel $0x180000  }
0x16a: {  	[bflag:$0x0] =	sbarrier.arrive $0xFFFF  }
0x16b: {  	_ =	strace $0x9000004A  }
0x16c: {  	s0 =	stileid.u32;
	[bflag:$0x2] =	sbarrier.arrive $0xFFFF  }
0x16d: {  	p0 =	sne.s32 s0, $0x0;
	s0 =	rddreg [dreg:$0x3]  }
0x16e: {  	s0 =	sadd.s32 @!p0 $0x100000, s0  }
0x16f: {  	[sflag:s0] =	ssyncadd.tile.s32 @!p0 $0x1;
	_ =	shalt  }
.Lfunc_end2:
_tile_overlayer_lowered:
.L_overlay_start_2:
0x170: {  	(tag) =	ssettag $0x2  }
0x171: {  	s0 =	rddreg [dreg:$0x0];
	s2 =	stileid.u32  }
0x172: {  	s1 =	rddreg [dreg:$0x1];
	p0 =	sne.s32 s2, $0x0  }
0x173: {  	s3 =	rddreg [dreg:$0x2];
	[bflag:$0x3] =	sbarrier.arrive $0xFFFF;
	s2 =	simm.s32 @!p0 $0x1C07  }
0x174: {  	[timem:s3], [sflag:s2] =	dma.local @!p0 [hbm:s0], s1  }
0x175: {  	s0 =	simm.s32 @!p0 $0x7  }
0x176: {  	_ =	swait.ge @!p0 [sflag:s0], s1  }
0x177: {  	s1 =	ssub.s32 @!p0 $0x0, s1;
	[sflag:s0] =	ssyncset.done @!p0 $0x0  }
0x178: {  	[sflag:s0] =	ssyncadd.s32 @!p0 s1  }
0x179: {  	[bflag:$0x3] =	sbarrier.arrive $0xFFFF  }
0x17a: {  	_ =	shalt  }

// kernel: kernel.7.cloned.1.call-start
scs
__scs_entry_jumppad:
0x0: {  	(pc) =	sbr.rel $0x88, $3  }
0x1: {  	(tag) =	ssettag $0x0;
	lr =	simm.s32 $0x1  }
0x2: {  	[smem:$0x3F9B] =	sst lr;
	_ =	strace $0xD0000000  }
0x3: {  	_ = 	snop  }
0x4: {  	_ = 	snop  }
0x5: {  	_ = 	snop  }
0x6: {  	_ = 	snop  }
0x7: {  	_ = 	snop  }
__scs_overlays_trampoline_lowered:
0x8: {  	[smem:$0x3FAA] =	sst s0  }
0x9: {  	[smem:$0x3FAB] =	sst s1  }
0xa: {  	[smem:$0x3FAC] =	sst s2  }
0xb: {  	[smem:$0x3FAD] =	sst s3  }
0xc: {  	[smem:$0x3FAE] =	sst s4  }
0xd: {  	[smem:$0x3FAF] =	sst s5  }
0xe: {  	[smem:$0x3FB0] =	sst s6  }
0xf: {  	[smem:$0x3FB1] =	sst s7  }
0x10: {  	[smem:$0x3FB2] =	sst s8  }
0x11: {  	[smem:$0x3FB3] =	sst s9;
	s0 =	simm.s32 @!p0 $0x0  }
0x12: {  	s1 =	sld [smem:$0x3F99];
	s0 =	simm.s32 @p0 $0x1  }
0x13: {  	[smem:$0x3FB4] =	sst s0;
	s0 =	simm.s32 @!p1 $0x0  }
0x14: {  	s2 =	sld [smem:$0x3F98];
	s0 =	simm.s32 @p1 $0x1  }
0x15: {  	[smem:$0x3FB5] =	sst s0;
	s0 =	simm.s32 @!p2 $0x0  }
0x16: {  	s3 =	sld [smem:$0x3FDB];
	s0 =	simm.s32 @p2 $0x1  }
0x17: {  	s4 =	simm.s32 $0x1BF5;
	[smem:$0x3FB7] =	sst s0  }
0x18: {  	s0 =	sld [smem:$0x3F9A];
	_ =	swait.ge [sflag:s4], $0x0  }
0x19: {  	s7 =	sld [smem:$0x3F9B]  }
0x1a: {  	s8 =	sadd.s32 $0xFFFFE003, lr  }
0x1b: {  	s9 =	sadd.s32 $0xFFFFFEF7, lr;
	s5 =	simm.s32 $0xFFFFFFFF;
	p2 =	slt.u32 s8, $0xFFFFF086  }
0x1c: {  	p1 =	slt.u32 s9, $0xF7A;
	s5 =	simm.s32 @!p2 $0x0  }
0x1d: {  	s5 =	simm.s32 @p1 $0x1;
	p0 =	seq.s32 s7, s2  }
0x1e: {  	s7 =	smul.u32 @!p0 $0xF7A, s2;
	p2 =	seq.s32 @!p0 s5, $0x0  }
0x1f: {  	s9 =	smul.u32 $0xF7A, s1;
	s8 =	simm.s32 @!p0 $0x1BF5;
	p2 =	por !p2, p0  }
0x20: {  	[sflag:s8] =	ssyncset.s32 @!p0 $0xFFFFF086;
	s6 =	sadd.s32 @!p0 s3, s7;
	s7 =	simm.s32 @!p0 $0x108  }
0x21: {  	s3 =	sadd.s32 s3, s9;
	s6 =	sadd.s32 @!p0 $0x88, s6;
	s7 =	simm.s32 @p2 $0x1082  }
0x22: {  	[simem:s7], [sflag:s8] =	dma.local @!p0 [hbm:s6], $0xF7A  }
0x23: {  	s9 =	sor.u32 $0xD0000000, s2;
	s6 =	simm.s32 $0x108;
	_ =	swait.ge @!p0 [sflag:s8], $0x0  }
0x24: {  	s3 =	sadd.s32 $0x88, s3;
	s6 =	simm.s32 @!p1 $0x1082;
	[sflag:s4] =	ssyncset.s32 $0xFFFFF086  }
0x25: {  	[simem:s6], [sflag:s4] =	dma.local [hbm:s3], $0xF7A  }
0x26: {  	[smem:$0x3F9B] =	sst s1;
	(tag) =	ssettag s2;
	_ =	strace s9  }
0x27: {  	s1 =	sld [smem:$0x3FAB]  }
0x28: {  	s2 =	sld [smem:$0x3FAC]  }
0x29: {  	s4 =	sld [smem:$0x3FAE]  }
0x2a: {  	p0 =	seq.s32 s5, $0x0;
	s5 =	sld [smem:$0x3FAF]  }
0x2b: {  	s6 =	sld [smem:$0x3FB0]  }
0x2c: {  	s7 =	sld [smem:$0x3FB1]  }
0x2d: {  	s3 =	simm.s32 $0x108;
	s8 =	sld [smem:$0x3FB2]  }
0x2e: {  	s3 =	simm.s32 @!p0 $0x1082;
	s9 =	sld [smem:$0x3FB3]  }
0x2f: {  	lr =	sadd.s32 s0, s3;
	s0 =	sld [smem:$0x3FAA]  }
0x30: {  	s3 =	sld [smem:$0x3FAD]  }
0x31: {  	[smem:$0x3FB6] =	sst s10  }
0x32: {  	s10 =	sld [smem:$0x3FB4];
	_ =	sdelay $0x3  }
0x33: {  	p0 =	seq.s32 s10, $0x1;
	s10 =	sld [smem:$0x3FB6];
	_ =	sdelay $0x3  }
0x34: {  	[smem:$0x3FB6] =	sst s10  }
0x35: {  	s10 =	sld [smem:$0x3FB5];
	_ =	sdelay $0x3  }
0x36: {  	p1 =	seq.s32 s10, $0x1;
	s10 =	sld [smem:$0x3FB6];
	_ =	sdelay $0x3  }
0x37: {  	[smem:$0x3FB6] =	sst s10  }
0x38: {  	s10 =	sld [smem:$0x3FB7]  }
0x39: {  	_ = 	snop;
	(pc) =	sbr.ind lr, $3  }
0x3a: {  	_ = 	snop  }
0x3b: {  	_ = 	snop  }
0x3c: {  	p2 =	seq.s32 s10, $0x1;
	s10 =	sld [smem:$0x3FB6]  }
0x3d: {  	_ =	shalt  }
0x3e: {  	_ =	shalt  }
0x3f: {  	_ =	shalt  }
0x40: {  	_ =	shalt  }
0x41: {  	_ =	shalt  }
0x42: {  	_ =	shalt  }
0x43: {  	_ =	shalt  }
0x44: {  	_ =	shalt  }
0x45: {  	_ =	shalt  }
0x46: {  	_ =	shalt  }
0x47: {  	_ =	shalt  }
0x48: {  	_ =	shalt  }
0x49: {  	_ =	shalt  }
0x4a: {  	_ =	shalt  }
0x4b: {  	_ =	shalt  }
0x4c: {  	_ =	shalt  }
0x4d: {  	_ =	shalt  }
0x4e: {  	_ =	shalt  }
0x4f: {  	_ =	shalt  }
0x50: {  	_ =	shalt  }
0x51: {  	_ =	shalt  }
0x52: {  	_ =	shalt  }
0x53: {  	_ =	shalt  }
0x54: {  	_ =	shalt  }
0x55: {  	_ =	shalt  }
0x56: {  	_ =	shalt  }
0x57: {  	_ =	shalt  }
0x58: {  	_ =	shalt  }
0x59: {  	_ =	shalt  }
0x5a: {  	_ =	shalt  }
0x5b: {  	_ =	shalt  }
0x5c: {  	_ =	shalt  }
0x5d: {  	_ =	shalt  }
0x5e: {  	_ =	shalt  }
0x5f: {  	_ =	shalt  }
0x60: {  	_ =	shalt  }
0x61: {  	_ =	shalt  }
0x62: {  	_ =	shalt  }
0x63: {  	_ =	shalt  }
0x64: {  	_ =	shalt  }
0x65: {  	_ =	shalt  }
0x66: {  	_ =	shalt  }
0x67: {  	_ =	shalt  }
0x68: {  	_ =	shalt  }
0x69: {  	_ =	shalt  }
0x6a: {  	_ =	shalt  }
0x6b: {  	_ =	shalt  }
0x6c: {  	_ =	shalt  }
0x6d: {  	_ =	shalt  }
0x6e: {  	_ =	shalt  }
0x6f: {  	_ =	shalt  }
0x70: {  	_ =	shalt  }
0x71: {  	_ =	shalt  }
0x72: {  	_ =	shalt  }
0x73: {  	_ =	shalt  }
0x74: {  	_ =	shalt  }
0x75: {  	_ =	shalt  }
0x76: {  	_ =	shalt  }
0x77: {  	_ =	shalt  }
0x78: {  	_ =	shalt  }
0x79: {  	_ =	shalt  }
0x7a: {  	_ =	shalt  }
0x7b: {  	_ =	shalt  }
0x7c: {  	_ =	shalt  }
0x7d: {  	_ =	shalt  }
0x7e: {  	_ =	shalt  }
0x7f: {  	_ =	shalt  }
0x80: {  	_ =	shalt  }
0x81: {  	_ =	shalt  }
0x82: {  	_ =	shalt  }
0x83: {  	_ =	shalt  }
0x84: {  	_ =	shalt  }
0x85: {  	_ =	shalt  }
0x86: {  	_ =	shalt  }
0x87: {  	_ =	shalt  }
.Lfunc_end0:
.L_simem_size_0:
called_computation_lowered:
.L_overlay_start_0:
0x88: {  	s2 =	sld [smem:$0x3FD9]  }
0x89: {  	s3 =	sld [smem:$0x3FFE];
	_ =	sdelay $0x1  }
0x8a: {  	s1 =	srdreg.scid  }
0x8b: {  	s0 =	sand.u32 $0x1, s1  }
0x8c: {  	s17 =	sshll.u32 s0, $0xA;
	s2 =	sadd.s32 s3, s2  }
0x8d: {  	s2 =	sadd.s32 s2, s17  }
0x8e: {  	[smem:$0x3FC2] =	sst s2  }
0x8f: {  	_ = 	snop  }
0x90: {  	s2 =	sld [smem:$0x3FD0];
	(tm) =	ssettm $0x1  }
0x91: {  	s18 =	sld [smem:$0x3FFB];
	_ =	sdelay $0x3  }
0x92: {  	_ =	strace s18  }
0x93: {  	s3 =	sld [smem:$0x3FFC];
	_ =	sdelay $0x3  }
0x94: {  	_ =	strace s3  }
0x95: {  	s3 =	sld [smem:$0x3FFD];
	_ =	sdelay $0x3  }
0x96: {  	_ =	strace s3  }
0x97: {  	_ =	strace $0x8FFFFFFF  }
0x98: {  	s19 =	sld [smem:$0x3FDB];
	_ =	sdelay $0x1  }
0x99: {  	s4 =	simm.s32 $_scs_section_size  }
0x9a: {  	s5 =	simm.s32 $_size__tile_overlayer_lowered;
	s6 =	simm.s32 $_tile_overlayer_lowered  }
0x9b: {  	s22 =	simm.s32 $0x1BFF;
	s21 =	sshll.u32 s6, $0x1;
	s3 =	sadd.s32 s4, s19  }
0x9c: {  	s7 =	simm.s32 $0x0;
	s20 =	sshll.u32 s5, $0x1;
	s5 =	sadd.s32 s21, s3  }
0x9d: {  	[timem:s7], [sflag:s22] =	dma.local [hbm:s5], s20  }
0x9e: {  	_ =	swait.ge [sflag:s22], s20  }
0x9f: {  	s4 =	ssub.s32 $0x0, s20;
	[sflag:s22] =	ssyncset.done $0x0  }
0xa0: {  	[sflag:s22] =	ssyncadd.s32 s4;
	_ =	sdelay $0x1  }
0xa1: {  	s23 =	simm.s32 $0x1B8B  }
0xa2: {  	_ =	swait.ge [sflag:s23], $0x1  }
0xa3: {  	[sflag:s23] =	ssyncset.done $0x0  }
0xa4: {  	s25 =	simm.s32 $0x1B8E;
	s24 =	sld [smem:$0x3FFE];
	[sflag:s23] =	ssyncadd.s32 $0xFFFFFFFF  }
0xa5: {  	s26 =	simm.s32 $execute0_lowered;
	[smem:$0x3FD2] =	sst s25  }
0xa6: {  	s5 =	sshll.u32 s26, $0x1;
	_ =	strace $0x80000046;
	[dreg:$0x1] =	wrdreg $0xFFFFFFFF  }
0xa7: {  	s28 =	simm.s32 $_size_execute0_lowered;
	s3 =	sadd.s32 s3, s5;
	[dreg:$0x0] =	wrdreg $0x0  }
0xa8: {  	s5 =	sshll.u32 s28, $0x1;
	[dreg:$0x2] =	wrdreg s3  }
0xa9: {  	[dreg:$0x3] =	wrdreg s5  }
0xaa: {  	[dreg:$0x4] =	wrdreg $0xC0  }
0xab: {  	_ =	task [dreg:s7], $0x5FFFF  }
0xac: {  	[dreg:$0x1] =	wrdreg $0xFFFFFFFF  }
0xad: {  	[dreg:$0x0] =	wrdreg $0x60  }
0xae: {  	[dreg:$0x2] =	wrdreg s2  }
0xaf: {  	[dreg:$0x3] =	wrdreg s24  }
0xb0: {  	[dreg:$0x4] =	wrdreg $0x7800  }
0xb1: {  	[dreg:$0x5] =	wrdreg $0x9  }
0xb2: {  	_ =	task.clear_ibuf [dreg:s7], $0x6FFFF;
	_ =	strace $0x90000046  }
0xb3: {  	s29 =	simm.s32 $0x9;
	_ =	strace $0x80000048  }
0xb4: {  	_ =	swait.ge [sflag:s29], $0x1  }
0xb5: {  	[sflag:s29] =	ssyncadd.s32 $0xFFFFFFFF  }
0xb6: {  	_ =	strace $0x90000048  }
0xb7: {  	_ =	sfence  }
0xb8: {  	s30 =	sld [smem:$0x0];
	_ =	sdelay $0x2  }
0xb9: {  	s31 =	sshll.u32 s1, $0xD;
	s1 =	sshrl.u32 s1, $0x2  }
0xba: {  	s3 =	sand.u32 $0x4000, s31;
	s1 =	sadd.s32 s1, s30  }
0xbb: {  	s0 =	sor.u32 s3, s0;
	s1 =	sshll.u32 s1, $0x11  }
0xbc: {  	s0 =	sor.u32 s1, s0  }
0xbd: {  	s0 =	sadd.s32 $0x8F2B, s0  }
0xbe: {  	[sflag:s0] =	ssyncadd.remote.s32 $0x1  }
0xbf: {  	_ =	sfence.sel $0xFFFF  }
0xc0: {  	[dreg:$0x0] =	wrdreg $0xFFFFFFFF;
	(pc) =	sbr.abs _section_cstart, $3  }
0xc1: {  	[dreg:$0x1] =	wrdreg $0xFFFFFFFF  }
0xc2: {  	_ =	task.clear_ibuf [dreg:s7], $0x2FFFF;
	_ =	strace $0x9FFFFFFF  }
0xc3: {  	(tm) =	ssettm $0x7FFFFFFF  }
tec
execute0_lowered:
.L_overlay_start_1:
0x0: {  	(tag) =	ssettag $0x1  }
0x1: {  	s10 =	rddreg [dreg:$0x0]  }
0x2: {  	s0 =	rddreg [dreg:$0x1]  }
0x3: {  	s1 =	rddreg [dreg:$0x2];
	s2 =	stileid.u32  }
0x4: {  	s3 =	simm.s32 $0x0;
	s4 =	srdreg.scid;
	s5 =	smul.u32 $0x500, s2  }
0x5: {  	[smem:$0x7FF] =	sst s3;
	s8 =	smul.u32 $0xA00, s2  }
0x6: {  	s4 =	sand.u32 $0x1, s4;
	s6 =	sshll.u32 s2, $0x1;
	s9 =	smul.u32 $0x4E20, s2  }
0x7: {  	s7 =	sshll.u32 s4, $0x7;
	s6 =	sor.u32 s4, s6;
	_ =	strace $0x80000047  }
0x8: {  	s31 =	ssub.s32 $0x2, s4;
	s11 =	smul.u32 $0x2710, s4;
	s5 =	sor.u32 s7, s5  }
0x9: {  	s6 =	smul.u32 $0x2710, s6;
	s2 =	sshrl.u32 s31, $0x1;
	s5 =	sshrl.u32 s5, $0x3  }
0xa: {  	s12 =	ssub.s32 s31, s2;
	s9 =	sadd.s32 s11, s9;
	s0 =	sadd.s32 s5, s0  }
0xb: {  	s5 =	sshrl.u32 s8, $0x2;
	s7 =	sshrl.u32 s6, $0x3;
	s13 =	sadd.s32 $0x4E580, s9  }
0xc: {  	s18 =	sadd.s32 $0x4E680, s9;
	s20 =	sadd.s32 $0x4E600, s9;
	s21 =	sadd.s32 $0x4E480, s9  }
0xd: {  	s25 =	sadd.s32 $0x4E400, s9;
	s28 =	sadd.s32 $0x4E380, s9;
	s4 =	sadd.s32 s5, s1  }
0xe: {  	s8 =	sadd.s32 s10, s7;
	s14 =	sshrl.u32 s13, $0x3;
	s13 =	sadd.s32 $0x4E500, s9  }
0xf: {  	s19 =	sshrl.u32 s18, $0x3;
	s23 =	sshrl.u32 s21, $0x3;
	s26 =	sshrl.u32 s25, $0x3  }
0x10: {  	s9 =	sadd.s32 $0x4E300, s9;
	s18 =	simm.s32 $0x280;
	s21 =	simm.s32 $0x10  }
0x11: {  	s11 =	sadd.s32 $0x9C40, s8;
	s6 =	sadd.s32 $0x9C50, s8;
	s7 =	sadd.s32 $0xA120, s8  }
0x12: {  	s8 =	sadd.s32 $0x2000, s0;
	s15 =	sadd.s32 s14, s10;
	s16 =	sshrl.u32 s13, $0x3  }
0x13: {  	s0 =	sadd.s32 s19, s10;
	s24 =	sadd.s32 s23, s10;
	s30 =	sshrl.u32 s9, $0x3  }
0x14: {  	s9 =	smax.u32 s12, $0x1;
	s12 =	simm.s32 $0x80;
	[dreg:$0xc] =	wrdreg s11  }
0x15: {  	s13 =	simm.s32 $0x100;
	s14 =	simm.s32 $0x1;
	[dreg:$0x4] =	wrdreg s15  }
0x16: {  	s19 =	simm.s32 $0x2;
	s23 =	simm.s32 $0x0;
	[dreg:$0x6] =	wrdreg s0  }
0x17: {  	s17 =	sadd.s32 s16, s10;
	s11 =	sshrl.u32 s20, $0x3;
	[dreg:$0x8] =	wrdreg s24  }
0x18: {  	s0 =	sadd.s32 s26, s10;
	s31 =	sadd.s32 s30, s10;
	[dreg:$0x5] =	wrdreg s17  }
0x19: {  	s15 =	simm.s32 $0x480;
	s16 =	simm.s32 $0x180;
	[dreg:$0x9] =	wrdreg s0  }
0x1a: {  	s22 =	sadd.s32 s11, s10;
	s11 =	sshrl.u32 s28, $0x3;
	[dreg:$0xb] =	wrdreg s31  }
0x1b: {  	s20 =	simm.s32 $0x400;
	[dreg:$0x7] =	wrdreg s22;
	s29 =	sadd.s32 s11, s10  }
0x1c: {  	v0 =	vimm.f32 $1.000000000e+00;
	v1 =	vimm.f32 $0.0e+00;
	s17 =	simm.s32 $0x200;
	s11 =	simm.s32 $0x3;
	[dreg:$0xa] =	wrdreg s29  }
.LBB2_1:
0x1d: {  	[tilespmem:$0x480] =	vst v0  }
0x1e: {  	[tilespmem:$0x490] =	vst v0  }
0x1f: {  	[tilespmem:$0x4A0] =	vst v0  }
0x20: {  	[tilespmem:$0x4B0] =	vst v0  }
0x21: {  	[tilespmem:$0x4C0] =	vst v0  }
0x22: {  	[tilespmem:$0x4D0] =	vst v0  }
0x23: {  	[tilespmem:$0x4E0] =	vst v0  }
0x24: {  	[tilespmem:$0x4F0] =	vst v0  }
0x25: {  	[tilespmem:$0x500] =	vst v1  }
0x26: {  	[tilespmem:$0x510] =	vst v1  }
0x27: {  	[tilespmem:$0x520] =	vst v1  }
0x28: {  	[tilespmem:$0x530] =	vst v1  }
0x29: {  	[tilespmem:$0x540] =	vst v1  }
0x2a: {  	[tilespmem:$0x550] =	vst v1  }
0x2b: {  	[tilespmem:$0x560] =	vst v1  }
0x2c: {  	[tilespmem:$0x570] =	vst v1  }
0x2d: {  	[tilespmem:$0x580] =	vst v1  }
0x2e: {  	[tilespmem:$0x590] =	vst v1  }
0x2f: {  	[tilespmem:$0x5A0] =	vst v1  }
0x30: {  	[tilespmem:$0x5B0] =	vst v1  }
0x31: {  	[tilespmem:$0x5C0] =	vst v1  }
0x32: {  	[tilespmem:$0x5D0] =	vst v1  }
0x33: {  	[tilespmem:$0x5E0] =	vst v1  }
0x34: {  	[tilespmem:$0x5F0] =	vst v1  }
0x35: {  	[tilespmem:$0x600] =	vst v1  }
0x36: {  	[tilespmem:$0x610] =	vst v1  }
0x37: {  	[tilespmem:$0x620] =	vst v1  }
0x38: {  	[tilespmem:$0x630] =	vst v1  }
0x39: {  	[tilespmem:$0x640] =	vst v1  }
0x3a: {  	[tilespmem:$0x650] =	vst v1  }
0x3b: {  	[tilespmem:$0x660] =	vst v1  }
0x3c: {  	[tilespmem:$0x670] =	vst v1  }
0x3d: {  	[tilespmem:$0x680] =	vst v1  }
0x3e: {  	[tilespmem:$0x690] =	vst v1  }
0x3f: {  	[tilespmem:$0x6A0] =	vst v1  }
0x40: {  	[tilespmem:$0x6B0] =	vst v1  }
0x41: {  	[tilespmem:$0x6C0] =	vst v1  }
0x42: {  	[tilespmem:$0x6D0] =	vst v1  }
0x43: {  	[tilespmem:$0x6E0] =	vst v1  }
0x44: {  	[tilespmem:$0x6F0] =	vst v1  }
0x45: {  	[tilespmem:$0x700] =	vst v1  }
0x46: {  	[tilespmem:$0x710] =	vst v1  }
0x47: {  	[tilespmem:$0x720] =	vst v1  }
0x48: {  	[tilespmem:$0x730] =	vst v1  }
0x49: {  	[tilespmem:$0x740] =	vst v1  }
0x4a: {  	[tilespmem:$0x750] =	vst v1  }
0x4b: {  	[tilespmem:$0x760] =	vst v1  }
0x4c: {  	[tilespmem:$0x770] =	vst v1;
	s0 =	simm.s32 $0x500  }
0x4d: {  	[spmem:s4] =	stream.linear.scatter [tilespmem:s0], [sflag:$0x3], $0x280, $0x38;
	[tilespmem:$0xA00] =	vst v63  }
0x4e: {  	_ =	swait.ge [sflag:s11], $0x280  }
0x4f: {  	[sflag:s11] =	ssyncset.done $0x0  }
0x50: {  	[sflag:s11] =	ssyncadd.s32 $0xFFFFFD80  }
0x51: {  	[bflag:$0x0] =	sbarrier.arrive $0xFFFF  }
0x52: {  	p0 =	por $0x1, $0x1;
	s10 =	rddreg [dreg:$0xc]  }
0x53: {  	[tilespmem:s3], [sflag:$0x1] =	stream.linear.gather [hbm4b:s10+s3], $0x80, $0x38;
	[tilespmem:$0xA00] =	vst v63  }
0x54: {  	s0 =	simm.s32 @!p0 $0x2  }
0x55: {  	[tilespmem:s12], [sflag:$0x1] =	stream.linear.gather [hbm4b:s6+s3], $0x80, $0x38;
	[tilespmem:$0xA00] =	vst v63  }
0x56: {  	_ =	swait.ge @!p0 [sflag:s0], $0x80  }
0x57: {  	s24 =	rddreg [dreg:$0xb];
	[sflag:s0] =	ssyncset.done @!p0 $0x0  }
0x58: {  	[sflag:s0] =	ssyncadd.s32 @!p0 $0xFFFFFF80;
	s24 =	sadd.s32 $0x0, s24  }
0x59: {  	[tilespmem:s13], [sflag:$0x1] =	stream.linear.gather [hbm4b:s24+s3], $0x80, $0x38;
	[tilespmem:$0xA00] =	vst v63  }
0x5a: {  	_ =	swait.ge [sflag:s14], $0x80  }
0x5b: {  	[sflag:s14] =	ssyncset.done $0x0  }
0x5c: {  	[sflag:s14] =	ssyncadd.s32 $0xFFFFFF80  }
0x5d: {  	[spmem:s1] =	stream.indirect.scatter.add.f32 [tilespmem:s15], [sflag:$0x2], $0x1, s3, s12, $0xb8;
	[tilespmem:$0xA00] =	vst v63  }
0x5e: {  	_ =	swait.ge @!p0 [sflag:s0], $0x80  }
0x5f: {  	s22 =	rddreg [dreg:$0xa];
	[sflag:s0] =	ssyncset.done @!p0 $0x0  }
0x60: {  	[sflag:s0] =	ssyncadd.s32 @!p0 $0xFFFFFF80;
	s24 =	sadd.s32 $0x0, s22  }
0x61: {  	[tilespmem:s16], [sflag:$0x1] =	stream.linear.gather [hbm4b:s24+s3], $0x80, $0x38;
	[tilespmem:$0xA00] =	vst v63  }
0x62: {  	_ =	swait.ge [sflag:s14], $0x80  }
0x63: {  	p0 =	por $0x1, $0x1;
	[sflag:s14] =	ssyncset.done $0x0  }
0x64: {  	s0 =	simm.s32 @!p0 $0x2;
	[sflag:s14] =	ssyncadd.s32 $0xFFFFFF80  }
0x65: {  	[spmem:s1] =	stream.indirect.scatter.add.f32 [tilespmem:s15], [sflag:$0x2], $0x1, s12, s12, $0xb8;
	[tilespmem:$0xA00] =	vst v63  }
0x66: {  	_ =	swait.ge @!p0 [sflag:s0], $0x80  }
0x67: {  	s25 =	rddreg [dreg:$0x9];
	[sflag:s0] =	ssyncset.done @!p0 $0x0  }
0x68: {  	[sflag:s0] =	ssyncadd.s32 @!p0 $0xFFFFFF80;
	s24 =	sadd.s32 $0x0, s25  }
0x69: {  	[tilespmem:s17], [sflag:$0x1] =	stream.linear.gather [hbm4b:s24+s3], $0x80, $0x38;
	[tilespmem:$0xA00] =	vst v63  }
0x6a: {  	_ =	swait.ge [sflag:s14], $0x80  }
0x6b: {  	[sflag:s14] =	ssyncset.done $0x0  }
0x6c: {  	[sflag:s14] =	ssyncadd.s32 $0xFFFFFF80  }
0x6d: {  	[spmem:s1] =	stream.indirect.scatter.add.f32 [tilespmem:s15], [sflag:$0x2], $0x1, s13, s12, $0xb8;
	[tilespmem:$0xA00] =	vst v63  }
0x6e: {  	_ =	swait.ge @!p0 [sflag:s0], $0x80  }
0x6f: {  	s26 =	rddreg [dreg:$0x8];
	[sflag:s0] =	ssyncset.done @!p0 $0x0  }
0x70: {  	[sflag:s0] =	ssyncadd.s32 @!p0 $0xFFFFFF80;
	s28 =	sadd.s32 $0x0, s26  }
0x71: {  	[tilespmem:s18], [sflag:$0x1] =	stream.linear.gather [hbm4b:s28+s3], $0x80, $0x38;
	[tilespmem:$0xA00] =	vst v63  }
0x72: {  	_ =	swait.ge [sflag:s14], $0x80  }
0x73: {  	[sflag:s14] =	ssyncset.done $0x0  }
0x74: {  	[sflag:s14] =	ssyncadd.s32 $0xFFFFFF80  }
0x75: {  	[spmem:s1] =	stream.indirect.scatter.add.f32 [tilespmem:s15], [sflag:$0x2], $0x1, s16, s12, $0xb8;
	[tilespmem:$0xA00] =	vst v63  }
0x76: {  	p0 =	por $0x0, $0x0;
	_ =	swait.ge [sflag:s19], $0x80  }
0x77: {  	s24 =	simm.s32 @!p0 $0x0;
	s0 =	rddreg [dreg:$0x5];
	[sflag:s19] =	ssyncset.done $0x0  }
0x78: {  	s25 =	simm.s32 @!p0 $0x300;
	[sflag:s19] =	ssyncadd.s32 $0xFFFFFF80;
	s0 =	sadd.s32 @!p0 $0x0, s0  }
0x79: {  	[tilespmem:s25], [sflag:$0x1] =	stream.linear.gather @!p0 [hbm4b:s0+s24], $0x80, $0x38;
	[tilespmem:$0xA00] =	vst v63  }
0x7a: {  	_ =	swait.ge [sflag:s14], $0x80  }
0x7b: {  	[sflag:s14] =	ssyncset.done $0x0  }
0x7c: {  	[sflag:s14] =	ssyncadd.s32 $0xFFFFFF80  }
0x7d: {  	[spmem:s1] =	stream.indirect.scatter.add.f32 [tilespmem:s15], [sflag:$0x2], $0x1, s17, s12, $0xb8;
	[tilespmem:$0xA00] =	vst v63  }
0x7e: {  	p1 =	por $0x0, $0x0;
	_ =	swait.ge [sflag:s19], $0x80  }
0x7f: {  	s29 =	simm.s32 @!p1 $0x380;
	s0 =	rddreg [dreg:$0x4];
	[sflag:s19] =	ssyncset.done $0x0  }
0x80: {  	s24 =	simm.s32 @!p1 $0x0;
	[sflag:s19] =	ssyncadd.s32 $0xFFFFFF80;
	s0 =	sadd.s32 @!p1 $0x0, s0  }
0x81: {  	[tilespmem:s29], [sflag:$0x1] =	stream.linear.gather @!p1 [hbm4b:s0+s24], $0x80, $0x38;
	[tilespmem:$0xA00] =	vst v63  }
0x82: {  	_ =	swait.ge [sflag:s14], $0x80  }
0x83: {  	[sflag:s14] =	ssyncset.done $0x0  }
0x84: {  	[sflag:s14] =	ssyncadd.s32 $0xFFFFFF80  }
0x85: {  	[spmem:s1] =	stream.indirect.scatter.add.f32 [tilespmem:s15], [sflag:$0x2], $0x1, s18, s12, $0xb8;
	[tilespmem:$0xA00] =	vst v63  }
0x86: {  	p2 =	por $0x0, $0x0;
	_ =	swait.ge [sflag:s19], $0x80  }
0x87: {  	s28 =	simm.s32 @!p2 $0x0;
	s0 =	rddreg [dreg:$0x7];
	[sflag:s19] =	ssyncset.done $0x0  }
0x88: {  	s24 =	simm.s32 @!p0 $0x1;
	[sflag:s19] =	ssyncadd.s32 $0xFFFFFF80;
	s0 =	sadd.s32 @!p2 $0x0, s0  }
0x89: {  	[tilespmem:s28], [sflag:$0x1] =	stream.linear.gather @!p2 [hbm4b:s0+s28], $0x80, $0x38;
	[tilespmem:$0xA00] =	vst v63  }
0x8a: {  	_ =	swait.ge @!p0 [sflag:s24], $0x80  }
0x8b: {  	[sflag:s24] =	ssyncset.done @!p0 $0x0  }
0x8c: {  	s26 =	simm.s32 @!p0 $0x480;
	s0 =	simm.s32 @!p0 $0x80;
	[sflag:s24] =	ssyncadd.s32 @!p0 $0xFFFFFF80  }
0x8d: {  	[spmem:s1] =	stream.indirect.scatter.add.f32 @!p0 [tilespmem:s26], [sflag:$0x2], $0x1, s25, s0, $0xb8;
	[tilespmem:$0xA00] =	vst v63  }
0x8e: {  	s30 =	simm.s32 @!p1 $0x80;
	_ =	swait.ge [sflag:s19], $0x80  }
0x8f: {  	s31 =	simm.s32 @!p1 $0x480;
	s0 =	rddreg [dreg:$0x6];
	[sflag:s19] =	ssyncset.done $0x0  }
0x90: {  	s25 =	simm.s32 @!p2 $0x80;
	[sflag:s19] =	ssyncadd.s32 $0xFFFFFF80;
	s0 =	sadd.s32 @!p2 $0x0, s0  }
0x91: {  	[tilespmem:s25], [sflag:$0x1] =	stream.linear.gather @!p2 [hbm4b:s0+s28], $0x80, $0x38;
	[tilespmem:$0xA00] =	vst v63  }
0x92: {  	s24 =	simm.s32 $0x80;
	s26 =	simm.s32 $0x100;
	s0 =	simm.s32 @!p1 $0x1  }
0x93: {  	s25 =	simm.s32 $0xF;
	p2 =	por $0x0, $0x0;
	_ =	swait.ge @!p1 [sflag:s0], $0x80  }
.LBB2_2:
0x94: {  	[sflag:s0] =	ssyncset.done @!p1 $0x0  }
0x95: {  	s10 =	simm.s32 @!p2 $0x2;
	[sflag:s0] =	ssyncadd.s32 @!p1 $0xFFFFFF80  }
0x96: {  	[spmem:s1] =	stream.indirect.scatter.add.f32 @!p1 [tilespmem:s31], [sflag:$0x2], $0x1, s29, s30, $0xb8;
	[tilespmem:$0xA00] =	vst v63  }
0x97: {  	_ =	swait.ge @!p2 [sflag:s10], $0x80  }
0x98: {  	[sflag:s10] =	ssyncset.done @!p2 $0x0;
	s2 =	rddreg [dreg:$0xb]  }
0x99: {  	[sflag:s10] =	ssyncadd.s32 @!p2 $0xFFFFFF80;
	s0 =	sadd.s32 s24, s2  }
0x9a: {  	[tilespmem:s13], [sflag:$0x1] =	stream.linear.gather [hbm4b:s0+s3], $0x80, $0x38;
	[tilespmem:$0xA00] =	vst v63  }
0x9b: {  	_ =	swait.ge [sflag:s14], $0x80  }
0x9c: {  	[sflag:s14] =	ssyncset.done $0x0  }
0x9d: {  	[sflag:s14] =	ssyncadd.s32 $0xFFFFFF80  }
0x9e: {  	[spmem:s1] =	stream.indirect.scatter.add.f32 [tilespmem:s15], [sflag:$0x2], $0x1, s3, s12, $0xb8;
	[tilespmem:$0xA00] =	vst v63  }
0x9f: {  	_ =	swait.ge @!p2 [sflag:s10], $0x80  }
0xa0: {  	[sflag:s10] =	ssyncset.done @!p2 $0x0;
	s5 =	rddreg [dreg:$0xa]  }
0xa1: {  	[sflag:s10] =	ssyncadd.s32 @!p2 $0xFFFFFF80;
	s0 =	sadd.s32 s24, s5  }
0xa2: {  	[tilespmem:s16], [sflag:$0x1] =	stream.linear.gather [hbm4b:s0+s3], $0x80, $0x38;
	[tilespmem:$0xA00] =	vst v63  }
0xa3: {  	s22 =	sadd.s32 $0xFFFFFFF7, s25;
	_ =	swait.ge [sflag:s14], $0x80  }
0xa4: {  	p1 =	sgt.u32 s22, $0x4D;
	[sflag:s14] =	ssyncset.done $0x0  }
0xa5: {  	s0 =	simm.s32 @!p1 $0x2;
	[sflag:s14] =	ssyncadd.s32 $0xFFFFFF80  }
0xa6: {  	[spmem:s1] =	stream.indirect.scatter.add.f32 [tilespmem:s15], [sflag:$0x2], $0x1, s12, s12, $0xb8;
	[tilespmem:$0xA00] =	vst v63  }
0xa7: {  	_ =	swait.ge @!p1 [sflag:s0], $0x80  }
0xa8: {  	[sflag:s0] =	ssyncset.done @!p1 $0x0;
	s2 =	rddreg [dreg:$0x9]  }
0xa9: {  	[sflag:s0] =	ssyncadd.s32 @!p1 $0xFFFFFF80;
	s10 =	sadd.s32 s24, s2  }
0xaa: {  	[tilespmem:s17], [sflag:$0x1] =	stream.linear.gather [hbm4b:s10+s3], $0x80, $0x38;
	[tilespmem:$0xA00] =	vst v63  }
0xab: {  	_ =	swait.ge [sflag:s14], $0x80  }
0xac: {  	[sflag:s14] =	ssyncset.done $0x0  }
0xad: {  	[sflag:s14] =	ssyncadd.s32 $0xFFFFFF80  }
0xae: {  	[spmem:s1] =	stream.indirect.scatter.add.f32 [tilespmem:s15], [sflag:$0x2], $0x1, s13, s12, $0xb8;
	[tilespmem:$0xA00] =	vst v63  }
0xaf: {  	_ =	swait.ge @!p1 [sflag:s0], $0x80  }
0xb0: {  	[sflag:s0] =	ssyncset.done @!p1 $0x0;
	s5 =	rddreg [dreg:$0x8]  }
0xb1: {  	[sflag:s0] =	ssyncadd.s32 @!p1 $0xFFFFFF80;
	s10 =	sadd.s32 s24, s5  }
0xb2: {  	[tilespmem:s18], [sflag:$0x1] =	stream.linear.gather [hbm4b:s10+s3], $0x80, $0x38;
	[tilespmem:$0xA00] =	vst v63  }
0xb3: {  	_ =	swait.ge [sflag:s14], $0x80  }
0xb4: {  	[sflag:s14] =	ssyncset.done $0x0  }
0xb5: {  	s22 =	sadd.s32 $0xFFFFFFFF, s25;
	[sflag:s14] =	ssyncadd.s32 $0xFFFFFF80  }
0xb6: {  	[spmem:s1] =	stream.indirect.scatter.add.f32 [tilespmem:s15], [sflag:$0x2], $0x1, s16, s12, $0xb8;
	[tilespmem:$0xA00] =	vst v63  }
0xb7: {  	p2 =	sgt.u32 s22, $0x4D;
	_ =	swait.ge [sflag:s19], $0x80  }
0xb8: {  	s2 =	simm.s32 @!p2 $0x300;
	s10 =	rddreg [dreg:$0x5];
	[sflag:s19] =	ssyncset.done $0x0  }
0xb9: {  	s0 =	simm.s32 @!p2 $0x0;
	[sflag:s19] =	ssyncadd.s32 $0xFFFFFF80;
	s10 =	sadd.s32 @!p2 s24, s10  }
0xba: {  	[tilespmem:s2], [sflag:$0x1] =	stream.linear.gather @!p2 [hbm4b:s10+s0], $0x80, $0x38;
	[tilespmem:$0xA00] =	vst v63  }
0xbb: {  	_ =	swait.ge [sflag:s14], $0x80  }
0xbc: {  	[sflag:s14] =	ssyncset.done $0x0  }
0xbd: {  	[sflag:s14] =	ssyncadd.s32 $0xFFFFFF80  }
0xbe: {  	[spmem:s1] =	stream.indirect.scatter.add.f32 [tilespmem:s15], [sflag:$0x2], $0x1, s17, s12, $0xb8;
	[tilespmem:$0xA00] =	vst v63  }
0xbf: {  	p1 =	sgt.u32 s25, $0x4D;
	_ =	swait.ge [sflag:s19], $0x80  }
0xc0: {  	s29 =	simm.s32 @!p1 $0x380;
	s0 =	rddreg [dreg:$0x4];
	[sflag:s19] =	ssyncset.done $0x0  }
0xc1: {  	s10 =	simm.s32 @!p1 $0x0;
	[sflag:s19] =	ssyncadd.s32 $0xFFFFFF80;
	s0 =	sadd.s32 @!p1 s24, s0  }
0xc2: {  	[tilespmem:s29], [sflag:$0x1] =	stream.linear.gather @!p1 [hbm4b:s0+s10], $0x80, $0x38;
	[tilespmem:$0xA00] =	vst v63  }
0xc3: {  	_ =	swait.ge [sflag:s14], $0x80  }
0xc4: {  	[sflag:s14] =	ssyncset.done $0x0  }
0xc5: {  	s28 =	smov.u32 s26;
	[sflag:s14] =	ssyncadd.s32 $0xFFFFFF80  }
0xc6: {  	[spmem:s1] =	stream.indirect.scatter.add.f32 [tilespmem:s15], [sflag:$0x2], $0x1, s18, s12, $0xb8;
	[tilespmem:$0xA00] =	vst v63  }
0xc7: {  	s26 =	sadd.s32 $0x80, s26;
	p3 =	seq.s32 s24, $0x480;
	_ =	swait.ge [sflag:s19], $0x80  }
0xc8: {  	s22 =	simm.s32 @!p2 $0x1;
	s0 =	rddreg [dreg:$0x7];
	[sflag:s19] =	ssyncset.done $0x0  }
0xc9: {  	s10 =	simm.s32 @!p3 $0x0;
	[sflag:s19] =	ssyncadd.s32 $0xFFFFFF80;
	s0 =	sadd.s32 @!p3 s24, s0  }
0xca: {  	[tilespmem:s10], [sflag:$0x1] =	stream.linear.gather @!p3 [hbm4b:s0+s10], $0x80, $0x38;
	[tilespmem:$0xA00] =	vst v63  }
0xcb: {  	p0 =	sne.s32 s26, $0x500;
	s5 =	simm.s32 @!p2 $0x480;
	_ =	swait.ge @!p2 [sflag:s22], $0x80  }
0xcc: {  	s25 =	sadd.s32 $0x8, s25;
	s30 =	simm.s32 @!p1 $0x80;
	[sflag:s22] =	ssyncset.done @!p2 $0x0  }
0xcd: {  	s31 =	simm.s32 @!p1 $0x480;
	s0 =	simm.s32 @!p2 $0x80;
	[sflag:s22] =	ssyncadd.s32 @!p2 $0xFFFFFF80  }
0xce: {  	[spmem:s1] =	stream.indirect.scatter.add.f32 @!p2 [tilespmem:s5], [sflag:$0x2], $0x1, s2, s0, $0xb8;
	[tilespmem:$0xA00] =	vst v63  }
.Ltmp0:
0xcf: {  	s2 =	simm.s32 @!p3 $0x80;
	_ =	swait.ge [sflag:s19], $0x80;
	(pc) =	sbr.rel @p0 .LBB2_2-.Ltmp0, $4  }
0xd0: {  	s5 =	sadd.s32 $0xFFFFFFF5, s25;
	s0 =	rddreg [dreg:$0x6];
	[sflag:s19] =	ssyncset.done $0x0  }
0xd1: {  	[sflag:s19] =	ssyncadd.s32 $0xFFFFFF80;
	s22 =	sadd.s32 @!p3 s24, s0;
	s0 =	simm.s32 @!p1 $0x1  }
0xd2: {  	[tilespmem:s2], [sflag:$0x1] =	stream.linear.gather @!p3 [hbm4b:s22+s10], $0x80, $0x38;
	[tilespmem:$0xA00] =	vst v63  }
0xd3: {  	p2 =	sgt.u32 s5, $0x4D;
	s24 =	smov.u32 s28;
	_ =	swait.ge @!p1 [sflag:s0], $0x80  }
0xd4: {  	[sflag:s0] =	ssyncset.done @!p1 $0x0  }
0xd5: {  	[sflag:s0] =	ssyncadd.s32 @!p1 $0xFFFFFF80;
	s0 =	simm.s32 @!p2 $0x2  }
0xd6: {  	[spmem:s1] =	stream.indirect.scatter.add.f32 @!p1 [tilespmem:s31], [sflag:$0x2], $0x1, s29, s30, $0xb8;
	[tilespmem:$0xA00] =	vst v63  }
0xd7: {  	_ =	swait.ge @!p2 [sflag:s0], $0x80  }
0xd8: {  	s2 =	rddreg [dreg:$0xb];
	[sflag:s0] =	ssyncset.done @!p2 $0x0  }
0xd9: {  	[sflag:s0] =	ssyncadd.s32 @!p2 $0xFFFFFF80;
	s2 =	sadd.s32 s24, s2  }
0xda: {  	[tilespmem:s13], [sflag:$0x1] =	stream.linear.gather [hbm4b:s2+s3], $0x80, $0x38;
	[tilespmem:$0xA00] =	vst v63  }
0xdb: {  	_ =	swait.ge [sflag:s14], $0x80  }
0xdc: {  	[sflag:s14] =	ssyncset.done $0x0  }
0xdd: {  	[sflag:s14] =	ssyncadd.s32 $0xFFFFFF80  }
0xde: {  	[spmem:s1] =	stream.indirect.scatter.add.f32 [tilespmem:s15], [sflag:$0x2], $0x1, s3, s12, $0xb8;
	[tilespmem:$0xA00] =	vst v63  }
0xdf: {  	_ =	swait.ge @!p2 [sflag:s0], $0x80  }
0xe0: {  	s31 =	rddreg [dreg:$0xa];
	[sflag:s0] =	ssyncset.done @!p2 $0x0  }
0xe1: {  	[sflag:s0] =	ssyncadd.s32 @!p2 $0xFFFFFF80;
	s2 =	sadd.s32 s24, s31  }
0xe2: {  	[tilespmem:s16], [sflag:$0x1] =	stream.linear.gather [hbm4b:s2+s3], $0x80, $0x38;
	[tilespmem:$0xA00] =	vst v63  }
0xe3: {  	s5 =	sadd.s32 $0xFFFFFFF7, s25;
	_ =	swait.ge [sflag:s14], $0x80  }
0xe4: {  	p0 =	sgt.u32 s5, $0x4D;
	[sflag:s14] =	ssyncset.done $0x0  }
0xe5: {  	s0 =	simm.s32 @!p0 $0x2;
	[sflag:s14] =	ssyncadd.s32 $0xFFFFFF80  }
0xe6: {  	[spmem:s1] =	stream.indirect.scatter.add.f32 [tilespmem:s15], [sflag:$0x2], $0x1, s12, s12, $0xb8;
	[tilespmem:$0xA00] =	vst v63  }
0xe7: {  	_ =	swait.ge @!p0 [sflag:s0], $0x80  }
0xe8: {  	s10 =	rddreg [dreg:$0x9];
	[sflag:s0] =	ssyncset.done @!p0 $0x0  }
0xe9: {  	[sflag:s0] =	ssyncadd.s32 @!p0 $0xFFFFFF80;
	s2 =	sadd.s32 s24, s10  }
0xea: {  	[tilespmem:s17], [sflag:$0x1] =	stream.linear.gather [hbm4b:s2+s3], $0x80, $0x38;
	[tilespmem:$0xA00] =	vst v63  }
0xeb: {  	_ =	swait.ge [sflag:s14], $0x80  }
0xec: {  	[sflag:s14] =	ssyncset.done $0x0  }
0xed: {  	[sflag:s14] =	ssyncadd.s32 $0xFFFFFF80  }
0xee: {  	[spmem:s1] =	stream.indirect.scatter.add.f32 [tilespmem:s15], [sflag:$0x2], $0x1, s13, s12, $0xb8;
	[tilespmem:$0xA00] =	vst v63  }
0xef: {  	_ =	swait.ge @!p0 [sflag:s0], $0x80  }
0xf0: {  	s22 =	rddreg [dreg:$0x8];
	[sflag:s0] =	ssyncset.done @!p0 $0x0  }
0xf1: {  	[sflag:s0] =	ssyncadd.s32 @!p0 $0xFFFFFF80;
	s26 =	sadd.s32 s24, s22  }
0xf2: {  	[tilespmem:s18], [sflag:$0x1] =	stream.linear.gather [hbm4b:s26+s3], $0x80, $0x38;
	[tilespmem:$0xA00] =	vst v63  }
0xf3: {  	_ =	swait.ge [sflag:s14], $0x80  }
0xf4: {  	[sflag:s14] =	ssyncset.done $0x0  }
0xf5: {  	s28 =	sadd.s32 $0xFFFFFFFF, s25;
	[sflag:s14] =	ssyncadd.s32 $0xFFFFFF80  }
0xf6: {  	[spmem:s1] =	stream.indirect.scatter.add.f32 [tilespmem:s15], [sflag:$0x2], $0x1, s16, s12, $0xb8;
	[tilespmem:$0xA00] =	vst v63  }
0xf7: {  	p1 =	sgt.u32 s28, $0x4D;
	_ =	swait.ge [sflag:s19], $0x80  }
0xf8: {  	s5 =	simm.s32 @!p1 $0x300;
	s0 =	rddreg [dreg:$0x5];
	[sflag:s19] =	ssyncset.done $0x0  }
0xf9: {  	s2 =	simm.s32 @!p1 $0x0;
	[sflag:s19] =	ssyncadd.s32 $0xFFFFFF80;
	s0 =	sadd.s32 @!p1 s24, s0  }
0xfa: {  	[tilespmem:s5], [sflag:$0x1] =	stream.linear.gather @!p1 [hbm4b:s0+s2], $0x80, $0x38;
	[tilespmem:$0xA00] =	vst v63  }
0xfb: {  	_ =	swait.ge [sflag:s14], $0x80  }
0xfc: {  	[sflag:s14] =	ssyncset.done $0x0  }
0xfd: {  	[sflag:s14] =	ssyncadd.s32 $0xFFFFFF80  }
0xfe: {  	[spmem:s1] =	stream.indirect.scatter.add.f32 [tilespmem:s15], [sflag:$0x2], $0x1, s17, s12, $0xb8;
	[tilespmem:$0xA00] =	vst v63  }
0xff: {  	p0 =	sgt.u32 s25, $0x4D;
	_ =	swait.ge [sflag:s19], $0x80  }
0x100: {  	s10 =	simm.s32 @!p0 $0x380;
	s0 =	rddreg [dreg:$0x4];
	[sflag:s19] =	ssyncset.done $0x0  }
0x101: {  	s2 =	simm.s32 @!p0 $0x0;
	[sflag:s19] =	ssyncadd.s32 $0xFFFFFF80;
	s0 =	sadd.s32 @!p0 s24, s0  }
0x102: {  	[tilespmem:s10], [sflag:$0x1] =	stream.linear.gather @!p0 [hbm4b:s0+s2], $0x80, $0x38;
	[tilespmem:$0xA00] =	vst v63  }
0x103: {  	_ =	swait.ge [sflag:s14], $0x80  }
0x104: {  	[sflag:s14] =	ssyncset.done $0x0  }
0x105: {  	[sflag:s14] =	ssyncadd.s32 $0xFFFFFF80  }
0x106: {  	[spmem:s1] =	stream.indirect.scatter.add.f32 [tilespmem:s15], [sflag:$0x2], $0x1, s18, s12, $0xb8;
	[tilespmem:$0xA00] =	vst v63  }
0x107: {  	p2 =	seq.s32 s24, $0x480;
	_ =	swait.ge [sflag:s19], $0x80  }
0x108: {  	s22 =	simm.s32 @!p1 $0x1;
	s0 =	rddreg [dreg:$0x7];
	[sflag:s19] =	ssyncset.done $0x0  }
0x109: {  	s2 =	simm.s32 @!p2 $0x0;
	[sflag:s19] =	ssyncadd.s32 $0xFFFFFF80;
	s0 =	sadd.s32 @!p2 s24, s0  }
0x10a: {  	[tilespmem:s2], [sflag:$0x1] =	stream.linear.gather @!p2 [hbm4b:s0+s2], $0x80, $0x38;
	[tilespmem:$0xA00] =	vst v63  }
0x10b: {  	_ =	swait.ge @!p1 [sflag:s22], $0x80  }
0x10c: {  	[sflag:s22] =	ssyncset.done @!p1 $0x0  }
0x10d: {  	s0 =	simm.s32 @!p1 $0x80;
	[sflag:s22] =	ssyncadd.s32 @!p1 $0xFFFFFF80;
	s22 =	simm.s32 @!p1 $0x480  }
0x10e: {  	[spmem:s1] =	stream.indirect.scatter.add.f32 @!p1 [tilespmem:s22], [sflag:$0x2], $0x1, s5, s0, $0xb8;
	[tilespmem:$0xA00] =	vst v63  }
0x10f: {  	_ =	swait.ge [sflag:s19], $0x80  }
0x110: {  	s0 =	rddreg [dreg:$0x6];
	[sflag:s19] =	ssyncset.done $0x0  }
0x111: {  	s5 =	simm.s32 @!p2 $0x80;
	[sflag:s19] =	ssyncadd.s32 $0xFFFFFF80;
	s0 =	sadd.s32 @!p2 s24, s0  }
0x112: {  	[tilespmem:s5], [sflag:$0x1] =	stream.linear.gather @!p2 [hbm4b:s0+s2], $0x80, $0x38;
	[tilespmem:$0xA00] =	vst v63  }
0x113: {  	s0 =	simm.s32 @!p0 $0x1  }
0x114: {  	_ =	swait.ge @!p0 [sflag:s0], $0x80  }
0x115: {  	[sflag:s0] =	ssyncset.done @!p0 $0x0  }
0x116: {  	s2 =	simm.s32 @!p0 $0x80;
	[sflag:s0] =	ssyncadd.s32 @!p0 $0xFFFFFF80;
	s0 =	simm.s32 @!p0 $0x480  }
0x117: {  	[spmem:s1] =	stream.indirect.scatter.add.f32 @!p0 [tilespmem:s0], [sflag:$0x2], $0x1, s10, s2, $0xb8;
	[tilespmem:$0xA00] =	vst v63  }
0x118: {  	_ =	swait.ge [sflag:s19], $0x80  }
0x119: {  	[sflag:s19] =	ssyncset.done $0x0  }
0x11a: {  	[sflag:s19] =	ssyncadd.s32 $0xFFFFFF80  }
0x11b: {  	_ =	swait.ge [sflag:s19], $0x80  }
0x11c: {  	[sflag:s19] =	ssyncset.done $0x0  }
0x11d: {  	[sflag:s19] =	ssyncadd.s32 $0xFFFFFF80  }
0x11e: {  	[tilespmem:s20], [sflag:$0x3] =	stream.linear.gather [hbm4b:s7+s3], $0x10, $0x38;
	[tilespmem:$0xA00] =	vst v63  }
0x11f: {  	_ =	swait.ge [sflag:s11], $0x10  }
0x120: {  	[sflag:s11] =	ssyncset.done $0x0  }
0x121: {  	[sflag:s11] =	ssyncadd.s32 $0xFFFFFFF0  }
0x122: {  	[spmem:s1] =	stream.indirect.scatter.add.f32 [tilespmem:s15], [sflag:$0x3], $0x1, s20, s21, $0xb8;
	[tilespmem:$0xA00] =	vst v63  }
0x123: {  	s23 =	sadd.s32 $0x1, s23;
	s29 =	stileid.u32;
	_ =	swait.ge [sflag:s11], $0x10  }
0x124: {  	s30 =	sshrl.u32 s4, $0x3;
	s31 =	simm.s32 $0x20;
	[sflag:s11] =	ssyncset.done $0x0  }
0x125: {  	s0 =	sshll.u32 s29, $0x6;
	p0 =	sne.s32 s23, s9;
	[sflag:s11] =	ssyncadd.s32 $0xFFFFFFF0  }
.Ltmp1:
0x126: {  	s0 =	sor.u32 $0x1C03, s0;
	[bflag:$0x0] =	sbarrier.arrive $0xFFFF;
	(pc) =	sbr.rel @p0 .LBB2_1-.Ltmp1, $4  }
0x127: {  	[hbm:s8@s31], [sflag:s0] =	dma.strided [spmem:s30@s21], $0x50, s14, $0x10   }
0x128: {  	_ =	swait.ge [sflag:s11], $0x50  }
0x129: {  	[sflag:s11] =	ssyncset.done $0x0  }
0x12a: {  	[sflag:s11] =	ssyncadd.s32 $0xFFFFFFB0  }
0x12b: {  	_ =	sfence.sel $0x180000  }
0x12c: {  	[bflag:$0x0] =	sbarrier.arrive $0xFFFF  }
0x12d: {  	_ =	strace $0x90000047  }
0x12e: {  	s0 =	stileid.u32;
	[bflag:$0x2] =	sbarrier.arrive $0xFFFF  }
0x12f: {  	p0 =	sne.s32 s0, $0x0;
	s0 =	rddreg [dreg:$0x3]  }
0x130: {  	s0 =	sadd.s32 @!p0 $0x100000, s0  }
0x131: {  	[sflag:s0] =	ssyncadd.tile.s32 @!p0 $0x1;
	_ =	shalt  }
.Lfunc_end2:
_tile_overlayer_lowered:
.L_overlay_start_2:
0x132: {  	(tag) =	ssettag $0x2  }
0x133: {  	s0 =	rddreg [dreg:$0x0];
	s2 =	stileid.u32  }
0x134: {  	s1 =	rddreg [dreg:$0x1];
	p0 =	sne.s32 s2, $0x0  }
0x135: {  	s3 =	rddreg [dreg:$0x2];
	[bflag:$0x3] =	sbarrier.arrive $0xFFFF;
	s2 =	simm.s32 @!p0 $0x1C03  }
0x136: {  	[timem:s3], [sflag:s2] =	dma.local @!p0 [hbm:s0], s1  }
0x137: {  	s0 =	simm.s32 @!p0 $0x3  }
0x138: {  	_ =	swait.ge @!p0 [sflag:s0], s1  }
0x139: {  	s1 =	ssub.s32 @!p0 $0x0, s1;
	[sflag:s0] =	ssyncset.done @!p0 $0x0  }
0x13a: {  	[sflag:s0] =	ssyncadd.s32 @!p0 s1  }
0x13b: {  	[bflag:$0x3] =	sbarrier.arrive $0xFFFF  }
0x13c: {  	_ =	shalt  }

</sc_bundles>
